<compile_context>
chip_gen: v7x
topology: tpu7x:2x2x1
jax: 0.10.2.dev20260603
libtpu: 0.0.44.dev20260713+nightly
codegen_flags: <defaults>
</compile_context>

<pallas_src>
import functools

import jax
import jax.numpy as jnp
from jax import lax
from jax.experimental import pallas as pl
from jax.experimental.pallas import tpu as pltpu
from jax.experimental.pallas import tpu_sc as plsc

N_REL = 100000
N_OBJ = 20000
REL_CLS = 51
OBJ_CLS = 151
PCLS = 64

_OBJ_BR = 4000
_REL_BR = 5000

NPAD = 102400
NW = 16
CW = NPAD // NW
VPB = CW // 16
BINS = 1024
MAXB = 0x3F800000
PADKEY = 0x3FFFFFFF

GW = 32
GCW = NPAD // GW



def _scores_from_softmax(x, ncls):
    m = jnp.max(x, axis=1, keepdims=True)
    e = jnp.exp(x - m)
    s = jnp.sum(e, axis=1, keepdims=True)
    p = e / s
    col = lax.broadcasted_iota(jnp.int32, p.shape, 1)
    fg = col >= 1
    pm = jnp.where(fg, p, 0.0)
    sc = jnp.max(pm, axis=1)
    cand = jnp.where(fg & (pm == sc[:, None]), col, ncls + 1)
    cls = jnp.min(cand, axis=1)
    return p, sc, cls


def _obj_body(x_ref, sc_ref, cls_ref):
    _, sc, cls = _scores_from_softmax(x_ref[...], OBJ_CLS)
    sc_ref[...] = sc[:, None]
    cls_ref[...] = cls[:, None]


def _rel_body(x_ref, p_ref, sc_ref, cls_ref):
    p, sc, cls = _scores_from_softmax(x_ref[...], REL_CLS)
    p_ref[...] = jnp.concatenate(
        [p, jnp.zeros((p.shape[0], PCLS - REL_CLS), jnp.float32)], axis=1)
    sc_ref[...] = sc[:, None]
    cls_ref[...] = cls[:, None]


def _obj_stage(obj_logit):
    sc, cls = pl.pallas_call(
        _obj_body,
        grid=(N_OBJ // _OBJ_BR,),
        in_specs=[pl.BlockSpec((_OBJ_BR, OBJ_CLS), lambda i: (i, 0))],
        out_specs=[
            pl.BlockSpec((_OBJ_BR, 1), lambda i: (i, 0)),
            pl.BlockSpec((_OBJ_BR, 1), lambda i: (i, 0)),
        ],
        out_shape=[
            jax.ShapeDtypeStruct((N_OBJ, 1), jnp.float32),
            jax.ShapeDtypeStruct((N_OBJ, 1), jnp.int32),
        ],
    )(obj_logit)
    return sc[:, 0], cls[:, 0]


def _rel_stage(rel_logit):
    p, sc, cls = pl.pallas_call(
        _rel_body,
        grid=(N_REL // _REL_BR,),
        in_specs=[pl.BlockSpec((_REL_BR, REL_CLS), lambda i: (i, 0))],
        out_specs=[
            pl.BlockSpec((_REL_BR, PCLS), lambda i: (i, 0)),
            pl.BlockSpec((_REL_BR, 1), lambda i: (i, 0)),
            pl.BlockSpec((_REL_BR, 1), lambda i: (i, 0)),
        ],
        out_shape=[
            jax.ShapeDtypeStruct((N_REL, PCLS), jnp.float32),
            jax.ShapeDtypeStruct((N_REL, 1), jnp.float32),
            jax.ShapeDtypeStruct((N_REL, 1), jnp.int32),
        ],
    )(rel_logit)
    return p, sc[:, 0], cls[:, 0]



def _sort_body(rel_hbm, p0_hbm, p1_hbm, objs_hbm,
               order_hbm,
               sem_s, key_c, val_c, rel_c, i0_c, i1_c, obj_v,
               hist_v, off_v, allhist_v, dst2d,
               keyA, valA, keyB, valB, ghist):
    w = lax.axis_index("s")
    base = w * CW
    chunk = pl.ds(base, CW)

    pltpu.async_copy(rel_hbm.at[chunk], rel_c, sem_s)
    pltpu.async_copy(p0_hbm.at[chunk], i0_c, sem_s)
    pltpu.async_copy(p1_hbm.at[chunk], i1_c, sem_s)
    pltpu.async_copy(objs_hbm, obj_v, sem_s)
    pltpu.make_async_copy(rel_hbm.at[chunk], rel_c, sem_s).wait()
    pltpu.make_async_copy(p0_hbm.at[chunk], i0_c, sem_s).wait()
    pltpu.make_async_copy(p1_hbm.at[chunk], i1_c, sem_s).wait()
    pltpu.make_async_copy(objs_hbm, obj_v, sem_s).wait()

    def _keys_body(i, carry):
        sl = pl.ds(i * 16, 16)
        r = rel_c[sl]
        s0 = plsc.load_gather(obj_v, [i0_c[sl]])
        s1 = plsc.load_gather(obj_v, [i1_c[sl]])
        t = (r * s0) * s1
        bits = plsc.bitcast(t, jnp.int32)
        gidx = base + i * 16 + lax.iota(jnp.int32, 16)
        key_c[sl] = jnp.where(gidx < N_REL, MAXB - bits, PADKEY)
        val_c[sl] = gidx
        return carry
    lax.fori_loop(0, VPB, _keys_body, 0)

    def _do_pass(shift, in_k, in_v, out_k, out_v, first):
        if not first:
            pltpu.sync_copy(in_k.at[chunk], key_c)
            pltpu.sync_copy(in_v.at[chunk], val_c)

        def _zero_body(j, carry):
            hist_v[pl.ds(j * 16, 16)] = jnp.zeros((16,), jnp.int32)
            return carry
        lax.fori_loop(0, BINS // 16, _zero_body, 0)

        def _hist_body(i, carry):
            k = key_c[pl.ds(i * 16, 16)]
            d = (k >> shift) & (BINS - 1)
            cnt, last = plsc.scan_count(d)
            cur = plsc.load_gather(hist_v, [d])
            plsc.store_scatter(hist_v, [d], cur + cnt, mask=last)
            return carry
        lax.fori_loop(0, VPB, _hist_body, 0)

        pltpu.sync_copy(hist_v, ghist.at[pl.ds(w * BINS, BINS)])
        plsc.subcore_barrier()
        pltpu.sync_copy(ghist, allhist_v)

        def _off_body(j, cbase):
            sl = pl.ds(j * 16, 16)

            def _acc(w2, tb):
                t_, b_ = tb
                row = allhist_v[pl.ds(w2 * BINS + j * 16, 16)]
                return (t_ + row, b_ + jnp.where(w2 < w, row, 0))
            tot, bel = lax.fori_loop(
                0, NW, _acc,
                (jnp.zeros((16,), jnp.int32), jnp.zeros((16,), jnp.int32)))
            cs = plsc.cumsum(tot)
            off_v[sl] = cbase + (cs - tot) + bel
            return cbase + jnp.sum(tot)
        lax.fori_loop(0, BINS // 16, _off_body, jnp.int32(0))

        def _scat_body(i, carry):
            sl = pl.ds(i * 16, 16)
            k = key_c[sl]
            d = (k >> shift) & (BINS - 1)
            cnt, last = plsc.scan_count(d)
            off = plsc.load_gather(off_v, [d])
            plsc.store_scatter(off_v, [d], off + cnt, mask=last)
            dst2d[i // 8, pl.ds((i % 8) * 16, 16)] = off + cnt - 1
            return carry
        lax.fori_loop(0, VPB, _scat_body, 0)

        def _sdrain():
            pltpu.make_async_copy(
                p0_hbm.at[pl.ds(0, 128)], i0_c.at[pl.ds(0, 128)], sem_s
            ).wait()

        def _dma_body(j, carry):
            idx = dst2d.at[j]
            pltpu.async_copy(key_c.at[pl.ds(j * 128, 128)], out_k.at[idx], sem_s)
            pltpu.async_copy(val_c.at[pl.ds(j * 128, 128)], out_v.at[idx], sem_s)

            @pl.when(j >= 4)
            def _():
                _sdrain()
                _sdrain()
            return carry
        lax.fori_loop(0, CW // 128, _dma_body, 0)
        for _ in range(8):
            _sdrain()
        plsc.subcore_barrier()

    _do_pass(0, None, None, keyA, valA, True)
    _do_pass(10, keyA, valA, keyB, valB, False)
    _do_pass(20, keyB, valB, keyA, valA, False)

    pltpu.sync_copy(valA.at[chunk], order_hbm.at[chunk])


def _sort_stage(rel_s_pad, p0_pad, p1_pad, obj_s):
    mesh = plsc.VectorSubcoreMesh(
        core_axis_name="c", subcore_axis_name="s", num_cores=1)
    f = pl.kernel(
        _sort_body,
        out_type=jax.ShapeDtypeStruct((NPAD,), jnp.int32),
        mesh=mesh,
        compiler_params=pltpu.CompilerParams(needs_layout_passes=False),
        scratch_types=[
            pltpu.SemaphoreType.DMA,
            pltpu.VMEM((CW,), jnp.int32),
            pltpu.VMEM((CW,), jnp.int32),
            pltpu.VMEM((CW,), jnp.float32),
            pltpu.VMEM((CW,), jnp.int32),
            pltpu.VMEM((CW,), jnp.int32),
            pltpu.VMEM((N_OBJ,), jnp.float32),
            pltpu.VMEM((BINS,), jnp.int32),
            pltpu.VMEM((BINS,), jnp.int32),
            pltpu.VMEM((NW * BINS,), jnp.int32),
            pltpu.VMEM((CW // 128, 128), jnp.int32),
            pltpu.VMEM_SHARED((NPAD,), jnp.int32),
            pltpu.VMEM_SHARED((NPAD,), jnp.int32),
            pltpu.VMEM_SHARED((NPAD,), jnp.int32),
            pltpu.VMEM_SHARED((NPAD,), jnp.int32),
            pltpu.VMEM_SHARED((NW * BINS,), jnp.int32),
        ],
    )
    return f(rel_s_pad, p0_pad, p1_pad, obj_s)



def _gather_body(order_hbm, prob_hbm, p0_hbm, p1_hbm, cls_hbm,
                 outp_hbm, p0s_hbm, p1s_hbm, labs_hbm,
                 sem_p, sem_g, sem_w,
                 idx_v, prob_v, wdum, g0, g1, g2, p0_sp, p1_sp, cls_sp):
    c = lax.axis_index("c")
    s = lax.axis_index("s")
    w = s * 2 + c
    base = w * GCW

    stg = pl.ds(s * CW, CW)
    pltpu.sync_copy(p0_hbm.at[stg], p0_sp.at[stg])
    pltpu.sync_copy(p1_hbm.at[stg], p1_sp.at[stg])
    pltpu.sync_copy(cls_hbm.at[stg], cls_sp.at[stg])

    pltpu.sync_copy(order_hbm.at[pl.ds(base, GCW)], idx_v)
    plsc.subcore_barrier()

    def _pdrain():
        pltpu.make_async_copy(
            order_hbm.at[pl.ds(0, 128)], g0.at[pl.ds(0, 128)], sem_p
        ).wait()

    def _perm_body(j, carry):
        sl = idx_v.at[pl.ds(j * 128, 128)]
        d = pl.ds(j * 128, 128)
        pltpu.async_copy(p0_sp.at[sl], g0.at[d], sem_p)
        pltpu.async_copy(p1_sp.at[sl], g1.at[d], sem_p)
        pltpu.async_copy(cls_sp.at[sl], g2.at[d], sem_p)

        @pl.when(j >= 2)
        def _():
            _pdrain()
            _pdrain()
            _pdrain()
        return carry
    lax.fori_loop(0, GCW // 128, _perm_body, 0)

    last_rows = N_REL - (GW - 1) * GCW
    nfull = jnp.where(w == GW - 1, last_rows // 128, GCW // 128)

    def _start_gather(j, b):
        sl = idx_v.at[pl.ds(j * 128, 128)]
        pltpu.async_copy(prob_hbm.at[sl], prob_v.at[b], sem_g)

    def _gwait():
        pltpu.make_async_copy(
            prob_hbm.at[pl.ds(0, 128), :], prob_v.at[0], sem_g).wait()

    def _wwait():
        pltpu.make_async_copy(
            prob_hbm.at[pl.ds(0, 128), :], prob_v.at[0], sem_w).wait()

    _start_gather(0, 0)

    def _jbody(j, carry):
        b = j & 1

        @pl.when(j >= 1)
        def _():
            _wwait()

        @pl.when(j + 1 < nfull)
        def _():
            _start_gather(j + 1, 1 - b)
        _gwait()
        pltpu.async_copy(prob_v.at[b],
                         outp_hbm.at[pl.ds(base + j * 128, 128), :], sem_w)
        return carry
    lax.fori_loop(0, nfull, _jbody, 0)
    _wwait()

    for _ in range(6):
        _pdrain()
    out1d = pl.ds(base, GCW)
    pltpu.sync_copy(g0, p0s_hbm.at[out1d])
    pltpu.sync_copy(g1, p1s_hbm.at[out1d])
    pltpu.sync_copy(g2, labs_hbm.at[out1d])

    @pl.when(w == GW - 1)
    def _tail():
        j = last_rows // 128
        cnt = last_rows % 128
        sl = idx_v.at[pl.ds(j * 128, cnt)]
        pltpu.sync_copy(prob_hbm.at[sl], prob_v.at[0, pl.ds(0, cnt), :])
        pltpu.sync_copy(prob_v.at[0, pl.ds(0, cnt), :],
                        outp_hbm.at[pl.ds(base + j * 128, cnt), :])


def _gather_stage(order_pad, rel_prob, p0_pad, p1_pad, cls_pad):
    mesh = plsc.VectorSubcoreMesh(core_axis_name="c", subcore_axis_name="s")
    f = pl.kernel(
        _gather_body,
        out_type=[
            jax.ShapeDtypeStruct((N_REL, PCLS), jnp.float32),
            jax.ShapeDtypeStruct((NPAD,), jnp.int32),
            jax.ShapeDtypeStruct((NPAD,), jnp.int32),
            jax.ShapeDtypeStruct((NPAD,), jnp.int32),
        ],
        mesh=mesh,
        compiler_params=pltpu.CompilerParams(
            needs_layout_passes=False, use_tc_tiling_on_sc=False),
        scratch_types=[
            pltpu.SemaphoreType.DMA,
            pltpu.SemaphoreType.DMA,
            pltpu.SemaphoreType.DMA,
            pltpu.VMEM((GCW,), jnp.int32),
            pltpu.VMEM((2, 128, PCLS), jnp.float32),
            pltpu.VMEM((128, PCLS), jnp.float32),
            pltpu.VMEM((GCW,), jnp.int32),
            pltpu.VMEM((GCW,), jnp.int32),
            pltpu.VMEM((GCW,), jnp.int32),
            pltpu.VMEM_SHARED((NPAD,), jnp.int32),
            pltpu.VMEM_SHARED((NPAD,), jnp.int32),
            pltpu.VMEM_SHARED((NPAD,), jnp.int32),
        ],
    )
    return f(order_pad, rel_prob, p0_pad, p1_pad, cls_pad)



def kernel(rel_logit, obj_logit, rel_pair_idx, boxes):
    obj_p = jax.nn.softmax(obj_logit, axis=-1)
    obj_p = obj_p.at[:, 0].set(0.0)
    obj_s_x = jnp.max(obj_p[:, 1:], axis=1)
    rel_p_x = jax.nn.softmax(rel_logit, axis=-1)
    rel_s_x = jnp.max(rel_p_x[:, 1:], axis=1)

    rel_s_pad = jnp.pad(rel_s_x, (0, NPAD - N_REL))
    p0_pad = jnp.pad(rel_pair_idx[:, 0], (0, NPAD - N_REL))
    p1_pad = jnp.pad(rel_pair_idx[:, 1], (0, NPAD - N_REL))

    order_pad = _sort_stage(rel_s_pad, p0_pad, p1_pad, obj_s_x)

    obj_scores, obj_class = _obj_stage(obj_logit)
    rel_prob, rel_scores, rel_class = _rel_stage(rel_logit)
    cls_pad = jnp.pad(rel_class, (0, NPAD - N_REL))

    prob64_sorted, p0s, p1s, labs = _gather_stage(
        order_pad, rel_prob, p0_pad, p1_pad, cls_pad)

    pair_sorted = jnp.stack([p0s[:N_REL], p1s[:N_REL]], axis=1)
    prob_sorted = prob64_sorted[:, :REL_CLS]
    labels = labs[:N_REL]

    return (boxes, obj_class, obj_scores, pair_sorted, prob_sorted, labels)

# --- scband reference (transcript-rebuilt; emitter-appended) ---
"""Pipeline reference for scband-post-processor-13572096655784 (READ-ONLY COPY).

The authoritative reference and input builder live on the scoring server;
editing this copy changes nothing except your own understanding.
"""

import jax, jax.numpy as jnp
import numpy as np

NUM_REL = 100000
NUM_OBJ = 20000
NUM_REL_CLS = 51
NUM_OBJ_CLS = 151


def setup_inputs(seed: int = 0) -> dict:
    key = jax.random.key(seed)
    k1, k2, k3, k4 = jax.random.split(key, 4)
    rel_logit = jax.random.normal(k1, (NUM_REL, NUM_REL_CLS), dtype=jnp.float32)
    obj_logit = jax.random.normal(k2, (NUM_OBJ, NUM_OBJ_CLS), dtype=jnp.float32)
    rel_pair_idx = jax.random.randint(k3, (NUM_REL, 2), 0, NUM_OBJ, dtype=jnp.int64)
    boxes = jax.random.uniform(k4, (NUM_OBJ, 4), dtype=jnp.float32) * 512.0
    return {"rel_logit": rel_logit, "obj_logit": obj_logit, "rel_pair_idx": rel_pair_idx, "boxes": boxes}


def reference(rel_logit, obj_logit, rel_pair_idx, boxes):
    # PostProcessor.forward with attribute_on=False, use_gt_box=True,
    # self_train_loss='multi_ce' (single-image case).
    # obj_class_prob = softmax(obj_logit); zero out background column
    obj_class_prob = jax.nn.softmax(obj_logit, axis=-1)
    obj_class_prob = obj_class_prob.at[:, 0].set(0.0)
    # use_gt_box branch: max over foreground classes
    obj_scores = jnp.max(obj_class_prob[:, 1:], axis=1)
    obj_pred = jnp.argmax(obj_class_prob[:, 1:], axis=1) + 1
    obj_class = obj_pred
    # gather per-relation subject/object scores
    obj_scores0 = obj_scores[rel_pair_idx[:, 0]]
    obj_scores1 = obj_scores[rel_pair_idx[:, 1]]
    # relation probabilities (multi_ce -> softmax branch)
    rel_class_prob = jax.nn.softmax(rel_logit, axis=-1)
    rel_scores = jnp.max(rel_class_prob[:, 1:], axis=1)
    rel_class = jnp.argmax(rel_class_prob[:, 1:], axis=1) + 1
    triple_scores = rel_scores * obj_scores0 * obj_scores1
    # descending sort of triple scores
    sorting_idx = jnp.argsort(-triple_scores.reshape(-1))
    rel_pair_idx_sorted = rel_pair_idx[sorting_idx]
    rel_class_prob_sorted = rel_class_prob[sorting_idx]
    rel_labels = rel_class[sorting_idx]
    # boxlist fields: boxes (gt box, use_gt_box=True), pred_labels, pred_scores,
    # rel_pair_idxs, pred_rel_scores, pred_rel_labels
    return (boxes, obj_class, obj_scores, rel_pair_idx_sorted, rel_class_prob_sorted, rel_labels)

if __name__ == "__main__":
    import jax
    _d = setup_inputs()
    print(jax.jit(kernel)(*tuple(_d.values())))

</pallas_src>

<mosaic_0001>
#map = affine_map<(d0, d1) -> (0)>
module attributes {stable_mosaic.version = 14 : i64} {
  func.func @_sort_body(%arg0: i32, %arg1: i32, %arg2: memref<102400xf32, #tpu.memory_space<hbm>>, %arg3: memref<102400xi32, #tpu.memory_space<hbm>>, %arg4: memref<102400xi32, #tpu.memory_space<hbm>>, %arg5: memref<20000xf32, #tpu.memory_space<hbm>>, %arg6: memref<102400xi32, #tpu.memory_space<hbm>>, %arg7: memref<!tpu.dma_semaphore, #tpu.memory_space<semaphore_mem>>, %arg8: memref<6400xi32, #tpu.memory_space<vmem>>, %arg9: memref<6400xi32, #tpu.memory_space<vmem>>, %arg10: memref<6400xf32, #tpu.memory_space<vmem>>, %arg11: memref<6400xi32, #tpu.memory_space<vmem>>, %arg12: memref<6400xi32, #tpu.memory_space<vmem>>, %arg13: memref<20000xf32, #tpu.memory_space<vmem>>, %arg14: memref<1024xi32, #tpu.memory_space<vmem>>, %arg15: memref<1024xi32, #tpu.memory_space<vmem>>, %arg16: memref<16384xi32, #tpu.memory_space<vmem>>, %arg17: memref<50x128xi32, #tpu.memory_space<vmem>>, %arg18: memref<102400xi32, #tpu.memory_space<vmem_shared>>, %arg19: memref<102400xi32, #tpu.memory_space<vmem_shared>>, %arg20: memref<102400xi32, #tpu.memory_space<vmem_shared>>, %arg21: memref<102400xi32, #tpu.memory_space<vmem_shared>>, %arg22: memref<16384xi32, #tpu.memory_space<vmem_shared>>) attributes {dimension_semantics = [#tpu.dimension_semantics<core_parallel>, #tpu.dimension_semantics<subcore_parallel>], iteration_bounds = array<i64: 1, 16>, scalar_prefetch = 0 : i64, scratch_operands = 16 : i64, tpu.core_type = #tpu.core_type<sc_vector_subcore>, window_params = [{transform_indices = #map}, {transform_indices = #map}, {transform_indices = #map}, {transform_indices = #map}, {transform_indices = #map}]} {
    %mul3A = arith.constant 6400 : i32
    %mul3A_0 = arith.muli %arg1, %mul3A : i32
    %dma_start3A = tpu.memref_slice %arg2[%mul3A_0] : memref<102400xf32, #tpu.memory_space<hbm>> -> memref<6400xf32, #tpu.memory_space<hbm>>
    %dma_start3A_1 = tpu.memref_slice %arg2[%mul3A_0] : memref<102400xf32, #tpu.memory_space<hbm>> -> memref<6400xf32, #tpu.memory_space<hbm>>
    tpu.enqueue_dma source(%dma_start3A_1 : memref<6400xf32, #tpu.memory_space<hbm>>) target(%arg10 : memref<6400xf32, #tpu.memory_space<vmem>>) target_semaphore(%arg7 : memref<!tpu.dma_semaphore, #tpu.memory_space<semaphore_mem>>)
    %dma_start3A_2 = tpu.memref_slice %arg3[%mul3A_0] : memref<102400xi32, #tpu.memory_space<hbm>> -> memref<6400xi32, #tpu.memory_space<hbm>>
    %dma_start3A_3 = tpu.memref_slice %arg3[%mul3A_0] : memref<102400xi32, #tpu.memory_space<hbm>> -> memref<6400xi32, #tpu.memory_space<hbm>>
    tpu.enqueue_dma source(%dma_start3A_3 : memref<6400xi32, #tpu.memory_space<hbm>>) target(%arg11 : memref<6400xi32, #tpu.memory_space<vmem>>) target_semaphore(%arg7 : memref<!tpu.dma_semaphore, #tpu.memory_space<semaphore_mem>>)
    %dma_start3A_4 = tpu.memref_slice %arg4[%mul3A_0] : memref<102400xi32, #tpu.memory_space<hbm>> -> memref<6400xi32, #tpu.memory_space<hbm>>
    %dma_start3A_5 = tpu.memref_slice %arg4[%mul3A_0] : memref<102400xi32, #tpu.memory_space<hbm>> -> memref<6400xi32, #tpu.memory_space<hbm>>
    tpu.enqueue_dma source(%dma_start3A_5 : memref<6400xi32, #tpu.memory_space<hbm>>) target(%arg12 : memref<6400xi32, #tpu.memory_space<vmem>>) target_semaphore(%arg7 : memref<!tpu.dma_semaphore, #tpu.memory_space<semaphore_mem>>)
    tpu.enqueue_dma source(%arg5 : memref<20000xf32, #tpu.memory_space<hbm>>) target(%arg13 : memref<20000xf32, #tpu.memory_space<vmem>>) target_semaphore(%arg7 : memref<!tpu.dma_semaphore, #tpu.memory_space<semaphore_mem>>)
    %dma_wait3A = tpu.memref_slice %arg2[%mul3A_0] : memref<102400xf32, #tpu.memory_space<hbm>> -> memref<6400xf32, #tpu.memory_space<hbm>>
    %dma_wait3A_6 = tpu.memref_slice %arg2[%mul3A_0] : memref<102400xf32, #tpu.memory_space<hbm>> -> memref<6400xf32, #tpu.memory_space<hbm>>
    tpu.wait_dma2 semaphore(%arg7 : memref<!tpu.dma_semaphore, #tpu.memory_space<semaphore_mem>>) src(%dma_wait3A_6 : memref<6400xf32, #tpu.memory_space<hbm>>) dst(%arg10 : memref<6400xf32, #tpu.memory_space<vmem>>)
    %dma_wait3A_7 = tpu.memref_slice %arg3[%mul3A_0] : memref<102400xi32, #tpu.memory_space<hbm>> -> memref<6400xi32, #tpu.memory_space<hbm>>
    %dma_wait3A_8 = tpu.memref_slice %arg3[%mul3A_0] : memref<102400xi32, #tpu.memory_space<hbm>> -> memref<6400xi32, #tpu.memory_space<hbm>>
    tpu.wait_dma2 semaphore(%arg7 : memref<!tpu.dma_semaphore, #tpu.memory_space<semaphore_mem>>) src(%dma_wait3A_8 : memref<6400xi32, #tpu.memory_space<hbm>>) dst(%arg11 : memref<6400xi32, #tpu.memory_space<vmem>>)
    %dma_wait3A_9 = tpu.memref_slice %arg4[%mul3A_0] : memref<102400xi32, #tpu.memory_space<hbm>> -> memref<6400xi32, #tpu.memory_space<hbm>>
    %dma_wait3A_10 = tpu.memref_slice %arg4[%mul3A_0] : memref<102400xi32, #tpu.memory_space<hbm>> -> memref<6400xi32, #tpu.memory_space<hbm>>
    tpu.wait_dma2 semaphore(%arg7 : memref<!tpu.dma_semaphore, #tpu.memory_space<semaphore_mem>>) src(%dma_wait3A_10 : memref<6400xi32, #tpu.memory_space<hbm>>) dst(%arg12 : memref<6400xi32, #tpu.memory_space<vmem>>)
    tpu.wait_dma2 semaphore(%arg7 : memref<!tpu.dma_semaphore, #tpu.memory_space<semaphore_mem>>) src(%arg5 : memref<20000xf32, #tpu.memory_space<hbm>>) dst(%arg13 : memref<20000xf32, #tpu.memory_space<vmem>>)
    %scan3A = arith.constant 0 : i32
    %scan3A_11 = arith.constant 0 : i32
    %scan3A_12 = arith.constant 400 : i32
    %scan3A_13 = arith.addi %scan3A_11, %scan3A_12 : i32
    %scan3A_14 = arith.constant 1 : i32
    scf.for %scan3A_312 = %scan3A_11 to %scan3A_13 step %scan3A_14  : i32 {
      %mul3A_313 = arith.constant 16 : i32
      %mul3A_314 = arith.muli %scan3A_312, %mul3A_313 : i32
      %get3A = arith.index_cast %mul3A_314 : i32 to index
      %get3A_315 = tpu.vector_load %arg10[%get3A] {strides = array<i32>} : memref<6400xf32, #tpu.memory_space<vmem>>, vector<16xf32>,
      %get3A_316 = arith.index_cast %mul3A_314 : i32 to index
      %get3A_317 = tpu.vector_load %arg11[%get3A_316] {strides = array<i32>} : memref<6400xi32, #tpu.memory_space<vmem>>, vector<16xi32>,
      %gather3A = tpu.vector_load_idx %arg13[%get3A_317] : memref<20000xf32, #tpu.memory_space<vmem>>[vector<16xi32>], vector<16xf32>,
      %get3A_318 = arith.index_cast %mul3A_314 : i32 to index
      %get3A_319 = tpu.vector_load %arg12[%get3A_318] {strides = array<i32>} : memref<6400xi32, #tpu.memory_space<vmem>>, vector<16xi32>,
      %gather3A_320 = tpu.vector_load_idx %arg13[%get3A_319] : memref<20000xf32, #tpu.memory_space<vmem>>[vector<16xi32>], vector<16xf32>,
      %mul3A_321 = arith.mulf %get3A_315, %gather3A : vector<16xf32>
      %mul3A_322 = arith.mulf %mul3A_321, %gather3A_320 : vector<16xf32>
      %bitcast3A = vector.bitcast %mul3A_322 : vector<16xf32> to vector<16xi32>
      %mul3A_323 = arith.constant 16 : i32
      %mul3A_324 = arith.muli %scan3A_312, %mul3A_323 : i32
      %add3A = arith.addi %mul3A_0, %mul3A_324 : i32
      %iota3A = tpu.iota {dimensions = array<i32: 0>} : vector<16xi32>
      %add3A_325 = vector.broadcast %add3A : i32 to vector<16xi32>
      %add3A_326 = arith.addi %add3A_325, %iota3A : vector<16xi32>
      %lt3A = arith.constant 100000 : i32
      %lt3A_327 = vector.broadcast %lt3A : i32 to vector<16xi32>
      %lt3A_328 = arith.cmpi slt, %add3A_326, %lt3A_327 : vector<16xi32>
      %sub3A = arith.constant 1065353216 : i32
      %sub3A_329 = vector.broadcast %sub3A : i32 to vector<16xi32>
      %sub3A_330 = arith.subi %sub3A_329, %bitcast3A : vector<16xi32>
      %jit3A = arith.constant 1073741823 : i32
      %broadcast_in_dim3A = vector.broadcast %jit3A : i32 to vector<16xi32>
      %select_n3A = arith.select %lt3A_328, %sub3A_330, %broadcast_in_dim3A : vector<16xi1>, vector<16xi32>
      %swap3A = arith.index_cast %mul3A_314 : i32 to index
      %swap3A_331 = tpu.vector_load %arg8[%swap3A] {strides = array<i32>} : memref<6400xi32, #tpu.memory_space<vmem>>, vector<16xi32>,
      tpu.vector_store %arg8[%swap3A], %select_n3A {strides = array<i32>} : memref<6400xi32, #tpu.memory_space<vmem>>, vector<16xi32>,
      %swap3A_332 = arith.index_cast %mul3A_314 : i32 to index
      %swap3A_333 = tpu.vector_load %arg9[%swap3A_332] {strides = array<i32>} : memref<6400xi32, #tpu.memory_space<vmem>>, vector<16xi32>,
      tpu.vector_store %arg9[%swap3A_332], %add3A_326 {strides = array<i32>} : memref<6400xi32, #tpu.memory_space<vmem>>, vector<16xi32>,
    }
    %scan3A_15 = arith.constant 400 : i32
    %scan3A_16 = arith.constant 0 : i32
    %scan3A_17 = arith.constant 0 : i32
    %scan3A_18 = arith.constant 64 : i32
    %scan3A_19 = arith.addi %scan3A_17, %scan3A_18 : i32
    %scan3A_20 = arith.constant 1 : i32
    scf.for %scan3A_312 = %scan3A_17 to %scan3A_19 step %scan3A_20  : i32 {
      %broadcast_in_dim3A = arith.constant 0 : i32
      %broadcast_in_dim3A_313 = vector.broadcast %broadcast_in_dim3A : i32 to vector<16xi32>
      %mul3A_314 = arith.constant 16 : i32
      %mul3A_315 = arith.muli %scan3A_312, %mul3A_314 : i32
      %swap3A = arith.index_cast %mul3A_315 : i32 to index
      %swap3A_316 = tpu.vector_load %arg14[%swap3A] {strides = array<i32>} : memref<1024xi32, #tpu.memory_space<vmem>>, vector<16xi32>,
      tpu.vector_store %arg14[%swap3A], %broadcast_in_dim3A_313 {strides = array<i32>} : memref<1024xi32, #tpu.memory_space<vmem>>, vector<16xi32>,
    }
    %scan3A_21 = arith.constant 64 : i32
    %scan3A_22 = arith.constant 0 : i32
    %scan3A_23 = arith.constant 0 : i32
    %scan3A_24 = arith.constant 400 : i32
    %scan3A_25 = arith.addi %scan3A_23, %scan3A_24 : i32
    %scan3A_26 = arith.constant 1 : i32
    scf.for %scan3A_312 = %scan3A_23 to %scan3A_25 step %scan3A_26  : i32 {
      %mul3A_313 = arith.constant 16 : i32
      %mul3A_314 = arith.muli %scan3A_312, %mul3A_313 : i32
      %get3A = arith.index_cast %mul3A_314 : i32 to index
      %get3A_315 = tpu.vector_load %arg8[%get3A] {strides = array<i32>} : memref<6400xi32, #tpu.memory_space<vmem>>, vector<16xi32>,
      %shift_right_arithmetic3A = arith.constant 0 : i32
      %shift_right_arithmetic3A_316 = vector.broadcast %shift_right_arithmetic3A : i32 to vector<16xi32>
      %shift_right_arithmetic3A_317 = arith.shrsi %get3A_315, %shift_right_arithmetic3A_316 : vector<16xi32>
      %and3A = arith.constant 1023 : i32
      %and3A_318 = vector.broadcast %and3A : i32 to vector<16xi32>
      %and3A_319 = arith.andi %shift_right_arithmetic3A_317, %and3A_318 : vector<16xi32>
      %broadcast_in_dim3A = arith.constant true
      %broadcast_in_dim3A_320 = vector.broadcast %broadcast_in_dim3A : i1 to vector<16xi1>
      %unique3A, %unique3A_321 = tpu.scan_count mask(%broadcast_in_dim3A_320 : vector<16xi1>) value(%and3A_319 : vector<16xi32>) : vector<16xi1>, vector<16xi32>
      %gather3A = tpu.vector_load_idx %arg14[%and3A_319] : memref<1024xi32, #tpu.memory_space<vmem>>[vector<16xi32>], vector<16xi32>,
      %add3A = arith.addi %gather3A, %unique3A_321 : vector<16xi32>
      tpu.vector_store_idx %arg14[%and3A_319], %add3A masked %unique3A : memref<1024xi32, #tpu.memory_space<vmem>>[vector<16xi32>], vector<16xi32>, vector<16xi1>
    }
    %scan3A_27 = arith.constant 400 : i32
    %mul3A_28 = arith.constant 1024 : i32
    %mul3A_29 = arith.muli %arg1, %mul3A_28 : i32
    "tpu.region"() ({
      %run_scoped3A = tpu.sem_alloc : memref<!tpu.dma_semaphore, #tpu.memory_space<semaphore_mem>>
      %dma_start3A_312 = tpu.memref_slice %arg22[%mul3A_29] : memref<16384xi32, #tpu.memory_space<vmem_shared>> -> memref<1024xi32, #tpu.memory_space<vmem_shared>>
      %dma_start3A_313 = tpu.memref_slice %arg22[%mul3A_29] : memref<16384xi32, #tpu.memory_space<vmem_shared>> -> memref<1024xi32, #tpu.memory_space<vmem_shared>>
      tpu.enqueue_dma source(%arg14 : memref<1024xi32, #tpu.memory_space<vmem>>) target(%dma_start3A_313 : memref<1024xi32, #tpu.memory_space<vmem_shared>>) target_semaphore(%run_scoped3A : memref<!tpu.dma_semaphore, #tpu.memory_space<semaphore_mem>>)
      %dma_wait3A_314 = tpu.memref_slice %arg22[%mul3A_29] : memref<16384xi32, #tpu.memory_space<vmem_shared>> -> memref<1024xi32, #tpu.memory_space<vmem_shared>>
      %dma_wait3A_315 = tpu.memref_slice %arg22[%mul3A_29] : memref<16384xi32, #tpu.memory_space<vmem_shared>> -> memref<1024xi32, #tpu.memory_space<vmem_shared>>
      tpu.wait_dma2 semaphore(%run_scoped3A : memref<!tpu.dma_semaphore, #tpu.memory_space<semaphore_mem>>) src(%arg14 : memref<1024xi32, #tpu.memory_space<vmem>>) dst(%dma_wait3A_315 : memref<1024xi32, #tpu.memory_space<vmem_shared>>)
      tpu.yield
    }) : () -> ()
    %barrier3A = arith.constant 0 : index
    tpu.barrier barrier_id(%barrier3A)
    "tpu.region"() ({
      %run_scoped3A = tpu.sem_alloc : memref<!tpu.dma_semaphore, #tpu.memory_space<semaphore_mem>>
      tpu.enqueue_dma source(%arg22 : memref<16384xi32, #tpu.memory_space<vmem_shared>>) target(%arg16 : memref<16384xi32, #tpu.memory_space<vmem>>) target_semaphore(%run_scoped3A : memref<!tpu.dma_semaphore, #tpu.memory_space<semaphore_mem>>)
      tpu.wait_dma2 semaphore(%run_scoped3A : memref<!tpu.dma_semaphore, #tpu.memory_space<semaphore_mem>>) src(%arg22 : memref<16384xi32, #tpu.memory_space<vmem_shared>>) dst(%arg16 : memref<16384xi32, #tpu.memory_space<vmem>>)
      tpu.yield
    }) : () -> ()
    %scan3A_30 = arith.constant 0 : i32
    %scan3A_31 = arith.constant 0 : i32
    %scan3A_32 = arith.constant 64 : i32
    %scan3A_33 = arith.addi %scan3A_31, %scan3A_32 : i32
    %scan3A_34 = arith.constant 1 : i32
    %scan3A_35 = scf.for %scan3A_312 = %scan3A_31 to %scan3A_33 step %scan3A_34 iter_args(%scan3A_313 = %scan3A_30) -> (i32)  : i32 {
      %mul3A_314 = arith.constant 16 : i32
      %mul3A_315 = arith.muli %scan3A_312, %mul3A_314 : i32
      %broadcast_in_dim3A = arith.constant 0 : i32
      %broadcast_in_dim3A_316 = vector.broadcast %broadcast_in_dim3A : i32 to vector<16xi32>
      %broadcast_in_dim3A_317 = arith.constant 0 : i32
      %broadcast_in_dim3A_318 = vector.broadcast %broadcast_in_dim3A_317 : i32 to vector<16xi32>
      %scan3A_319 = arith.constant 0 : i32
      %scan3A_320 = arith.constant 16 : i32
      %scan3A_321 = arith.addi %scan3A_319, %scan3A_320 : i32
      %scan3A_322 = arith.constant 1 : i32
      %scan3A_323:2 = scf.for %scan3A_334 = %scan3A_319 to %scan3A_321 step %scan3A_322 iter_args(%scan3A_335 = %broadcast_in_dim3A_316, %scan3A_336 = %broadcast_in_dim3A_318) -> (vector<16xi32>, vector<16xi32>)  : i32 {
        %mul3A_337 = arith.constant 1024 : i32
        %mul3A_338 = arith.muli %scan3A_334, %mul3A_337 : i32
        %mul3A_339 = arith.constant 16 : i32
        %mul3A_340 = arith.muli %scan3A_312, %mul3A_339 : i32
        %add3A_341 = arith.addi %mul3A_338, %mul3A_340 : i32
        %get3A = arith.index_cast %add3A_341 : i32 to index
        %get3A_342 = tpu.vector_load %arg16[%get3A] {strides = array<i32>} : memref<16384xi32, #tpu.memory_space<vmem>>, vector<16xi32>,
        %add3A_343 = arith.addi %scan3A_335, %get3A_342 : vector<16xi32>
        %lt3A = arith.cmpi slt, %scan3A_334, %arg1 : i32
        %jit3A = arith.constant 0 : i32
        %broadcast_in_dim3A_344 = vector.broadcast %jit3A : i32 to vector<16xi32>
        %select_n3A = arith.select %lt3A, %get3A_342, %broadcast_in_dim3A_344 : vector<16xi32>
        %add3A_345 = arith.addi %scan3A_336, %select_n3A : vector<16xi32>
        scf.yield %add3A_343, %add3A_345 : vector<16xi32>, vector<16xi32>
      }
      %scan3A_324 = arith.constant 16 : i32
      %broadcast_in_dim3A_325 = arith.constant true
      %broadcast_in_dim3A_326 = vector.broadcast %broadcast_in_dim3A_325 : i1 to vector<16xi1>
      %masked_cumsum3A = tpu.scan <sum>, %scan3A_323#0 masked %broadcast_in_dim3A_326 : vector<16xi32>, vector<16xi1> -> vector<16xi32>
      %sub3A = arith.subi %masked_cumsum3A, %scan3A_323#0 : vector<16xi32>
      %add3A = vector.broadcast %scan3A_313 : i32 to vector<16xi32>
      %add3A_327 = arith.addi %add3A, %sub3A : vector<16xi32>
      %add3A_328 = arith.addi %add3A_327, %scan3A_323#1 : vector<16xi32>
      %swap3A = arith.index_cast %mul3A_315 : i32 to index
      %swap3A_329 = tpu.vector_load %arg15[%swap3A] {strides = array<i32>} : memref<1024xi32, #tpu.memory_space<vmem>>, vector<16xi32>,
      tpu.vector_store %arg15[%swap3A], %add3A_328 {strides = array<i32>} : memref<1024xi32, #tpu.memory_space<vmem>>, vector<16xi32>,
      %reduce_sum3A = arith.constant true
      %reduce_sum3A_330 = vector.broadcast %reduce_sum3A : i1 to vector<16xi1>
      %reduce_sum3A_331 = tpu.scan <sum>, %scan3A_323#0 masked %reduce_sum3A_330 : vector<16xi32>, vector<16xi1> -> vector<16xi32>
      %reduce_sum3A_332 = vector.extract %reduce_sum3A_331[15] : i32 from vector<16xi32>
      %add3A_333 = arith.addi %scan3A_313, %reduce_sum3A_332 : i32
      scf.yield %add3A_333 : i32
    }
    %scan3A_36 = arith.constant 64 : i32
    %scan3A_37 = arith.constant 0 : i32
    %scan3A_38 = arith.constant 0 : i32
    %scan3A_39 = arith.constant 400 : i32
    %scan3A_40 = arith.addi %scan3A_38, %scan3A_39 : i32
    %scan3A_41 = arith.constant 1 : i32
    scf.for %scan3A_312 = %scan3A_38 to %scan3A_40 step %scan3A_41  : i32 {
      %mul3A_313 = arith.constant 16 : i32
      %mul3A_314 = arith.muli %scan3A_312, %mul3A_313 : i32
      %get3A = arith.index_cast %mul3A_314 : i32 to index
      %get3A_315 = tpu.vector_load %arg8[%get3A] {strides = array<i32>} : memref<6400xi32, #tpu.memory_space<vmem>>, vector<16xi32>,
      %shift_right_arithmetic3A = arith.constant 0 : i32
      %shift_right_arithmetic3A_316 = vector.broadcast %shift_right_arithmetic3A : i32 to vector<16xi32>
      %shift_right_arithmetic3A_317 = arith.shrsi %get3A_315, %shift_right_arithmetic3A_316 : vector<16xi32>
      %and3A = arith.constant 1023 : i32
      %and3A_318 = vector.broadcast %and3A : i32 to vector<16xi32>
      %and3A_319 = arith.andi %shift_right_arithmetic3A_317, %and3A_318 : vector<16xi32>
      %broadcast_in_dim3A = arith.constant true
      %broadcast_in_dim3A_320 = vector.broadcast %broadcast_in_dim3A : i1 to vector<16xi1>
      %unique3A, %unique3A_321 = tpu.scan_count mask(%broadcast_in_dim3A_320 : vector<16xi1>) value(%and3A_319 : vector<16xi32>) : vector<16xi1>, vector<16xi32>
      %gather3A = tpu.vector_load_idx %arg15[%and3A_319] : memref<1024xi32, #tpu.memory_space<vmem>>[vector<16xi32>], vector<16xi32>,
      %add3A = arith.addi %gather3A, %unique3A_321 : vector<16xi32>
      tpu.vector_store_idx %arg15[%and3A_319], %add3A masked %unique3A : memref<1024xi32, #tpu.memory_space<vmem>>[vector<16xi32>], vector<16xi32>, vector<16xi1>
      %add3A_322 = arith.addi %gather3A, %unique3A_321 : vector<16xi32>
      %sub3A = arith.constant 1 : i32
      %sub3A_323 = vector.broadcast %sub3A : i32 to vector<16xi32>
      %sub3A_324 = arith.subi %add3A_322, %sub3A_323 : vector<16xi32>
      %jit3A = arith.constant 8 : i32
      %div3A = arith.divsi %scan3A_312, %jit3A : i32
      %sign3A = arith.constant 0 : i32
      %sign3A_325 = arith.cmpi sgt, %scan3A_312, %sign3A : i32
      %sign3A_326 = arith.extui %sign3A_325 : i1 to i32
      %sign3A_327 = arith.constant 0 : i32
      %sign3A_328 = arith.cmpi slt, %scan3A_312, %sign3A_327 : i32
      %sign3A_329 = arith.extui %sign3A_328 : i1 to i32
      %sign3A_330 = arith.subi %sign3A_326, %sign3A_329 : i32
      %sign3A_331 = arith.constant 0 : i32
      %sign3A_332 = arith.cmpi sgt, %jit3A, %sign3A_331 : i32
      %sign3A_333 = arith.extui %sign3A_332 : i1 to i32
      %sign3A_334 = arith.constant 0 : i32
      %sign3A_335 = arith.cmpi slt, %jit3A, %sign3A_334 : i32
      %sign3A_336 = arith.extui %sign3A_335 : i1 to i32
      %sign3A_337 = arith.subi %sign3A_333, %sign3A_336 : i32
      %ne3A = arith.cmpi ne, %sign3A_330, %sign3A_337 : i32
      %rem3A = arith.remsi %scan3A_312, %jit3A : i32
      %ne3A_338 = arith.constant 0 : i32
      %ne3A_339 = arith.cmpi ne, %rem3A, %ne3A_338 : i32
      %and3A_340 = arith.andi %ne3A, %ne3A_339 : i1
      %sub3A_341 = arith.constant 1 : i32
      %sub3A_342 = arith.subi %div3A, %sub3A_341 : i32
      %select_n3A = arith.select %and3A_340, %sub3A_342, %div3A : i32
      %jit3A_343 = arith.constant 8 : i32
      %eq3A = arith.constant 0 : i32
      %eq3A_344 = arith.cmpi eq, %jit3A_343, %eq3A : i32
      %jit3A_345 = arith.constant 1 : i32
      %select_n3A_346 = arith.select %eq3A_344, %jit3A_345, %jit3A_343 : i32
      %rem3A_347 = arith.remsi %scan3A_312, %select_n3A_346 : i32
      %ne3A_348 = arith.constant 0 : i32
      %ne3A_349 = arith.cmpi ne, %rem3A_347, %ne3A_348 : i32
      %lt3A = arith.constant 0 : i32
      %lt3A_350 = arith.cmpi slt, %rem3A_347, %lt3A : i32
      %lt3A_351 = arith.constant 0 : i32
      %lt3A_352 = arith.cmpi slt, %select_n3A_346, %lt3A_351 : i32
      %ne3A_353 = arith.xori %lt3A_350, %lt3A_352 : i1
      %and3A_354 = arith.andi %ne3A_353, %ne3A_349 : i1
      %add3A_355 = arith.addi %rem3A_347, %select_n3A_346 : i32
      %select_n3A_356 = arith.select %and3A_354, %add3A_355, %rem3A_347 : i32
      %mul3A_357 = arith.constant 16 : i32
      %mul3A_358 = arith.muli %select_n3A_356, %mul3A_357 : i32
      %swap3A = arith.index_cast %select_n3A : i32 to index
      %swap3A_359 = arith.index_cast %mul3A_358 : i32 to index
      %swap3A_360 = tpu.vector_load %arg17[%swap3A, %swap3A_359] {strides = array<i32>} : memref<50x128xi32, #tpu.memory_space<vmem>>, vector<16xi32>,
      tpu.vector_store %arg17[%swap3A, %swap3A_359], %sub3A_324 {strides = array<i32>} : memref<50x128xi32, #tpu.memory_space<vmem>>, vector<16xi32>,
    }
    %scan3A_42 = arith.constant 400 : i32
    %scan3A_43 = arith.constant 0 : i32
    %scan3A_44 = arith.constant 0 : i32
    %scan3A_45 = arith.constant 50 : i32
    %scan3A_46 = arith.addi %scan3A_44, %scan3A_45 : i32
    %scan3A_47 = arith.constant 1 : i32
    scf.for %scan3A_312 = %scan3A_44 to %scan3A_46 step %scan3A_47  : i32 {
      %mul3A_313 = arith.constant 128 : i32
      %mul3A_314 = arith.muli %scan3A_312, %mul3A_313 : i32
      %dma_start3A_315 = tpu.memref_slice %arg8[%mul3A_314] : memref<6400xi32, #tpu.memory_space<vmem>> -> memref<128xi32, #tpu.memory_space<vmem>>
      %dma_start3A_316 = arith.constant 0 : i32
      %dma_start3A_317 = tpu.memref_slice %arg17[%scan3A_312, %dma_start3A_316] : memref<50x128xi32, #tpu.memory_space<vmem>> -> memref<1x128xi32, #tpu.memory_space<vmem>>
      %dma_start3A_318 = tpu.memref_squeeze %dma_start3A_317 : memref<1x128xi32, #tpu.memory_space<vmem>> -> memref<128xi32, #tpu.memory_space<vmem>>
      %dma_start3A_319 = arith.constant 0 : i32
      %dma_start3A_320 = tpu.memref_slice %arg18[%dma_start3A_319] : memref<102400xi32, #tpu.memory_space<vmem_shared>> -> memref<102400xi32, #tpu.memory_space<vmem_shared>>
      tpu.enqueue_indirect_dma source(%dma_start3A_315 : memref<128xi32, #tpu.memory_space<vmem>>) target(%dma_start3A_320 : memref<102400xi32, #tpu.memory_space<vmem_shared>>) offsets(%dma_start3A_318 : memref<128xi32, #tpu.memory_space<vmem>>) semaphore(%arg7 : memref<!tpu.dma_semaphore, #tpu.memory_space<semaphore_mem>>)
      %mul3A_321 = arith.constant 128 : i32
      %mul3A_322 = arith.muli %scan3A_312, %mul3A_321 : i32
      %dma_start3A_323 = tpu.memref_slice %arg9[%mul3A_322] : memref<6400xi32, #tpu.memory_space<vmem>> -> memref<128xi32, #tpu.memory_space<vmem>>
      %dma_start3A_324 = arith.constant 0 : i32
      %dma_start3A_325 = tpu.memref_slice %arg17[%scan3A_312, %dma_start3A_324] : memref<50x128xi32, #tpu.memory_space<vmem>> -> memref<1x128xi32, #tpu.memory_space<vmem>>
      %dma_start3A_326 = tpu.memref_squeeze %dma_start3A_325 : memref<1x128xi32, #tpu.memory_space<vmem>> -> memref<128xi32, #tpu.memory_space<vmem>>
      %dma_start3A_327 = arith.constant 0 : i32
      %dma_start3A_328 = tpu.memref_slice %arg19[%dma_start3A_327] : memref<102400xi32, #tpu.memory_space<vmem_shared>> -> memref<102400xi32, #tpu.memory_space<vmem_shared>>
      tpu.enqueue_indirect_dma source(%dma_start3A_323 : memref<128xi32, #tpu.memory_space<vmem>>) target(%dma_start3A_328 : memref<102400xi32, #tpu.memory_space<vmem_shared>>) offsets(%dma_start3A_326 : memref<128xi32, #tpu.memory_space<vmem>>) semaphore(%arg7 : memref<!tpu.dma_semaphore, #tpu.memory_space<semaphore_mem>>)
      %ge3A = arith.constant 4 : i32
      %ge3A_329 = arith.cmpi sge, %scan3A_312, %ge3A : i32
      %convert_element_type3A = arith.extui %ge3A_329 : i1 to i32
      %cond3A = arith.constant 0 : i32
      %cond3A_330 = arith.cmpi ne, %convert_element_type3A, %cond3A : i32
      scf.if %cond3A_330 {
        %dma_wait3A_331 = arith.constant 0 : i32
        %dma_wait3A_332 = tpu.memref_slice %arg11[%dma_wait3A_331] : memref<6400xi32, #tpu.memory_space<vmem>> -> memref<128xi32, #tpu.memory_space<vmem>>
        %dma_wait3A_333 = arith.constant 0 : i32
        %dma_wait3A_334 = tpu.memref_slice %arg3[%dma_wait3A_333] : memref<102400xi32, #tpu.memory_space<hbm>> -> memref<128xi32, #tpu.memory_space<hbm>>
        %dma_wait3A_335 = arith.constant 0 : i32
        %dma_wait3A_336 = tpu.memref_slice %arg11[%dma_wait3A_335] : memref<6400xi32, #tpu.memory_space<vmem>> -> memref<128xi32, #tpu.memory_space<vmem>>
        %dma_wait3A_337 = arith.constant 0 : i32
        %dma_wait3A_338 = tpu.memref_slice %arg3[%dma_wait3A_337] : memref<102400xi32, #tpu.memory_space<hbm>> -> memref<128xi32, #tpu.memory_space<hbm>>
        tpu.wait_dma2 semaphore(%arg7 : memref<!tpu.dma_semaphore, #tpu.memory_space<semaphore_mem>>) src(%dma_wait3A_338 : memref<128xi32, #tpu.memory_space<hbm>>) dst(%dma_wait3A_336 : memref<128xi32, #tpu.memory_space<vmem>>)
        %dma_wait3A_339 = arith.constant 0 : i32
        %dma_wait3A_340 = tpu.memref_slice %arg11[%dma_wait3A_339] : memref<6400xi32, #tpu.memory_space<vmem>> -> memref<128xi32, #tpu.memory_space<vmem>>
        %dma_wait3A_341 = arith.constant 0 : i32
        %dma_wait3A_342 = tpu.memref_slice %arg3[%dma_wait3A_341] : memref<102400xi32, #tpu.memory_space<hbm>> -> memref<128xi32, #tpu.memory_space<hbm>>
        %dma_wait3A_343 = arith.constant 0 : i32
        %dma_wait3A_344 = tpu.memref_slice %arg11[%dma_wait3A_343] : memref<6400xi32, #tpu.memory_space<vmem>> -> memref<128xi32, #tpu.memory_space<vmem>>
        %dma_wait3A_345 = arith.constant 0 : i32
        %dma_wait3A_346 = tpu.memref_slice %arg3[%dma_wait3A_345] : memref<102400xi32, #tpu.memory_space<hbm>> -> memref<128xi32, #tpu.memory_space<hbm>>
        tpu.wait_dma2 semaphore(%arg7 : memref<!tpu.dma_semaphore, #tpu.memory_space<semaphore_mem>>) src(%dma_wait3A_346 : memref<128xi32, #tpu.memory_space<hbm>>) dst(%dma_wait3A_344 : memref<128xi32, #tpu.memory_space<vmem>>)
      } else {
      }
    }
    %scan3A_48 = arith.constant 50 : i32
    %dma_wait3A_49 = arith.constant 0 : i32
    %dma_wait3A_50 = tpu.memref_slice %arg11[%dma_wait3A_49] : memref<6400xi32, #tpu.memory_space<vmem>> -> memref<128xi32, #tpu.memory_space<vmem>>
    %dma_wait3A_51 = arith.constant 0 : i32
    %dma_wait3A_52 = tpu.memref_slice %arg3[%dma_wait3A_51] : memref<102400xi32, #tpu.memory_space<hbm>> -> memref<128xi32, #tpu.memory_space<hbm>>
    %dma_wait3A_53 = arith.constant 0 : i32
    %dma_wait3A_54 = tpu.memref_slice %arg11[%dma_wait3A_53] : memref<6400xi32, #tpu.memory_space<vmem>> -> memref<128xi32, #tpu.memory_space<vmem>>
    %dma_wait3A_55 = arith.constant 0 : i32
    %dma_wait3A_56 = tpu.memref_slice %arg3[%dma_wait3A_55] : memref<102400xi32, #tpu.memory_space<hbm>> -> memref<128xi32, #tpu.memory_space<hbm>>
    tpu.wait_dma2 semaphore(%arg7 : memref<!tpu.dma_semaphore, #tpu.memory_space<semaphore_mem>>) src(%dma_wait3A_56 : memref<128xi32, #tpu.memory_space<hbm>>) dst(%dma_wait3A_54 : memref<128xi32, #tpu.memory_space<vmem>>)
    %dma_wait3A_57 = arith.constant 0 : i32
    %dma_wait3A_58 = tpu.memref_slice %arg11[%dma_wait3A_57] : memref<6400xi32, #tpu.memory_space<vmem>> -> memref<128xi32, #tpu.memory_space<vmem>>
    %dma_wait3A_59 = arith.constant 0 : i32
    %dma_wait3A_60 = tpu.memref_slice %arg3[%dma_wait3A_59] : memref<102400xi32, #tpu.memory_space<hbm>> -> memref<128xi32, #tpu.memory_space<hbm>>
    %dma_wait3A_61 = arith.constant 0 : i32
    %dma_wait3A_62 = tpu.memref_slice %arg11[%dma_wait3A_61] : memref<6400xi32, #tpu.memory_space<vmem>> -> memref<128xi32, #tpu.memory_space<vmem>>
    %dma_wait3A_63 = arith.constant 0 : i32
    %dma_wait3A_64 = tpu.memref_slice %arg3[%dma_wait3A_63] : memref<102400xi32, #tpu.memory_space<hbm>> -> memref<128xi32, #tpu.memory_space<hbm>>
    tpu.wait_dma2 semaphore(%arg7 : memref<!tpu.dma_semaphore, #tpu.memory_space<semaphore_mem>>) src(%dma_wait3A_64 : memref<128xi32, #tpu.memory_space<hbm>>) dst(%dma_wait3A_62 : memref<128xi32, #tpu.memory_space<vmem>>)
    %dma_wait3A_65 = arith.constant 0 : i32
    %dma_wait3A_66 = tpu.memref_slice %arg11[%dma_wait3A_65] : memref<6400xi32, #tpu.memory_space<vmem>> -> memref<128xi32, #tpu.memory_space<vmem>>
    %dma_wait3A_67 = arith.constant 0 : i32
    %dma_wait3A_68 = tpu.memref_slice %arg3[%dma_wait3A_67] : memref<102400xi32, #tpu.memory_space<hbm>> -> memref<128xi32, #tpu.memory_space<hbm>>
    %dma_wait3A_69 = arith.constant 0 : i32
    %dma_wait3A_70 = tpu.memref_slice %arg11[%dma_wait3A_69] : memref<6400xi32, #tpu.memory_space<vmem>> -> memref<128xi32, #tpu.memory_space<vmem>>
    %dma_wait3A_71 = arith.constant 0 : i32
    %dma_wait3A_72 = tpu.memref_slice %arg3[%dma_wait3A_71] : memref<102400xi32, #tpu.memory_space<hbm>> -> memref<128xi32, #tpu.memory_space<hbm>>
    tpu.wait_dma2 semaphore(%arg7 : memref<!tpu.dma_semaphore, #tpu.memory_space<semaphore_mem>>) src(%dma_wait3A_72 : memref<128xi32, #tpu.memory_space<hbm>>) dst(%dma_wait3A_70 : memref<128xi32, #tpu.memory_space<vmem>>)
    %dma_wait3A_73 = arith.constant 0 : i32
    %dma_wait3A_74 = tpu.memref_slice %arg11[%dma_wait3A_73] : memref<6400xi32, #tpu.memory_space<vmem>> -> memref<128xi32, #tpu.memory_space<vmem>>
    %dma_wait3A_75 = arith.constant 0 : i32
    %dma_wait3A_76 = tpu.memref_slice %arg3[%dma_wait3A_75] : memref<102400xi32, #tpu.memory_space<hbm>> -> memref<128xi32, #tpu.memory_space<hbm>>
    %dma_wait3A_77 = arith.constant 0 : i32
    %dma_wait3A_78 = tpu.memref_slice %arg11[%dma_wait3A_77] : memref<6400xi32, #tpu.memory_space<vmem>> -> memref<128xi32, #tpu.memory_space<vmem>>
    %dma_wait3A_79 = arith.constant 0 : i32
    %dma_wait3A_80 = tpu.memref_slice %arg3[%dma_wait3A_79] : memref<102400xi32, #tpu.memory_space<hbm>> -> memref<128xi32, #tpu.memory_space<hbm>>
    tpu.wait_dma2 semaphore(%arg7 : memref<!tpu.dma_semaphore, #tpu.memory_space<semaphore_mem>>) src(%dma_wait3A_80 : memref<128xi32, #tpu.memory_space<hbm>>) dst(%dma_wait3A_78 : memref<128xi32, #tpu.memory_space<vmem>>)
    %dma_wait3A_81 = arith.constant 0 : i32
    %dma_wait3A_82 = tpu.memref_slice %arg11[%dma_wait3A_81] : memref<6400xi32, #tpu.memory_space<vmem>> -> memref<128xi32, #tpu.memory_space<vmem>>
    %dma_wait3A_83 = arith.constant 0 : i32
    %dma_wait3A_84 = tpu.memref_slice %arg3[%dma_wait3A_83] : memref<102400xi32, #tpu.memory_space<hbm>> -> memref<128xi32, #tpu.memory_space<hbm>>
    %dma_wait3A_85 = arith.constant 0 : i32
    %dma_wait3A_86 = tpu.memref_slice %arg11[%dma_wait3A_85] : memref<6400xi32, #tpu.memory_space<vmem>> -> memref<128xi32, #tpu.memory_space<vmem>>
    %dma_wait3A_87 = arith.constant 0 : i32
    %dma_wait3A_88 = tpu.memref_slice %arg3[%dma_wait3A_87] : memref<102400xi32, #tpu.memory_space<hbm>> -> memref<128xi32, #tpu.memory_space<hbm>>
    tpu.wait_dma2 semaphore(%arg7 : memref<!tpu.dma_semaphore, #tpu.memory_space<semaphore_mem>>) src(%dma_wait3A_88 : memref<128xi32, #tpu.memory_space<hbm>>) dst(%dma_wait3A_86 : memref<128xi32, #tpu.memory_space<vmem>>)
    %dma_wait3A_89 = arith.constant 0 : i32
    %dma_wait3A_90 = tpu.memref_slice %arg11[%dma_wait3A_89] : memref<6400xi32, #tpu.memory_space<vmem>> -> memref<128xi32, #tpu.memory_space<vmem>>
    %dma_wait3A_91 = arith.constant 0 : i32
    %dma_wait3A_92 = tpu.memref_slice %arg3[%dma_wait3A_91] : memref<102400xi32, #tpu.memory_space<hbm>> -> memref<128xi32, #tpu.memory_space<hbm>>
    %dma_wait3A_93 = arith.constant 0 : i32
    %dma_wait3A_94 = tpu.memref_slice %arg11[%dma_wait3A_93] : memref<6400xi32, #tpu.memory_space<vmem>> -> memref<128xi32, #tpu.memory_space<vmem>>
    %dma_wait3A_95 = arith.constant 0 : i32
    %dma_wait3A_96 = tpu.memref_slice %arg3[%dma_wait3A_95] : memref<102400xi32, #tpu.memory_space<hbm>> -> memref<128xi32, #tpu.memory_space<hbm>>
    tpu.wait_dma2 semaphore(%arg7 : memref<!tpu.dma_semaphore, #tpu.memory_space<semaphore_mem>>) src(%dma_wait3A_96 : memref<128xi32, #tpu.memory_space<hbm>>) dst(%dma_wait3A_94 : memref<128xi32, #tpu.memory_space<vmem>>)
    %dma_wait3A_97 = arith.constant 0 : i32
    %dma_wait3A_98 = tpu.memref_slice %arg11[%dma_wait3A_97] : memref<6400xi32, #tpu.memory_space<vmem>> -> memref<128xi32, #tpu.memory_space<vmem>>
    %dma_wait3A_99 = arith.constant 0 : i32
    %dma_wait3A_100 = tpu.memref_slice %arg3[%dma_wait3A_99] : memref<102400xi32, #tpu.memory_space<hbm>> -> memref<128xi32, #tpu.memory_space<hbm>>
    %dma_wait3A_101 = arith.constant 0 : i32
    %dma_wait3A_102 = tpu.memref_slice %arg11[%dma_wait3A_101] : memref<6400xi32, #tpu.memory_space<vmem>> -> memref<128xi32, #tpu.memory_space<vmem>>
    %dma_wait3A_103 = arith.constant 0 : i32
    %dma_wait3A_104 = tpu.memref_slice %arg3[%dma_wait3A_103] : memref<102400xi32, #tpu.memory_space<hbm>> -> memref<128xi32, #tpu.memory_space<hbm>>
    tpu.wait_dma2 semaphore(%arg7 : memref<!tpu.dma_semaphore, #tpu.memory_space<semaphore_mem>>) src(%dma_wait3A_104 : memref<128xi32, #tpu.memory_space<hbm>>) dst(%dma_wait3A_102 : memref<128xi32, #tpu.memory_space<vmem>>)
    %dma_wait3A_105 = arith.constant 0 : i32
    %dma_wait3A_106 = tpu.memref_slice %arg11[%dma_wait3A_105] : memref<6400xi32, #tpu.memory_space<vmem>> -> memref<128xi32, #tpu.memory_space<vmem>>
    %dma_wait3A_107 = arith.constant 0 : i32
    %dma_wait3A_108 = tpu.memref_slice %arg3[%dma_wait3A_107] : memref<102400xi32, #tpu.memory_space<hbm>> -> memref<128xi32, #tpu.memory_space<hbm>>
    %dma_wait3A_109 = arith.constant 0 : i32
    %dma_wait3A_110 = tpu.memref_slice %arg11[%dma_wait3A_109] : memref<6400xi32, #tpu.memory_space<vmem>> -> memref<128xi32, #tpu.memory_space<vmem>>
    %dma_wait3A_111 = arith.constant 0 : i32
    %dma_wait3A_112 = tpu.memref_slice %arg3[%dma_wait3A_111] : memref<102400xi32, #tpu.memory_space<hbm>> -> memref<128xi32, #tpu.memory_space<hbm>>
    tpu.wait_dma2 semaphore(%arg7 : memref<!tpu.dma_semaphore, #tpu.memory_space<semaphore_mem>>) src(%dma_wait3A_112 : memref<128xi32, #tpu.memory_space<hbm>>) dst(%dma_wait3A_110 : memref<128xi32, #tpu.memory_space<vmem>>)
    %barrier3A_113 = arith.constant 0 : index
    tpu.barrier barrier_id(%barrier3A_113)
    "tpu.region"() ({
      %run_scoped3A = tpu.sem_alloc : memref<!tpu.dma_semaphore, #tpu.memory_space<semaphore_mem>>
      %dma_start3A_312 = tpu.memref_slice %arg18[%mul3A_0] : memref<102400xi32, #tpu.memory_space<vmem_shared>> -> memref<6400xi32, #tpu.memory_space<vmem_shared>>
      %dma_start3A_313 = tpu.memref_slice %arg18[%mul3A_0] : memref<102400xi32, #tpu.memory_space<vmem_shared>> -> memref<6400xi32, #tpu.memory_space<vmem_shared>>
      tpu.enqueue_dma source(%dma_start3A_313 : memref<6400xi32, #tpu.memory_space<vmem_shared>>) target(%arg8 : memref<6400xi32, #tpu.memory_space<vmem>>) target_semaphore(%run_scoped3A : memref<!tpu.dma_semaphore, #tpu.memory_space<semaphore_mem>>)
      %dma_wait3A_314 = tpu.memref_slice %arg18[%mul3A_0] : memref<102400xi32, #tpu.memory_space<vmem_shared>> -> memref<6400xi32, #tpu.memory_space<vmem_shared>>
      %dma_wait3A_315 = tpu.memref_slice %arg18[%mul3A_0] : memref<102400xi32, #tpu.memory_space<vmem_shared>> -> memref<6400xi32, #tpu.memory_space<vmem_shared>>
      tpu.wait_dma2 semaphore(%run_scoped3A : memref<!tpu.dma_semaphore, #tpu.memory_space<semaphore_mem>>) src(%dma_wait3A_315 : memref<6400xi32, #tpu.memory_space<vmem_shared>>) dst(%arg8 : memref<6400xi32, #tpu.memory_space<vmem>>)
      tpu.yield
    }) : () -> ()
    "tpu.region"() ({
      %run_scoped3A = tpu.sem_alloc : memref<!tpu.dma_semaphore, #tpu.memory_space<semaphore_mem>>
      %dma_start3A_312 = tpu.memref_slice %arg19[%mul3A_0] : memref<102400xi32, #tpu.memory_space<vmem_shared>> -> memref<6400xi32, #tpu.memory_space<vmem_shared>>
      %dma_start3A_313 = tpu.memref_slice %arg19[%mul3A_0] : memref<102400xi32, #tpu.memory_space<vmem_shared>> -> memref<6400xi32, #tpu.memory_space<vmem_shared>>
      tpu.enqueue_dma source(%dma_start3A_313 : memref<6400xi32, #tpu.memory_space<vmem_shared>>) target(%arg9 : memref<6400xi32, #tpu.memory_space<vmem>>) target_semaphore(%run_scoped3A : memref<!tpu.dma_semaphore, #tpu.memory_space<semaphore_mem>>)
      %dma_wait3A_314 = tpu.memref_slice %arg19[%mul3A_0] : memref<102400xi32, #tpu.memory_space<vmem_shared>> -> memref<6400xi32, #tpu.memory_space<vmem_shared>>
      %dma_wait3A_315 = tpu.memref_slice %arg19[%mul3A_0] : memref<102400xi32, #tpu.memory_space<vmem_shared>> -> memref<6400xi32, #tpu.memory_space<vmem_shared>>
      tpu.wait_dma2 semaphore(%run_scoped3A : memref<!tpu.dma_semaphore, #tpu.memory_space<semaphore_mem>>) src(%dma_wait3A_315 : memref<6400xi32, #tpu.memory_space<vmem_shared>>) dst(%arg9 : memref<6400xi32, #tpu.memory_space<vmem>>)
      tpu.yield
    }) : () -> ()
    %scan3A_114 = arith.constant 0 : i32
    %scan3A_115 = arith.constant 0 : i32
    %scan3A_116 = arith.constant 64 : i32
    %scan3A_117 = arith.addi %scan3A_115, %scan3A_116 : i32
    %scan3A_118 = arith.constant 1 : i32
    scf.for %scan3A_312 = %scan3A_115 to %scan3A_117 step %scan3A_118  : i32 {
      %broadcast_in_dim3A = arith.constant 0 : i32
      %broadcast_in_dim3A_313 = vector.broadcast %broadcast_in_dim3A : i32 to vector<16xi32>
      %mul3A_314 = arith.constant 16 : i32
      %mul3A_315 = arith.muli %scan3A_312, %mul3A_314 : i32
      %swap3A = arith.index_cast %mul3A_315 : i32 to index
      %swap3A_316 = tpu.vector_load %arg14[%swap3A] {strides = array<i32>} : memref<1024xi32, #tpu.memory_space<vmem>>, vector<16xi32>,
      tpu.vector_store %arg14[%swap3A], %broadcast_in_dim3A_313 {strides = array<i32>} : memref<1024xi32, #tpu.memory_space<vmem>>, vector<16xi32>,
    }
    %scan3A_119 = arith.constant 64 : i32
    %scan3A_120 = arith.constant 0 : i32
    %scan3A_121 = arith.constant 0 : i32
    %scan3A_122 = arith.constant 400 : i32
    %scan3A_123 = arith.addi %scan3A_121, %scan3A_122 : i32
    %scan3A_124 = arith.constant 1 : i32
    scf.for %scan3A_312 = %scan3A_121 to %scan3A_123 step %scan3A_124  : i32 {
      %mul3A_313 = arith.constant 16 : i32
      %mul3A_314 = arith.muli %scan3A_312, %mul3A_313 : i32
      %get3A = arith.index_cast %mul3A_314 : i32 to index
      %get3A_315 = tpu.vector_load %arg8[%get3A] {strides = array<i32>} : memref<6400xi32, #tpu.memory_space<vmem>>, vector<16xi32>,
      %shift_right_arithmetic3A = arith.constant 10 : i32
      %shift_right_arithmetic3A_316 = vector.broadcast %shift_right_arithmetic3A : i32 to vector<16xi32>
      %shift_right_arithmetic3A_317 = arith.shrsi %get3A_315, %shift_right_arithmetic3A_316 : vector<16xi32>
      %and3A = arith.constant 1023 : i32
      %and3A_318 = vector.broadcast %and3A : i32 to vector<16xi32>
      %and3A_319 = arith.andi %shift_right_arithmetic3A_317, %and3A_318 : vector<16xi32>
      %broadcast_in_dim3A = arith.constant true
      %broadcast_in_dim3A_320 = vector.broadcast %broadcast_in_dim3A : i1 to vector<16xi1>
      %unique3A, %unique3A_321 = tpu.scan_count mask(%broadcast_in_dim3A_320 : vector<16xi1>) value(%and3A_319 : vector<16xi32>) : vector<16xi1>, vector<16xi32>
      %gather3A = tpu.vector_load_idx %arg14[%and3A_319] : memref<1024xi32, #tpu.memory_space<vmem>>[vector<16xi32>], vector<16xi32>,
      %add3A = arith.addi %gather3A, %unique3A_321 : vector<16xi32>
      tpu.vector_store_idx %arg14[%and3A_319], %add3A masked %unique3A : memref<1024xi32, #tpu.memory_space<vmem>>[vector<16xi32>], vector<16xi32>, vector<16xi1>
    }
    %scan3A_125 = arith.constant 400 : i32
    %mul3A_126 = arith.constant 1024 : i32
    %mul3A_127 = arith.muli %arg1, %mul3A_126 : i32
    "tpu.region"() ({
      %run_scoped3A = tpu.sem_alloc : memref<!tpu.dma_semaphore, #tpu.memory_space<semaphore_mem>>
      %dma_start3A_312 = tpu.memref_slice %arg22[%mul3A_127] : memref<16384xi32, #tpu.memory_space<vmem_shared>> -> memref<1024xi32, #tpu.memory_space<vmem_shared>>
      %dma_start3A_313 = tpu.memref_slice %arg22[%mul3A_127] : memref<16384xi32, #tpu.memory_space<vmem_shared>> -> memref<1024xi32, #tpu.memory_space<vmem_shared>>
      tpu.enqueue_dma source(%arg14 : memref<1024xi32, #tpu.memory_space<vmem>>) target(%dma_start3A_313 : memref<1024xi32, #tpu.memory_space<vmem_shared>>) target_semaphore(%run_scoped3A : memref<!tpu.dma_semaphore, #tpu.memory_space<semaphore_mem>>)
      %dma_wait3A_314 = tpu.memref_slice %arg22[%mul3A_127] : memref<16384xi32, #tpu.memory_space<vmem_shared>> -> memref<1024xi32, #tpu.memory_space<vmem_shared>>
      %dma_wait3A_315 = tpu.memref_slice %arg22[%mul3A_127] : memref<16384xi32, #tpu.memory_space<vmem_shared>> -> memref<1024xi32, #tpu.memory_space<vmem_shared>>
      tpu.wait_dma2 semaphore(%run_scoped3A : memref<!tpu.dma_semaphore, #tpu.memory_space<semaphore_mem>>) src(%arg14 : memref<1024xi32, #tpu.memory_space<vmem>>) dst(%dma_wait3A_315 : memref<1024xi32, #tpu.memory_space<vmem_shared>>)
      tpu.yield
    }) : () -> ()
    %barrier3A_128 = arith.constant 0 : index
    tpu.barrier barrier_id(%barrier3A_128)
    "tpu.region"() ({
      %run_scoped3A = tpu.sem_alloc : memref<!tpu.dma_semaphore, #tpu.memory_space<semaphore_mem>>
      tpu.enqueue_dma source(%arg22 : memref<16384xi32, #tpu.memory_space<vmem_shared>>) target(%arg16 : memref<16384xi32, #tpu.memory_space<vmem>>) target_semaphore(%run_scoped3A : memref<!tpu.dma_semaphore, #tpu.memory_space<semaphore_mem>>)
      tpu.wait_dma2 semaphore(%run_scoped3A : memref<!tpu.dma_semaphore, #tpu.memory_space<semaphore_mem>>) src(%arg22 : memref<16384xi32, #tpu.memory_space<vmem_shared>>) dst(%arg16 : memref<16384xi32, #tpu.memory_space<vmem>>)
      tpu.yield
    }) : () -> ()
    %scan3A_129 = arith.constant 0 : i32
    %scan3A_130 = arith.constant 0 : i32
    %scan3A_131 = arith.constant 64 : i32
    %scan3A_132 = arith.addi %scan3A_130, %scan3A_131 : i32
    %scan3A_133 = arith.constant 1 : i32
    %scan3A_134 = scf.for %scan3A_312 = %scan3A_130 to %scan3A_132 step %scan3A_133 iter_args(%scan3A_313 = %scan3A_129) -> (i32)  : i32 {
      %mul3A_314 = arith.constant 16 : i32
      %mul3A_315 = arith.muli %scan3A_312, %mul3A_314 : i32
      %broadcast_in_dim3A = arith.constant 0 : i32
      %broadcast_in_dim3A_316 = vector.broadcast %broadcast_in_dim3A : i32 to vector<16xi32>
      %broadcast_in_dim3A_317 = arith.constant 0 : i32
      %broadcast_in_dim3A_318 = vector.broadcast %broadcast_in_dim3A_317 : i32 to vector<16xi32>
      %scan3A_319 = arith.constant 0 : i32
      %scan3A_320 = arith.constant 16 : i32
      %scan3A_321 = arith.addi %scan3A_319, %scan3A_320 : i32
      %scan3A_322 = arith.constant 1 : i32
      %scan3A_323:2 = scf.for %scan3A_334 = %scan3A_319 to %scan3A_321 step %scan3A_322 iter_args(%scan3A_335 = %broadcast_in_dim3A_316, %scan3A_336 = %broadcast_in_dim3A_318) -> (vector<16xi32>, vector<16xi32>)  : i32 {
        %mul3A_337 = arith.constant 1024 : i32
        %mul3A_338 = arith.muli %scan3A_334, %mul3A_337 : i32
        %mul3A_339 = arith.constant 16 : i32
        %mul3A_340 = arith.muli %scan3A_312, %mul3A_339 : i32
        %add3A_341 = arith.addi %mul3A_338, %mul3A_340 : i32
        %get3A = arith.index_cast %add3A_341 : i32 to index
        %get3A_342 = tpu.vector_load %arg16[%get3A] {strides = array<i32>} : memref<16384xi32, #tpu.memory_space<vmem>>, vector<16xi32>,
        %add3A_343 = arith.addi %scan3A_335, %get3A_342 : vector<16xi32>
        %lt3A = arith.cmpi slt, %scan3A_334, %arg1 : i32
        %jit3A = arith.constant 0 : i32
        %broadcast_in_dim3A_344 = vector.broadcast %jit3A : i32 to vector<16xi32>
        %select_n3A = arith.select %lt3A, %get3A_342, %broadcast_in_dim3A_344 : vector<16xi32>
        %add3A_345 = arith.addi %scan3A_336, %select_n3A : vector<16xi32>
        scf.yield %add3A_343, %add3A_345 : vector<16xi32>, vector<16xi32>
      }
      %scan3A_324 = arith.constant 16 : i32
      %broadcast_in_dim3A_325 = arith.constant true
      %broadcast_in_dim3A_326 = vector.broadcast %broadcast_in_dim3A_325 : i1 to vector<16xi1>
      %masked_cumsum3A = tpu.scan <sum>, %scan3A_323#0 masked %broadcast_in_dim3A_326 : vector<16xi32>, vector<16xi1> -> vector<16xi32>
      %sub3A = arith.subi %masked_cumsum3A, %scan3A_323#0 : vector<16xi32>
      %add3A = vector.broadcast %scan3A_313 : i32 to vector<16xi32>
      %add3A_327 = arith.addi %add3A, %sub3A : vector<16xi32>
      %add3A_328 = arith.addi %add3A_327, %scan3A_323#1 : vector<16xi32>
      %swap3A = arith.index_cast %mul3A_315 : i32 to index
      %swap3A_329 = tpu.vector_load %arg15[%swap3A] {strides = array<i32>} : memref<1024xi32, #tpu.memory_space<vmem>>, vector<16xi32>,
      tpu.vector_store %arg15[%swap3A], %add3A_328 {strides = array<i32>} : memref<1024xi32, #tpu.memory_space<vmem>>, vector<16xi32>,
      %reduce_sum3A = arith.constant true
      %reduce_sum3A_330 = vector.broadcast %reduce_sum3A : i1 to vector<16xi1>
      %reduce_sum3A_331 = tpu.scan <sum>, %scan3A_323#0 masked %reduce_sum3A_330 : vector<16xi32>, vector<16xi1> -> vector<16xi32>
      %reduce_sum3A_332 = vector.extract %reduce_sum3A_331[15] : i32 from vector<16xi32>
      %add3A_333 = arith.addi %scan3A_313, %reduce_sum3A_332 : i32
      scf.yield %add3A_333 : i32
    }
    %scan3A_135 = arith.constant 64 : i32
    %scan3A_136 = arith.constant 0 : i32
    %scan3A_137 = arith.constant 0 : i32
    %scan3A_138 = arith.constant 400 : i32
    %scan3A_139 = arith.addi %scan3A_137, %scan3A_138 : i32
    %scan3A_140 = arith.constant 1 : i32
    scf.for %scan3A_312 = %scan3A_137 to %scan3A_139 step %scan3A_140  : i32 {
      %mul3A_313 = arith.constant 16 : i32
      %mul3A_314 = arith.muli %scan3A_312, %mul3A_313 : i32
      %get3A = arith.index_cast %mul3A_314 : i32 to index
      %get3A_315 = tpu.vector_load %arg8[%get3A] {strides = array<i32>} : memref<6400xi32, #tpu.memory_space<vmem>>, vector<16xi32>,
      %shift_right_arithmetic3A = arith.constant 10 : i32
      %shift_right_arithmetic3A_316 = vector.broadcast %shift_right_arithmetic3A : i32 to vector<16xi32>
      %shift_right_arithmetic3A_317 = arith.shrsi %get3A_315, %shift_right_arithmetic3A_316 : vector<16xi32>
      %and3A = arith.constant 1023 : i32
      %and3A_318 = vector.broadcast %and3A : i32 to vector<16xi32>
      %and3A_319 = arith.andi %shift_right_arithmetic3A_317, %and3A_318 : vector<16xi32>
      %broadcast_in_dim3A = arith.constant true
      %broadcast_in_dim3A_320 = vector.broadcast %broadcast_in_dim3A : i1 to vector<16xi1>
      %unique3A, %unique3A_321 = tpu.scan_count mask(%broadcast_in_dim3A_320 : vector<16xi1>) value(%and3A_319 : vector<16xi32>) : vector<16xi1>, vector<16xi32>
      %gather3A = tpu.vector_load_idx %arg15[%and3A_319] : memref<1024xi32, #tpu.memory_space<vmem>>[vector<16xi32>], vector<16xi32>,
      %add3A = arith.addi %gather3A, %unique3A_321 : vector<16xi32>
      tpu.vector_store_idx %arg15[%and3A_319], %add3A masked %unique3A : memref<1024xi32, #tpu.memory_space<vmem>>[vector<16xi32>], vector<16xi32>, vector<16xi1>
      %add3A_322 = arith.addi %gather3A, %unique3A_321 : vector<16xi32>
      %sub3A = arith.constant 1 : i32
      %sub3A_323 = vector.broadcast %sub3A : i32 to vector<16xi32>
      %sub3A_324 = arith.subi %add3A_322, %sub3A_323 : vector<16xi32>
      %jit3A = arith.constant 8 : i32
      %div3A = arith.divsi %scan3A_312, %jit3A : i32
      %sign3A = arith.constant 0 : i32
      %sign3A_325 = arith.cmpi sgt, %scan3A_312, %sign3A : i32
      %sign3A_326 = arith.extui %sign3A_325 : i1 to i32
      %sign3A_327 = arith.constant 0 : i32
      %sign3A_328 = arith.cmpi slt, %scan3A_312, %sign3A_327 : i32
      %sign3A_329 = arith.extui %sign3A_328 : i1 to i32
      %sign3A_330 = arith.subi %sign3A_326, %sign3A_329 : i32
      %sign3A_331 = arith.constant 0 : i32
      %sign3A_332 = arith.cmpi sgt, %jit3A, %sign3A_331 : i32
      %sign3A_333 = arith.extui %sign3A_332 : i1 to i32
      %sign3A_334 = arith.constant 0 : i32
      %sign3A_335 = arith.cmpi slt, %jit3A, %sign3A_334 : i32
      %sign3A_336 = arith.extui %sign3A_335 : i1 to i32
      %sign3A_337 = arith.subi %sign3A_333, %sign3A_336 : i32
      %ne3A = arith.cmpi ne, %sign3A_330, %sign3A_337 : i32
      %rem3A = arith.remsi %scan3A_312, %jit3A : i32
      %ne3A_338 = arith.constant 0 : i32
      %ne3A_339 = arith.cmpi ne, %rem3A, %ne3A_338 : i32
      %and3A_340 = arith.andi %ne3A, %ne3A_339 : i1
      %sub3A_341 = arith.constant 1 : i32
      %sub3A_342 = arith.subi %div3A, %sub3A_341 : i32
      %select_n3A = arith.select %and3A_340, %sub3A_342, %div3A : i32
      %jit3A_343 = arith.constant 8 : i32
      %eq3A = arith.constant 0 : i32
      %eq3A_344 = arith.cmpi eq, %jit3A_343, %eq3A : i32
      %jit3A_345 = arith.constant 1 : i32
      %select_n3A_346 = arith.select %eq3A_344, %jit3A_345, %jit3A_343 : i32
      %rem3A_347 = arith.remsi %scan3A_312, %select_n3A_346 : i32
      %ne3A_348 = arith.constant 0 : i32
      %ne3A_349 = arith.cmpi ne, %rem3A_347, %ne3A_348 : i32
      %lt3A = arith.constant 0 : i32
      %lt3A_350 = arith.cmpi slt, %rem3A_347, %lt3A : i32
      %lt3A_351 = arith.constant 0 : i32
      %lt3A_352 = arith.cmpi slt, %select_n3A_346, %lt3A_351 : i32
      %ne3A_353 = arith.xori %lt3A_350, %lt3A_352 : i1
      %and3A_354 = arith.andi %ne3A_353, %ne3A_349 : i1
      %add3A_355 = arith.addi %rem3A_347, %select_n3A_346 : i32
      %select_n3A_356 = arith.select %and3A_354, %add3A_355, %rem3A_347 : i32
      %mul3A_357 = arith.constant 16 : i32
      %mul3A_358 = arith.muli %select_n3A_356, %mul3A_357 : i32
      %swap3A = arith.index_cast %select_n3A : i32 to index
      %swap3A_359 = arith.index_cast %mul3A_358 : i32 to index
      %swap3A_360 = tpu.vector_load %arg17[%swap3A, %swap3A_359] {strides = array<i32>} : memref<50x128xi32, #tpu.memory_space<vmem>>, vector<16xi32>,
      tpu.vector_store %arg17[%swap3A, %swap3A_359], %sub3A_324 {strides = array<i32>} : memref<50x128xi32, #tpu.memory_space<vmem>>, vector<16xi32>,
    }
    %scan3A_141 = arith.constant 400 : i32
    %scan3A_142 = arith.constant 0 : i32
    %scan3A_143 = arith.constant 0 : i32
    %scan3A_144 = arith.constant 50 : i32
    %scan3A_145 = arith.addi %scan3A_143, %scan3A_144 : i32
    %scan3A_146 = arith.constant 1 : i32
    scf.for %scan3A_312 = %scan3A_143 to %scan3A_145 step %scan3A_146  : i32 {
      %mul3A_313 = arith.constant 128 : i32
      %mul3A_314 = arith.muli %scan3A_312, %mul3A_313 : i32
      %dma_start3A_315 = tpu.memref_slice %arg8[%mul3A_314] : memref<6400xi32, #tpu.memory_space<vmem>> -> memref<128xi32, #tpu.memory_space<vmem>>
      %dma_start3A_316 = arith.constant 0 : i32
      %dma_start3A_317 = tpu.memref_slice %arg17[%scan3A_312, %dma_start3A_316] : memref<50x128xi32, #tpu.memory_space<vmem>> -> memref<1x128xi32, #tpu.memory_space<vmem>>
      %dma_start3A_318 = tpu.memref_squeeze %dma_start3A_317 : memref<1x128xi32, #tpu.memory_space<vmem>> -> memref<128xi32, #tpu.memory_space<vmem>>
      %dma_start3A_319 = arith.constant 0 : i32
      %dma_start3A_320 = tpu.memref_slice %arg20[%dma_start3A_319] : memref<102400xi32, #tpu.memory_space<vmem_shared>> -> memref<102400xi32, #tpu.memory_space<vmem_shared>>
      tpu.enqueue_indirect_dma source(%dma_start3A_315 : memref<128xi32, #tpu.memory_space<vmem>>) target(%dma_start3A_320 : memref<102400xi32, #tpu.memory_space<vmem_shared>>) offsets(%dma_start3A_318 : memref<128xi32, #tpu.memory_space<vmem>>) semaphore(%arg7 : memref<!tpu.dma_semaphore, #tpu.memory_space<semaphore_mem>>)
      %mul3A_321 = arith.constant 128 : i32
      %mul3A_322 = arith.muli %scan3A_312, %mul3A_321 : i32
      %dma_start3A_323 = tpu.memref_slice %arg9[%mul3A_322] : memref<6400xi32, #tpu.memory_space<vmem>> -> memref<128xi32, #tpu.memory_space<vmem>>
      %dma_start3A_324 = arith.constant 0 : i32
      %dma_start3A_325 = tpu.memref_slice %arg17[%scan3A_312, %dma_start3A_324] : memref<50x128xi32, #tpu.memory_space<vmem>> -> memref<1x128xi32, #tpu.memory_space<vmem>>
      %dma_start3A_326 = tpu.memref_squeeze %dma_start3A_325 : memref<1x128xi32, #tpu.memory_space<vmem>> -> memref<128xi32, #tpu.memory_space<vmem>>
      %dma_start3A_327 = arith.constant 0 : i32
      %dma_start3A_328 = tpu.memref_slice %arg21[%dma_start3A_327] : memref<102400xi32, #tpu.memory_space<vmem_shared>> -> memref<102400xi32, #tpu.memory_space<vmem_shared>>
      tpu.enqueue_indirect_dma source(%dma_start3A_323 : memref<128xi32, #tpu.memory_space<vmem>>) target(%dma_start3A_328 : memref<102400xi32, #tpu.memory_space<vmem_shared>>) offsets(%dma_start3A_326 : memref<128xi32, #tpu.memory_space<vmem>>) semaphore(%arg7 : memref<!tpu.dma_semaphore, #tpu.memory_space<semaphore_mem>>)
      %ge3A = arith.constant 4 : i32
      %ge3A_329 = arith.cmpi sge, %scan3A_312, %ge3A : i32
      %convert_element_type3A = arith.extui %ge3A_329 : i1 to i32
      %cond3A = arith.constant 0 : i32
      %cond3A_330 = arith.cmpi ne, %convert_element_type3A, %cond3A : i32
      scf.if %cond3A_330 {
        %dma_wait3A_331 = arith.constant 0 : i32
        %dma_wait3A_332 = tpu.memref_slice %arg11[%dma_wait3A_331] : memref<6400xi32, #tpu.memory_space<vmem>> -> memref<128xi32, #tpu.memory_space<vmem>>
        %dma_wait3A_333 = arith.constant 0 : i32
        %dma_wait3A_334 = tpu.memref_slice %arg3[%dma_wait3A_333] : memref<102400xi32, #tpu.memory_space<hbm>> -> memref<128xi32, #tpu.memory_space<hbm>>
        %dma_wait3A_335 = arith.constant 0 : i32
        %dma_wait3A_336 = tpu.memref_slice %arg11[%dma_wait3A_335] : memref<6400xi32, #tpu.memory_space<vmem>> -> memref<128xi32, #tpu.memory_space<vmem>>
        %dma_wait3A_337 = arith.constant 0 : i32
        %dma_wait3A_338 = tpu.memref_slice %arg3[%dma_wait3A_337] : memref<102400xi32, #tpu.memory_space<hbm>> -> memref<128xi32, #tpu.memory_space<hbm>>
        tpu.wait_dma2 semaphore(%arg7 : memref<!tpu.dma_semaphore, #tpu.memory_space<semaphore_mem>>) src(%dma_wait3A_338 : memref<128xi32, #tpu.memory_space<hbm>>) dst(%dma_wait3A_336 : memref<128xi32, #tpu.memory_space<vmem>>)
        %dma_wait3A_339 = arith.constant 0 : i32
        %dma_wait3A_340 = tpu.memref_slice %arg11[%dma_wait3A_339] : memref<6400xi32, #tpu.memory_space<vmem>> -> memref<128xi32, #tpu.memory_space<vmem>>
        %dma_wait3A_341 = arith.constant 0 : i32
        %dma_wait3A_342 = tpu.memref_slice %arg3[%dma_wait3A_341] : memref<102400xi32, #tpu.memory_space<hbm>> -> memref<128xi32, #tpu.memory_space<hbm>>
        %dma_wait3A_343 = arith.constant 0 : i32
        %dma_wait3A_344 = tpu.memref_slice %arg11[%dma_wait3A_343] : memref<6400xi32, #tpu.memory_space<vmem>> -> memref<128xi32, #tpu.memory_space<vmem>>
        %dma_wait3A_345 = arith.constant 0 : i32
        %dma_wait3A_346 = tpu.memref_slice %arg3[%dma_wait3A_345] : memref<102400xi32, #tpu.memory_space<hbm>> -> memref<128xi32, #tpu.memory_space<hbm>>
        tpu.wait_dma2 semaphore(%arg7 : memref<!tpu.dma_semaphore, #tpu.memory_space<semaphore_mem>>) src(%dma_wait3A_346 : memref<128xi32, #tpu.memory_space<hbm>>) dst(%dma_wait3A_344 : memref<128xi32, #tpu.memory_space<vmem>>)
      } else {
      }
    }
    %scan3A_147 = arith.constant 50 : i32
    %dma_wait3A_148 = arith.constant 0 : i32
    %dma_wait3A_149 = tpu.memref_slice %arg11[%dma_wait3A_148] : memref<6400xi32, #tpu.memory_space<vmem>> -> memref<128xi32, #tpu.memory_space<vmem>>
    %dma_wait3A_150 = arith.constant 0 : i32
    %dma_wait3A_151 = tpu.memref_slice %arg3[%dma_wait3A_150] : memref<102400xi32, #tpu.memory_space<hbm>> -> memref<128xi32, #tpu.memory_space<hbm>>
    %dma_wait3A_152 = arith.constant 0 : i32
    %dma_wait3A_153 = tpu.memref_slice %arg11[%dma_wait3A_152] : memref<6400xi32, #tpu.memory_space<vmem>> -> memref<128xi32, #tpu.memory_space<vmem>>
    %dma_wait3A_154 = arith.constant 0 : i32
    %dma_wait3A_155 = tpu.memref_slice %arg3[%dma_wait3A_154] : memref<102400xi32, #tpu.memory_space<hbm>> -> memref<128xi32, #tpu.memory_space<hbm>>
    tpu.wait_dma2 semaphore(%arg7 : memref<!tpu.dma_semaphore, #tpu.memory_space<semaphore_mem>>) src(%dma_wait3A_155 : memref<128xi32, #tpu.memory_space<hbm>>) dst(%dma_wait3A_153 : memref<128xi32, #tpu.memory_space<vmem>>)
    %dma_wait3A_156 = arith.constant 0 : i32
    %dma_wait3A_157 = tpu.memref_slice %arg11[%dma_wait3A_156] : memref<6400xi32, #tpu.memory_space<vmem>> -> memref<128xi32, #tpu.memory_space<vmem>>
    %dma_wait3A_158 = arith.constant 0 : i32
    %dma_wait3A_159 = tpu.memref_slice %arg3[%dma_wait3A_158] : memref<102400xi32, #tpu.memory_space<hbm>> -> memref<128xi32, #tpu.memory_space<hbm>>
    %dma_wait3A_160 = arith.constant 0 : i32
    %dma_wait3A_161 = tpu.memref_slice %arg11[%dma_wait3A_160] : memref<6400xi32, #tpu.memory_space<vmem>> -> memref<128xi32, #tpu.memory_space<vmem>>
    %dma_wait3A_162 = arith.constant 0 : i32
    %dma_wait3A_163 = tpu.memref_slice %arg3[%dma_wait3A_162] : memref<102400xi32, #tpu.memory_space<hbm>> -> memref<128xi32, #tpu.memory_space<hbm>>
    tpu.wait_dma2 semaphore(%arg7 : memref<!tpu.dma_semaphore, #tpu.memory_space<semaphore_mem>>) src(%dma_wait3A_163 : memref<128xi32, #tpu.memory_space<hbm>>) dst(%dma_wait3A_161 : memref<128xi32, #tpu.memory_space<vmem>>)
    %dma_wait3A_164 = arith.constant 0 : i32
    %dma_wait3A_165 = tpu.memref_slice %arg11[%dma_wait3A_164] : memref<6400xi32, #tpu.memory_space<vmem>> -> memref<128xi32, #tpu.memory_space<vmem>>
    %dma_wait3A_166 = arith.constant 0 : i32
    %dma_wait3A_167 = tpu.memref_slice %arg3[%dma_wait3A_166] : memref<102400xi32, #tpu.memory_space<hbm>> -> memref<128xi32, #tpu.memory_space<hbm>>
    %dma_wait3A_168 = arith.constant 0 : i32
    %dma_wait3A_169 = tpu.memref_slice %arg11[%dma_wait3A_168] : memref<6400xi32, #tpu.memory_space<vmem>> -> memref<128xi32, #tpu.memory_space<vmem>>
    %dma_wait3A_170 = arith.constant 0 : i32
    %dma_wait3A_171 = tpu.memref_slice %arg3[%dma_wait3A_170] : memref<102400xi32, #tpu.memory_space<hbm>> -> memref<128xi32, #tpu.memory_space<hbm>>
    tpu.wait_dma2 semaphore(%arg7 : memref<!tpu.dma_semaphore, #tpu.memory_space<semaphore_mem>>) src(%dma_wait3A_171 : memref<128xi32, #tpu.memory_space<hbm>>) dst(%dma_wait3A_169 : memref<128xi32, #tpu.memory_space<vmem>>)
    %dma_wait3A_172 = arith.constant 0 : i32
    %dma_wait3A_173 = tpu.memref_slice %arg11[%dma_wait3A_172] : memref<6400xi32, #tpu.memory_space<vmem>> -> memref<128xi32, #tpu.memory_space<vmem>>
    %dma_wait3A_174 = arith.constant 0 : i32
    %dma_wait3A_175 = tpu.memref_slice %arg3[%dma_wait3A_174] : memref<102400xi32, #tpu.memory_space<hbm>> -> memref<128xi32, #tpu.memory_space<hbm>>
    %dma_wait3A_176 = arith.constant 0 : i32
    %dma_wait3A_177 = tpu.memref_slice %arg11[%dma_wait3A_176] : memref<6400xi32, #tpu.memory_space<vmem>> -> memref<128xi32, #tpu.memory_space<vmem>>
    %dma_wait3A_178 = arith.constant 0 : i32
    %dma_wait3A_179 = tpu.memref_slice %arg3[%dma_wait3A_178] : memref<102400xi32, #tpu.memory_space<hbm>> -> memref<128xi32, #tpu.memory_space<hbm>>
    tpu.wait_dma2 semaphore(%arg7 : memref<!tpu.dma_semaphore, #tpu.memory_space<semaphore_mem>>) src(%dma_wait3A_179 : memref<128xi32, #tpu.memory_space<hbm>>) dst(%dma_wait3A_177 : memref<128xi32, #tpu.memory_space<vmem>>)
    %dma_wait3A_180 = arith.constant 0 : i32
    %dma_wait3A_181 = tpu.memref_slice %arg11[%dma_wait3A_180] : memref<6400xi32, #tpu.memory_space<vmem>> -> memref<128xi32, #tpu.memory_space<vmem>>
    %dma_wait3A_182 = arith.constant 0 : i32
    %dma_wait3A_183 = tpu.memref_slice %arg3[%dma_wait3A_182] : memref<102400xi32, #tpu.memory_space<hbm>> -> memref<128xi32, #tpu.memory_space<hbm>>
    %dma_wait3A_184 = arith.constant 0 : i32
    %dma_wait3A_185 = tpu.memref_slice %arg11[%dma_wait3A_184] : memref<6400xi32, #tpu.memory_space<vmem>> -> memref<128xi32, #tpu.memory_space<vmem>>
    %dma_wait3A_186 = arith.constant 0 : i32
    %dma_wait3A_187 = tpu.memref_slice %arg3[%dma_wait3A_186] : memref<102400xi32, #tpu.memory_space<hbm>> -> memref<128xi32, #tpu.memory_space<hbm>>
    tpu.wait_dma2 semaphore(%arg7 : memref<!tpu.dma_semaphore, #tpu.memory_space<semaphore_mem>>) src(%dma_wait3A_187 : memref<128xi32, #tpu.memory_space<hbm>>) dst(%dma_wait3A_185 : memref<128xi32, #tpu.memory_space<vmem>>)
    %dma_wait3A_188 = arith.constant 0 : i32
    %dma_wait3A_189 = tpu.memref_slice %arg11[%dma_wait3A_188] : memref<6400xi32, #tpu.memory_space<vmem>> -> memref<128xi32, #tpu.memory_space<vmem>>
    %dma_wait3A_190 = arith.constant 0 : i32
    %dma_wait3A_191 = tpu.memref_slice %arg3[%dma_wait3A_190] : memref<102400xi32, #tpu.memory_space<hbm>> -> memref<128xi32, #tpu.memory_space<hbm>>
    %dma_wait3A_192 = arith.constant 0 : i32
    %dma_wait3A_193 = tpu.memref_slice %arg11[%dma_wait3A_192] : memref<6400xi32, #tpu.memory_space<vmem>> -> memref<128xi32, #tpu.memory_space<vmem>>
    %dma_wait3A_194 = arith.constant 0 : i32
    %dma_wait3A_195 = tpu.memref_slice %arg3[%dma_wait3A_194] : memref<102400xi32, #tpu.memory_space<hbm>> -> memref<128xi32, #tpu.memory_space<hbm>>
    tpu.wait_dma2 semaphore(%arg7 : memref<!tpu.dma_semaphore, #tpu.memory_space<semaphore_mem>>) src(%dma_wait3A_195 : memref<128xi32, #tpu.memory_space<hbm>>) dst(%dma_wait3A_193 : memref<128xi32, #tpu.memory_space<vmem>>)
    %dma_wait3A_196 = arith.constant 0 : i32
    %dma_wait3A_197 = tpu.memref_slice %arg11[%dma_wait3A_196] : memref<6400xi32, #tpu.memory_space<vmem>> -> memref<128xi32, #tpu.memory_space<vmem>>
    %dma_wait3A_198 = arith.constant 0 : i32
    %dma_wait3A_199 = tpu.memref_slice %arg3[%dma_wait3A_198] : memref<102400xi32, #tpu.memory_space<hbm>> -> memref<128xi32, #tpu.memory_space<hbm>>
    %dma_wait3A_200 = arith.constant 0 : i32
    %dma_wait3A_201 = tpu.memref_slice %arg11[%dma_wait3A_200] : memref<6400xi32, #tpu.memory_space<vmem>> -> memref<128xi32, #tpu.memory_space<vmem>>
    %dma_wait3A_202 = arith.constant 0 : i32
    %dma_wait3A_203 = tpu.memref_slice %arg3[%dma_wait3A_202] : memref<102400xi32, #tpu.memory_space<hbm>> -> memref<128xi32, #tpu.memory_space<hbm>>
    tpu.wait_dma2 semaphore(%arg7 : memref<!tpu.dma_semaphore, #tpu.memory_space<semaphore_mem>>) src(%dma_wait3A_203 : memref<128xi32, #tpu.memory_space<hbm>>) dst(%dma_wait3A_201 : memref<128xi32, #tpu.memory_space<vmem>>)
    %dma_wait3A_204 = arith.constant 0 : i32
    %dma_wait3A_205 = tpu.memref_slice %arg11[%dma_wait3A_204] : memref<6400xi32, #tpu.memory_space<vmem>> -> memref<128xi32, #tpu.memory_space<vmem>>
    %dma_wait3A_206 = arith.constant 0 : i32
    %dma_wait3A_207 = tpu.memref_slice %arg3[%dma_wait3A_206] : memref<102400xi32, #tpu.memory_space<hbm>> -> memref<128xi32, #tpu.memory_space<hbm>>
    %dma_wait3A_208 = arith.constant 0 : i32
    %dma_wait3A_209 = tpu.memref_slice %arg11[%dma_wait3A_208] : memref<6400xi32, #tpu.memory_space<vmem>> -> memref<128xi32, #tpu.memory_space<vmem>>
    %dma_wait3A_210 = arith.constant 0 : i32
    %dma_wait3A_211 = tpu.memref_slice %arg3[%dma_wait3A_210] : memref<102400xi32, #tpu.memory_space<hbm>> -> memref<128xi32, #tpu.memory_space<hbm>>
    tpu.wait_dma2 semaphore(%arg7 : memref<!tpu.dma_semaphore, #tpu.memory_space<semaphore_mem>>) src(%dma_wait3A_211 : memref<128xi32, #tpu.memory_space<hbm>>) dst(%dma_wait3A_209 : memref<128xi32, #tpu.memory_space<vmem>>)
    %barrier3A_212 = arith.constant 0 : index
    tpu.barrier barrier_id(%barrier3A_212)
    "tpu.region"() ({
      %run_scoped3A = tpu.sem_alloc : memref<!tpu.dma_semaphore, #tpu.memory_space<semaphore_mem>>
      %dma_start3A_312 = tpu.memref_slice %arg20[%mul3A_0] : memref<102400xi32, #tpu.memory_space<vmem_shared>> -> memref<6400xi32, #tpu.memory_space<vmem_shared>>
      %dma_start3A_313 = tpu.memref_slice %arg20[%mul3A_0] : memref<102400xi32, #tpu.memory_space<vmem_shared>> -> memref<6400xi32, #tpu.memory_space<vmem_shared>>
      tpu.enqueue_dma source(%dma_start3A_313 : memref<6400xi32, #tpu.memory_space<vmem_shared>>) target(%arg8 : memref<6400xi32, #tpu.memory_space<vmem>>) target_semaphore(%run_scoped3A : memref<!tpu.dma_semaphore, #tpu.memory_space<semaphore_mem>>)
      %dma_wait3A_314 = tpu.memref_slice %arg20[%mul3A_0] : memref<102400xi32, #tpu.memory_space<vmem_shared>> -> memref<6400xi32, #tpu.memory_space<vmem_shared>>
      %dma_wait3A_315 = tpu.memref_slice %arg20[%mul3A_0] : memref<102400xi32, #tpu.memory_space<vmem_shared>> -> memref<6400xi32, #tpu.memory_space<vmem_shared>>
      tpu.wait_dma2 semaphore(%run_scoped3A : memref<!tpu.dma_semaphore, #tpu.memory_space<semaphore_mem>>) src(%dma_wait3A_315 : memref<6400xi32, #tpu.memory_space<vmem_shared>>) dst(%arg8 : memref<6400xi32, #tpu.memory_space<vmem>>)
      tpu.yield
    }) : () -> ()
    "tpu.region"() ({
      %run_scoped3A = tpu.sem_alloc : memref<!tpu.dma_semaphore, #tpu.memory_space<semaphore_mem>>
      %dma_start3A_312 = tpu.memref_slice %arg21[%mul3A_0] : memref<102400xi32, #tpu.memory_space<vmem_shared>> -> memref<6400xi32, #tpu.memory_space<vmem_shared>>
      %dma_start3A_313 = tpu.memref_slice %arg21[%mul3A_0] : memref<102400xi32, #tpu.memory_space<vmem_shared>> -> memref<6400xi32, #tpu.memory_space<vmem_shared>>
      tpu.enqueue_dma source(%dma_start3A_313 : memref<6400xi32, #tpu.memory_space<vmem_shared>>) target(%arg9 : memref<6400xi32, #tpu.memory_space<vmem>>) target_semaphore(%run_scoped3A : memref<!tpu.dma_semaphore, #tpu.memory_space<semaphore_mem>>)
      %dma_wait3A_314 = tpu.memref_slice %arg21[%mul3A_0] : memref<102400xi32, #tpu.memory_space<vmem_shared>> -> memref<6400xi32, #tpu.memory_space<vmem_shared>>
      %dma_wait3A_315 = tpu.memref_slice %arg21[%mul3A_0] : memref<102400xi32, #tpu.memory_space<vmem_shared>> -> memref<6400xi32, #tpu.memory_space<vmem_shared>>
      tpu.wait_dma2 semaphore(%run_scoped3A : memref<!tpu.dma_semaphore, #tpu.memory_space<semaphore_mem>>) src(%dma_wait3A_315 : memref<6400xi32, #tpu.memory_space<vmem_shared>>) dst(%arg9 : memref<6400xi32, #tpu.memory_space<vmem>>)
      tpu.yield
    }) : () -> ()
    %scan3A_213 = arith.constant 0 : i32
    %scan3A_214 = arith.constant 0 : i32
    %scan3A_215 = arith.constant 64 : i32
    %scan3A_216 = arith.addi %scan3A_214, %scan3A_215 : i32
    %scan3A_217 = arith.constant 1 : i32
    scf.for %scan3A_312 = %scan3A_214 to %scan3A_216 step %scan3A_217  : i32 {
      %broadcast_in_dim3A = arith.constant 0 : i32
      %broadcast_in_dim3A_313 = vector.broadcast %broadcast_in_dim3A : i32 to vector<16xi32>
      %mul3A_314 = arith.constant 16 : i32
      %mul3A_315 = arith.muli %scan3A_312, %mul3A_314 : i32
      %swap3A = arith.index_cast %mul3A_315 : i32 to index
      %swap3A_316 = tpu.vector_load %arg14[%swap3A] {strides = array<i32>} : memref<1024xi32, #tpu.memory_space<vmem>>, vector<16xi32>,
      tpu.vector_store %arg14[%swap3A], %broadcast_in_dim3A_313 {strides = array<i32>} : memref<1024xi32, #tpu.memory_space<vmem>>, vector<16xi32>,
    }
    %scan3A_218 = arith.constant 64 : i32
    %scan3A_219 = arith.constant 0 : i32
    %scan3A_220 = arith.constant 0 : i32
    %scan3A_221 = arith.constant 400 : i32
    %scan3A_222 = arith.addi %scan3A_220, %scan3A_221 : i32
    %scan3A_223 = arith.constant 1 : i32
    scf.for %scan3A_312 = %scan3A_220 to %scan3A_222 step %scan3A_223  : i32 {
      %mul3A_313 = arith.constant 16 : i32
      %mul3A_314 = arith.muli %scan3A_312, %mul3A_313 : i32
      %get3A = arith.index_cast %mul3A_314 : i32 to index
      %get3A_315 = tpu.vector_load %arg8[%get3A] {strides = array<i32>} : memref<6400xi32, #tpu.memory_space<vmem>>, vector<16xi32>,
      %shift_right_arithmetic3A = arith.constant 20 : i32
      %shift_right_arithmetic3A_316 = vector.broadcast %shift_right_arithmetic3A : i32 to vector<16xi32>
      %shift_right_arithmetic3A_317 = arith.shrsi %get3A_315, %shift_right_arithmetic3A_316 : vector<16xi32>
      %and3A = arith.constant 1023 : i32
      %and3A_318 = vector.broadcast %and3A : i32 to vector<16xi32>
      %and3A_319 = arith.andi %shift_right_arithmetic3A_317, %and3A_318 : vector<16xi32>
      %broadcast_in_dim3A = arith.constant true
      %broadcast_in_dim3A_320 = vector.broadcast %broadcast_in_dim3A : i1 to vector<16xi1>
      %unique3A, %unique3A_321 = tpu.scan_count mask(%broadcast_in_dim3A_320 : vector<16xi1>) value(%and3A_319 : vector<16xi32>) : vector<16xi1>, vector<16xi32>
      %gather3A = tpu.vector_load_idx %arg14[%and3A_319] : memref<1024xi32, #tpu.memory_space<vmem>>[vector<16xi32>], vector<16xi32>,
      %add3A = arith.addi %gather3A, %unique3A_321 : vector<16xi32>
      tpu.vector_store_idx %arg14[%and3A_319], %add3A masked %unique3A : memref<1024xi32, #tpu.memory_space<vmem>>[vector<16xi32>], vector<16xi32>, vector<16xi1>
    }
    %scan3A_224 = arith.constant 400 : i32
    %mul3A_225 = arith.constant 1024 : i32
    %mul3A_226 = arith.muli %arg1, %mul3A_225 : i32
    "tpu.region"() ({
      %run_scoped3A = tpu.sem_alloc : memref<!tpu.dma_semaphore, #tpu.memory_space<semaphore_mem>>
      %dma_start3A_312 = tpu.memref_slice %arg22[%mul3A_226] : memref<16384xi32, #tpu.memory_space<vmem_shared>> -> memref<1024xi32, #tpu.memory_space<vmem_shared>>
      %dma_start3A_313 = tpu.memref_slice %arg22[%mul3A_226] : memref<16384xi32, #tpu.memory_space<vmem_shared>> -> memref<1024xi32, #tpu.memory_space<vmem_shared>>
      tpu.enqueue_dma source(%arg14 : memref<1024xi32, #tpu.memory_space<vmem>>) target(%dma_start3A_313 : memref<1024xi32, #tpu.memory_space<vmem_shared>>) target_semaphore(%run_scoped3A : memref<!tpu.dma_semaphore, #tpu.memory_space<semaphore_mem>>)
      %dma_wait3A_314 = tpu.memref_slice %arg22[%mul3A_226] : memref<16384xi32, #tpu.memory_space<vmem_shared>> -> memref<1024xi32, #tpu.memory_space<vmem_shared>>
      %dma_wait3A_315 = tpu.memref_slice %arg22[%mul3A_226] : memref<16384xi32, #tpu.memory_space<vmem_shared>> -> memref<1024xi32, #tpu.memory_space<vmem_shared>>
      tpu.wait_dma2 semaphore(%run_scoped3A : memref<!tpu.dma_semaphore, #tpu.memory_space<semaphore_mem>>) src(%arg14 : memref<1024xi32, #tpu.memory_space<vmem>>) dst(%dma_wait3A_315 : memref<1024xi32, #tpu.memory_space<vmem_shared>>)
      tpu.yield
    }) : () -> ()
    %barrier3A_227 = arith.constant 0 : index
    tpu.barrier barrier_id(%barrier3A_227)
    "tpu.region"() ({
      %run_scoped3A = tpu.sem_alloc : memref<!tpu.dma_semaphore, #tpu.memory_space<semaphore_mem>>
      tpu.enqueue_dma source(%arg22 : memref<16384xi32, #tpu.memory_space<vmem_shared>>) target(%arg16 : memref<16384xi32, #tpu.memory_space<vmem>>) target_semaphore(%run_scoped3A : memref<!tpu.dma_semaphore, #tpu.memory_space<semaphore_mem>>)
      tpu.wait_dma2 semaphore(%run_scoped3A : memref<!tpu.dma_semaphore, #tpu.memory_space<semaphore_mem>>) src(%arg22 : memref<16384xi32, #tpu.memory_space<vmem_shared>>) dst(%arg16 : memref<16384xi32, #tpu.memory_space<vmem>>)
      tpu.yield
    }) : () -> ()
    %scan3A_228 = arith.constant 0 : i32
    %scan3A_229 = arith.constant 0 : i32
    %scan3A_230 = arith.constant 64 : i32
    %scan3A_231 = arith.addi %scan3A_229, %scan3A_230 : i32
    %scan3A_232 = arith.constant 1 : i32
    %scan3A_233 = scf.for %scan3A_312 = %scan3A_229 to %scan3A_231 step %scan3A_232 iter_args(%scan3A_313 = %scan3A_228) -> (i32)  : i32 {
      %mul3A_314 = arith.constant 16 : i32
      %mul3A_315 = arith.muli %scan3A_312, %mul3A_314 : i32
      %broadcast_in_dim3A = arith.constant 0 : i32
      %broadcast_in_dim3A_316 = vector.broadcast %broadcast_in_dim3A : i32 to vector<16xi32>
      %broadcast_in_dim3A_317 = arith.constant 0 : i32
      %broadcast_in_dim3A_318 = vector.broadcast %broadcast_in_dim3A_317 : i32 to vector<16xi32>
      %scan3A_319 = arith.constant 0 : i32
      %scan3A_320 = arith.constant 16 : i32
      %scan3A_321 = arith.addi %scan3A_319, %scan3A_320 : i32
      %scan3A_322 = arith.constant 1 : i32
      %scan3A_323:2 = scf.for %scan3A_334 = %scan3A_319 to %scan3A_321 step %scan3A_322 iter_args(%scan3A_335 = %broadcast_in_dim3A_316, %scan3A_336 = %broadcast_in_dim3A_318) -> (vector<16xi32>, vector<16xi32>)  : i32 {
        %mul3A_337 = arith.constant 1024 : i32
        %mul3A_338 = arith.muli %scan3A_334, %mul3A_337 : i32
        %mul3A_339 = arith.constant 16 : i32
        %mul3A_340 = arith.muli %scan3A_312, %mul3A_339 : i32
        %add3A_341 = arith.addi %mul3A_338, %mul3A_340 : i32
        %get3A = arith.index_cast %add3A_341 : i32 to index
        %get3A_342 = tpu.vector_load %arg16[%get3A] {strides = array<i32>} : memref<16384xi32, #tpu.memory_space<vmem>>, vector<16xi32>,
        %add3A_343 = arith.addi %scan3A_335, %get3A_342 : vector<16xi32>
        %lt3A = arith.cmpi slt, %scan3A_334, %arg1 : i32
        %jit3A = arith.constant 0 : i32
        %broadcast_in_dim3A_344 = vector.broadcast %jit3A : i32 to vector<16xi32>
        %select_n3A = arith.select %lt3A, %get3A_342, %broadcast_in_dim3A_344 : vector<16xi32>
        %add3A_345 = arith.addi %scan3A_336, %select_n3A : vector<16xi32>
        scf.yield %add3A_343, %add3A_345 : vector<16xi32>, vector<16xi32>
      }
      %scan3A_324 = arith.constant 16 : i32
      %broadcast_in_dim3A_325 = arith.constant true
      %broadcast_in_dim3A_326 = vector.broadcast %broadcast_in_dim3A_325 : i1 to vector<16xi1>
      %masked_cumsum3A = tpu.scan <sum>, %scan3A_323#0 masked %broadcast_in_dim3A_326 : vector<16xi32>, vector<16xi1> -> vector<16xi32>
      %sub3A = arith.subi %masked_cumsum3A, %scan3A_323#0 : vector<16xi32>
      %add3A = vector.broadcast %scan3A_313 : i32 to vector<16xi32>
      %add3A_327 = arith.addi %add3A, %sub3A : vector<16xi32>
      %add3A_328 = arith.addi %add3A_327, %scan3A_323#1 : vector<16xi32>
      %swap3A = arith.index_cast %mul3A_315 : i32 to index
      %swap3A_329 = tpu.vector_load %arg15[%swap3A] {strides = array<i32>} : memref<1024xi32, #tpu.memory_space<vmem>>, vector<16xi32>,
      tpu.vector_store %arg15[%swap3A], %add3A_328 {strides = array<i32>} : memref<1024xi32, #tpu.memory_space<vmem>>, vector<16xi32>,
      %reduce_sum3A = arith.constant true
      %reduce_sum3A_330 = vector.broadcast %reduce_sum3A : i1 to vector<16xi1>
      %reduce_sum3A_331 = tpu.scan <sum>, %scan3A_323#0 masked %reduce_sum3A_330 : vector<16xi32>, vector<16xi1> -> vector<16xi32>
      %reduce_sum3A_332 = vector.extract %reduce_sum3A_331[15] : i32 from vector<16xi32>
      %add3A_333 = arith.addi %scan3A_313, %reduce_sum3A_332 : i32
      scf.yield %add3A_333 : i32
    }
    %scan3A_234 = arith.constant 64 : i32
    %scan3A_235 = arith.constant 0 : i32
    %scan3A_236 = arith.constant 0 : i32
    %scan3A_237 = arith.constant 400 : i32
    %scan3A_238 = arith.addi %scan3A_236, %scan3A_237 : i32
    %scan3A_239 = arith.constant 1 : i32
    scf.for %scan3A_312 = %scan3A_236 to %scan3A_238 step %scan3A_239  : i32 {
      %mul3A_313 = arith.constant 16 : i32
      %mul3A_314 = arith.muli %scan3A_312, %mul3A_313 : i32
      %get3A = arith.index_cast %mul3A_314 : i32 to index
      %get3A_315 = tpu.vector_load %arg8[%get3A] {strides = array<i32>} : memref<6400xi32, #tpu.memory_space<vmem>>, vector<16xi32>,
      %shift_right_arithmetic3A = arith.constant 20 : i32
      %shift_right_arithmetic3A_316 = vector.broadcast %shift_right_arithmetic3A : i32 to vector<16xi32>
      %shift_right_arithmetic3A_317 = arith.shrsi %get3A_315, %shift_right_arithmetic3A_316 : vector<16xi32>
      %and3A = arith.constant 1023 : i32
      %and3A_318 = vector.broadcast %and3A : i32 to vector<16xi32>
      %and3A_319 = arith.andi %shift_right_arithmetic3A_317, %and3A_318 : vector<16xi32>
      %broadcast_in_dim3A = arith.constant true
      %broadcast_in_dim3A_320 = vector.broadcast %broadcast_in_dim3A : i1 to vector<16xi1>
      %unique3A, %unique3A_321 = tpu.scan_count mask(%broadcast_in_dim3A_320 : vector<16xi1>) value(%and3A_319 : vector<16xi32>) : vector<16xi1>, vector<16xi32>
      %gather3A = tpu.vector_load_idx %arg15[%and3A_319] : memref<1024xi32, #tpu.memory_space<vmem>>[vector<16xi32>], vector<16xi32>,
      %add3A = arith.addi %gather3A, %unique3A_321 : vector<16xi32>
      tpu.vector_store_idx %arg15[%and3A_319], %add3A masked %unique3A : memref<1024xi32, #tpu.memory_space<vmem>>[vector<16xi32>], vector<16xi32>, vector<16xi1>
      %add3A_322 = arith.addi %gather3A, %unique3A_321 : vector<16xi32>
      %sub3A = arith.constant 1 : i32
      %sub3A_323 = vector.broadcast %sub3A : i32 to vector<16xi32>
      %sub3A_324 = arith.subi %add3A_322, %sub3A_323 : vector<16xi32>
      %jit3A = arith.constant 8 : i32
      %div3A = arith.divsi %scan3A_312, %jit3A : i32
      %sign3A = arith.constant 0 : i32
      %sign3A_325 = arith.cmpi sgt, %scan3A_312, %sign3A : i32
      %sign3A_326 = arith.extui %sign3A_325 : i1 to i32
      %sign3A_327 = arith.constant 0 : i32
      %sign3A_328 = arith.cmpi slt, %scan3A_312, %sign3A_327 : i32
      %sign3A_329 = arith.extui %sign3A_328 : i1 to i32
      %sign3A_330 = arith.subi %sign3A_326, %sign3A_329 : i32
      %sign3A_331 = arith.constant 0 : i32
      %sign3A_332 = arith.cmpi sgt, %jit3A, %sign3A_331 : i32
      %sign3A_333 = arith.extui %sign3A_332 : i1 to i32
      %sign3A_334 = arith.constant 0 : i32
      %sign3A_335 = arith.cmpi slt, %jit3A, %sign3A_334 : i32
      %sign3A_336 = arith.extui %sign3A_335 : i1 to i32
      %sign3A_337 = arith.subi %sign3A_333, %sign3A_336 : i32
      %ne3A = arith.cmpi ne, %sign3A_330, %sign3A_337 : i32
      %rem3A = arith.remsi %scan3A_312, %jit3A : i32
      %ne3A_338 = arith.constant 0 : i32
      %ne3A_339 = arith.cmpi ne, %rem3A, %ne3A_338 : i32
      %and3A_340 = arith.andi %ne3A, %ne3A_339 : i1
      %sub3A_341 = arith.constant 1 : i32
      %sub3A_342 = arith.subi %div3A, %sub3A_341 : i32
      %select_n3A = arith.select %and3A_340, %sub3A_342, %div3A : i32
      %jit3A_343 = arith.constant 8 : i32
      %eq3A = arith.constant 0 : i32
      %eq3A_344 = arith.cmpi eq, %jit3A_343, %eq3A : i32
      %jit3A_345 = arith.constant 1 : i32
      %select_n3A_346 = arith.select %eq3A_344, %jit3A_345, %jit3A_343 : i32
      %rem3A_347 = arith.remsi %scan3A_312, %select_n3A_346 : i32
      %ne3A_348 = arith.constant 0 : i32
      %ne3A_349 = arith.cmpi ne, %rem3A_347, %ne3A_348 : i32
      %lt3A = arith.constant 0 : i32
      %lt3A_350 = arith.cmpi slt, %rem3A_347, %lt3A : i32
      %lt3A_351 = arith.constant 0 : i32
      %lt3A_352 = arith.cmpi slt, %select_n3A_346, %lt3A_351 : i32
      %ne3A_353 = arith.xori %lt3A_350, %lt3A_352 : i1
      %and3A_354 = arith.andi %ne3A_353, %ne3A_349 : i1
      %add3A_355 = arith.addi %rem3A_347, %select_n3A_346 : i32
      %select_n3A_356 = arith.select %and3A_354, %add3A_355, %rem3A_347 : i32
      %mul3A_357 = arith.constant 16 : i32
      %mul3A_358 = arith.muli %select_n3A_356, %mul3A_357 : i32
      %swap3A = arith.index_cast %select_n3A : i32 to index
      %swap3A_359 = arith.index_cast %mul3A_358 : i32 to index
      %swap3A_360 = tpu.vector_load %arg17[%swap3A, %swap3A_359] {strides = array<i32>} : memref<50x128xi32, #tpu.memory_space<vmem>>, vector<16xi32>,
      tpu.vector_store %arg17[%swap3A, %swap3A_359], %sub3A_324 {strides = array<i32>} : memref<50x128xi32, #tpu.memory_space<vmem>>, vector<16xi32>,
    }
    %scan3A_240 = arith.constant 400 : i32
    %scan3A_241 = arith.constant 0 : i32
    %scan3A_242 = arith.constant 0 : i32
    %scan3A_243 = arith.constant 50 : i32
    %scan3A_244 = arith.addi %scan3A_242, %scan3A_243 : i32
    %scan3A_245 = arith.constant 1 : i32
    scf.for %scan3A_312 = %scan3A_242 to %scan3A_244 step %scan3A_245  : i32 {
      %mul3A_313 = arith.constant 128 : i32
      %mul3A_314 = arith.muli %scan3A_312, %mul3A_313 : i32
      %dma_start3A_315 = tpu.memref_slice %arg8[%mul3A_314] : memref<6400xi32, #tpu.memory_space<vmem>> -> memref<128xi32, #tpu.memory_space<vmem>>
      %dma_start3A_316 = arith.constant 0 : i32
      %dma_start3A_317 = tpu.memref_slice %arg17[%scan3A_312, %dma_start3A_316] : memref<50x128xi32, #tpu.memory_space<vmem>> -> memref<1x128xi32, #tpu.memory_space<vmem>>
      %dma_start3A_318 = tpu.memref_squeeze %dma_start3A_317 : memref<1x128xi32, #tpu.memory_space<vmem>> -> memref<128xi32, #tpu.memory_space<vmem>>
      %dma_start3A_319 = arith.constant 0 : i32
      %dma_start3A_320 = tpu.memref_slice %arg18[%dma_start3A_319] : memref<102400xi32, #tpu.memory_space<vmem_shared>> -> memref<102400xi32, #tpu.memory_space<vmem_shared>>
      tpu.enqueue_indirect_dma source(%dma_start3A_315 : memref<128xi32, #tpu.memory_space<vmem>>) target(%dma_start3A_320 : memref<102400xi32, #tpu.memory_space<vmem_shared>>) offsets(%dma_start3A_318 : memref<128xi32, #tpu.memory_space<vmem>>) semaphore(%arg7 : memref<!tpu.dma_semaphore, #tpu.memory_space<semaphore_mem>>)
      %mul3A_321 = arith.constant 128 : i32
      %mul3A_322 = arith.muli %scan3A_312, %mul3A_321 : i32
      %dma_start3A_323 = tpu.memref_slice %arg9[%mul3A_322] : memref<6400xi32, #tpu.memory_space<vmem>> -> memref<128xi32, #tpu.memory_space<vmem>>
      %dma_start3A_324 = arith.constant 0 : i32
      %dma_start3A_325 = tpu.memref_slice %arg17[%scan3A_312, %dma_start3A_324] : memref<50x128xi32, #tpu.memory_space<vmem>> -> memref<1x128xi32, #tpu.memory_space<vmem>>
      %dma_start3A_326 = tpu.memref_squeeze %dma_start3A_325 : memref<1x128xi32, #tpu.memory_space<vmem>> -> memref<128xi32, #tpu.memory_space<vmem>>
      %dma_start3A_327 = arith.constant 0 : i32
      %dma_start3A_328 = tpu.memref_slice %arg19[%dma_start3A_327] : memref<102400xi32, #tpu.memory_space<vmem_shared>> -> memref<102400xi32, #tpu.memory_space<vmem_shared>>
      tpu.enqueue_indirect_dma source(%dma_start3A_323 : memref<128xi32, #tpu.memory_space<vmem>>) target(%dma_start3A_328 : memref<102400xi32, #tpu.memory_space<vmem_shared>>) offsets(%dma_start3A_326 : memref<128xi32, #tpu.memory_space<vmem>>) semaphore(%arg7 : memref<!tpu.dma_semaphore, #tpu.memory_space<semaphore_mem>>)
      %ge3A = arith.constant 4 : i32
      %ge3A_329 = arith.cmpi sge, %scan3A_312, %ge3A : i32
      %convert_element_type3A = arith.extui %ge3A_329 : i1 to i32
      %cond3A = arith.constant 0 : i32
      %cond3A_330 = arith.cmpi ne, %convert_element_type3A, %cond3A : i32
      scf.if %cond3A_330 {
        %dma_wait3A_331 = arith.constant 0 : i32
        %dma_wait3A_332 = tpu.memref_slice %arg11[%dma_wait3A_331] : memref<6400xi32, #tpu.memory_space<vmem>> -> memref<128xi32, #tpu.memory_space<vmem>>
        %dma_wait3A_333 = arith.constant 0 : i32
        %dma_wait3A_334 = tpu.memref_slice %arg3[%dma_wait3A_333] : memref<102400xi32, #tpu.memory_space<hbm>> -> memref<128xi32, #tpu.memory_space<hbm>>
        %dma_wait3A_335 = arith.constant 0 : i32
        %dma_wait3A_336 = tpu.memref_slice %arg11[%dma_wait3A_335] : memref<6400xi32, #tpu.memory_space<vmem>> -> memref<128xi32, #tpu.memory_space<vmem>>
        %dma_wait3A_337 = arith.constant 0 : i32
        %dma_wait3A_338 = tpu.memref_slice %arg3[%dma_wait3A_337] : memref<102400xi32, #tpu.memory_space<hbm>> -> memref<128xi32, #tpu.memory_space<hbm>>
        tpu.wait_dma2 semaphore(%arg7 : memref<!tpu.dma_semaphore, #tpu.memory_space<semaphore_mem>>) src(%dma_wait3A_338 : memref<128xi32, #tpu.memory_space<hbm>>) dst(%dma_wait3A_336 : memref<128xi32, #tpu.memory_space<vmem>>)
        %dma_wait3A_339 = arith.constant 0 : i32
        %dma_wait3A_340 = tpu.memref_slice %arg11[%dma_wait3A_339] : memref<6400xi32, #tpu.memory_space<vmem>> -> memref<128xi32, #tpu.memory_space<vmem>>
        %dma_wait3A_341 = arith.constant 0 : i32
        %dma_wait3A_342 = tpu.memref_slice %arg3[%dma_wait3A_341] : memref<102400xi32, #tpu.memory_space<hbm>> -> memref<128xi32, #tpu.memory_space<hbm>>
        %dma_wait3A_343 = arith.constant 0 : i32
        %dma_wait3A_344 = tpu.memref_slice %arg11[%dma_wait3A_343] : memref<6400xi32, #tpu.memory_space<vmem>> -> memref<128xi32, #tpu.memory_space<vmem>>
        %dma_wait3A_345 = arith.constant 0 : i32
        %dma_wait3A_346 = tpu.memref_slice %arg3[%dma_wait3A_345] : memref<102400xi32, #tpu.memory_space<hbm>> -> memref<128xi32, #tpu.memory_space<hbm>>
        tpu.wait_dma2 semaphore(%arg7 : memref<!tpu.dma_semaphore, #tpu.memory_space<semaphore_mem>>) src(%dma_wait3A_346 : memref<128xi32, #tpu.memory_space<hbm>>) dst(%dma_wait3A_344 : memref<128xi32, #tpu.memory_space<vmem>>)
      } else {
      }
    }
    %scan3A_246 = arith.constant 50 : i32
    %dma_wait3A_247 = arith.constant 0 : i32
    %dma_wait3A_248 = tpu.memref_slice %arg11[%dma_wait3A_247] : memref<6400xi32, #tpu.memory_space<vmem>> -> memref<128xi32, #tpu.memory_space<vmem>>
    %dma_wait3A_249 = arith.constant 0 : i32
    %dma_wait3A_250 = tpu.memref_slice %arg3[%dma_wait3A_249] : memref<102400xi32, #tpu.memory_space<hbm>> -> memref<128xi32, #tpu.memory_space<hbm>>
    %dma_wait3A_251 = arith.constant 0 : i32
    %dma_wait3A_252 = tpu.memref_slice %arg11[%dma_wait3A_251] : memref<6400xi32, #tpu.memory_space<vmem>> -> memref<128xi32, #tpu.memory_space<vmem>>
    %dma_wait3A_253 = arith.constant 0 : i32
    %dma_wait3A_254 = tpu.memref_slice %arg3[%dma_wait3A_253] : memref<102400xi32, #tpu.memory_space<hbm>> -> memref<128xi32, #tpu.memory_space<hbm>>
    tpu.wait_dma2 semaphore(%arg7 : memref<!tpu.dma_semaphore, #tpu.memory_space<semaphore_mem>>) src(%dma_wait3A_254 : memref<128xi32, #tpu.memory_space<hbm>>) dst(%dma_wait3A_252 : memref<128xi32, #tpu.memory_space<vmem>>)
    %dma_wait3A_255 = arith.constant 0 : i32
    %dma_wait3A_256 = tpu.memref_slice %arg11[%dma_wait3A_255] : memref<6400xi32, #tpu.memory_space<vmem>> -> memref<128xi32, #tpu.memory_space<vmem>>
    %dma_wait3A_257 = arith.constant 0 : i32
    %dma_wait3A_258 = tpu.memref_slice %arg3[%dma_wait3A_257] : memref<102400xi32, #tpu.memory_space<hbm>> -> memref<128xi32, #tpu.memory_space<hbm>>
    %dma_wait3A_259 = arith.constant 0 : i32
    %dma_wait3A_260 = tpu.memref_slice %arg11[%dma_wait3A_259] : memref<6400xi32, #tpu.memory_space<vmem>> -> memref<128xi32, #tpu.memory_space<vmem>>
    %dma_wait3A_261 = arith.constant 0 : i32
    %dma_wait3A_262 = tpu.memref_slice %arg3[%dma_wait3A_261] : memref<102400xi32, #tpu.memory_space<hbm>> -> memref<128xi32, #tpu.memory_space<hbm>>
    tpu.wait_dma2 semaphore(%arg7 : memref<!tpu.dma_semaphore, #tpu.memory_space<semaphore_mem>>) src(%dma_wait3A_262 : memref<128xi32, #tpu.memory_space<hbm>>) dst(%dma_wait3A_260 : memref<128xi32, #tpu.memory_space<vmem>>)
    %dma_wait3A_263 = arith.constant 0 : i32
    %dma_wait3A_264 = tpu.memref_slice %arg11[%dma_wait3A_263] : memref<6400xi32, #tpu.memory_space<vmem>> -> memref<128xi32, #tpu.memory_space<vmem>>
    %dma_wait3A_265 = arith.constant 0 : i32
    %dma_wait3A_266 = tpu.memref_slice %arg3[%dma_wait3A_265] : memref<102400xi32, #tpu.memory_space<hbm>> -> memref<128xi32, #tpu.memory_space<hbm>>
    %dma_wait3A_267 = arith.constant 0 : i32
    %dma_wait3A_268 = tpu.memref_slice %arg11[%dma_wait3A_267] : memref<6400xi32, #tpu.memory_space<vmem>> -> memref<128xi32, #tpu.memory_space<vmem>>
    %dma_wait3A_269 = arith.constant 0 : i32
    %dma_wait3A_270 = tpu.memref_slice %arg3[%dma_wait3A_269] : memref<102400xi32, #tpu.memory_space<hbm>> -> memref<128xi32, #tpu.memory_space<hbm>>
    tpu.wait_dma2 semaphore(%arg7 : memref<!tpu.dma_semaphore, #tpu.memory_space<semaphore_mem>>) src(%dma_wait3A_270 : memref<128xi32, #tpu.memory_space<hbm>>) dst(%dma_wait3A_268 : memref<128xi32, #tpu.memory_space<vmem>>)
    %dma_wait3A_271 = arith.constant 0 : i32
    %dma_wait3A_272 = tpu.memref_slice %arg11[%dma_wait3A_271] : memref<6400xi32, #tpu.memory_space<vmem>> -> memref<128xi32, #tpu.memory_space<vmem>>
    %dma_wait3A_273 = arith.constant 0 : i32
    %dma_wait3A_274 = tpu.memref_slice %arg3[%dma_wait3A_273] : memref<102400xi32, #tpu.memory_space<hbm>> -> memref<128xi32, #tpu.memory_space<hbm>>
    %dma_wait3A_275 = arith.constant 0 : i32
    %dma_wait3A_276 = tpu.memref_slice %arg11[%dma_wait3A_275] : memref<6400xi32, #tpu.memory_space<vmem>> -> memref<128xi32, #tpu.memory_space<vmem>>
    %dma_wait3A_277 = arith.constant 0 : i32
    %dma_wait3A_278 = tpu.memref_slice %arg3[%dma_wait3A_277] : memref<102400xi32, #tpu.memory_space<hbm>> -> memref<128xi32, #tpu.memory_space<hbm>>
    tpu.wait_dma2 semaphore(%arg7 : memref<!tpu.dma_semaphore, #tpu.memory_space<semaphore_mem>>) src(%dma_wait3A_278 : memref<128xi32, #tpu.memory_space<hbm>>) dst(%dma_wait3A_276 : memref<128xi32, #tpu.memory_space<vmem>>)
    %dma_wait3A_279 = arith.constant 0 : i32
    %dma_wait3A_280 = tpu.memref_slice %arg11[%dma_wait3A_279] : memref<6400xi32, #tpu.memory_space<vmem>> -> memref<128xi32, #tpu.memory_space<vmem>>
    %dma_wait3A_281 = arith.constant 0 : i32
    %dma_wait3A_282 = tpu.memref_slice %arg3[%dma_wait3A_281] : memref<102400xi32, #tpu.memory_space<hbm>> -> memref<128xi32, #tpu.memory_space<hbm>>
    %dma_wait3A_283 = arith.constant 0 : i32
    %dma_wait3A_284 = tpu.memref_slice %arg11[%dma_wait3A_283] : memref<6400xi32, #tpu.memory_space<vmem>> -> memref<128xi32, #tpu.memory_space<vmem>>
    %dma_wait3A_285 = arith.constant 0 : i32
    %dma_wait3A_286 = tpu.memref_slice %arg3[%dma_wait3A_285] : memref<102400xi32, #tpu.memory_space<hbm>> -> memref<128xi32, #tpu.memory_space<hbm>>
    tpu.wait_dma2 semaphore(%arg7 : memref<!tpu.dma_semaphore, #tpu.memory_space<semaphore_mem>>) src(%dma_wait3A_286 : memref<128xi32, #tpu.memory_space<hbm>>) dst(%dma_wait3A_284 : memref<128xi32, #tpu.memory_space<vmem>>)
    %dma_wait3A_287 = arith.constant 0 : i32
    %dma_wait3A_288 = tpu.memref_slice %arg11[%dma_wait3A_287] : memref<6400xi32, #tpu.memory_space<vmem>> -> memref<128xi32, #tpu.memory_space<vmem>>
    %dma_wait3A_289 = arith.constant 0 : i32
    %dma_wait3A_290 = tpu.memref_slice %arg3[%dma_wait3A_289] : memref<102400xi32, #tpu.memory_space<hbm>> -> memref<128xi32, #tpu.memory_space<hbm>>
    %dma_wait3A_291 = arith.constant 0 : i32
    %dma_wait3A_292 = tpu.memref_slice %arg11[%dma_wait3A_291] : memref<6400xi32, #tpu.memory_space<vmem>> -> memref<128xi32, #tpu.memory_space<vmem>>
    %dma_wait3A_293 = arith.constant 0 : i32
    %dma_wait3A_294 = tpu.memref_slice %arg3[%dma_wait3A_293] : memref<102400xi32, #tpu.memory_space<hbm>> -> memref<128xi32, #tpu.memory_space<hbm>>
    tpu.wait_dma2 semaphore(%arg7 : memref<!tpu.dma_semaphore, #tpu.memory_space<semaphore_mem>>) src(%dma_wait3A_294 : memref<128xi32, #tpu.memory_space<hbm>>) dst(%dma_wait3A_292 : memref<128xi32, #tpu.memory_space<vmem>>)
    %dma_wait3A_295 = arith.constant 0 : i32
    %dma_wait3A_296 = tpu.memref_slice %arg11[%dma_wait3A_295] : memref<6400xi32, #tpu.memory_space<vmem>> -> memref<128xi32, #tpu.memory_space<vmem>>
    %dma_wait3A_297 = arith.constant 0 : i32
    %dma_wait3A_298 = tpu.memref_slice %arg3[%dma_wait3A_297] : memref<102400xi32, #tpu.memory_space<hbm>> -> memref<128xi32, #tpu.memory_space<hbm>>
    %dma_wait3A_299 = arith.constant 0 : i32
    %dma_wait3A_300 = tpu.memref_slice %arg11[%dma_wait3A_299] : memref<6400xi32, #tpu.memory_space<vmem>> -> memref<128xi32, #tpu.memory_space<vmem>>
    %dma_wait3A_301 = arith.constant 0 : i32
    %dma_wait3A_302 = tpu.memref_slice %arg3[%dma_wait3A_301] : memref<102400xi32, #tpu.memory_space<hbm>> -> memref<128xi32, #tpu.memory_space<hbm>>
    tpu.wait_dma2 semaphore(%arg7 : memref<!tpu.dma_semaphore, #tpu.memory_space<semaphore_mem>>) src(%dma_wait3A_302 : memref<128xi32, #tpu.memory_space<hbm>>) dst(%dma_wait3A_300 : memref<128xi32, #tpu.memory_space<vmem>>)
    %dma_wait3A_303 = arith.constant 0 : i32
    %dma_wait3A_304 = tpu.memref_slice %arg11[%dma_wait3A_303] : memref<6400xi32, #tpu.memory_space<vmem>> -> memref<128xi32, #tpu.memory_space<vmem>>
    %dma_wait3A_305 = arith.constant 0 : i32
    %dma_wait3A_306 = tpu.memref_slice %arg3[%dma_wait3A_305] : memref<102400xi32, #tpu.memory_space<hbm>> -> memref<128xi32, #tpu.memory_space<hbm>>
    %dma_wait3A_307 = arith.constant 0 : i32
    %dma_wait3A_308 = tpu.memref_slice %arg11[%dma_wait3A_307] : memref<6400xi32, #tpu.memory_space<vmem>> -> memref<128xi32, #tpu.memory_space<vmem>>
    %dma_wait3A_309 = arith.constant 0 : i32
    %dma_wait3A_310 = tpu.memref_slice %arg3[%dma_wait3A_309] : memref<102400xi32, #tpu.memory_space<hbm>> -> memref<128xi32, #tpu.memory_space<hbm>>
    tpu.wait_dma2 semaphore(%arg7 : memref<!tpu.dma_semaphore, #tpu.memory_space<semaphore_mem>>) src(%dma_wait3A_310 : memref<128xi32, #tpu.memory_space<hbm>>) dst(%dma_wait3A_308 : memref<128xi32, #tpu.memory_space<vmem>>)
    %barrier3A_311 = arith.constant 0 : index
    tpu.barrier barrier_id(%barrier3A_311)
    "tpu.region"() ({
      %run_scoped3A = tpu.sem_alloc : memref<!tpu.dma_semaphore, #tpu.memory_space<semaphore_mem>>
      %dma_start3A_312 = tpu.memref_slice %arg6[%mul3A_0] : memref<102400xi32, #tpu.memory_space<hbm>> -> memref<6400xi32, #tpu.memory_space<hbm>>
      %dma_start3A_313 = tpu.memref_slice %arg19[%mul3A_0] : memref<102400xi32, #tpu.memory_space<vmem_shared>> -> memref<6400xi32, #tpu.memory_space<vmem_shared>>
      tpu.enqueue_dma source(%dma_start3A_313 : memref<6400xi32, #tpu.memory_space<vmem_shared>>) target(%dma_start3A_312 : memref<6400xi32, #tpu.memory_space<hbm>>) target_semaphore(%run_scoped3A : memref<!tpu.dma_semaphore, #tpu.memory_space<semaphore_mem>>)
      %dma_wait3A_314 = tpu.memref_slice %arg6[%mul3A_0] : memref<102400xi32, #tpu.memory_space<hbm>> -> memref<6400xi32, #tpu.memory_space<hbm>>
      %dma_wait3A_315 = tpu.memref_slice %arg19[%mul3A_0] : memref<102400xi32, #tpu.memory_space<vmem_shared>> -> memref<6400xi32, #tpu.memory_space<vmem_shared>>
      tpu.wait_dma2 semaphore(%run_scoped3A : memref<!tpu.dma_semaphore, #tpu.memory_space<semaphore_mem>>) src(%dma_wait3A_315 : memref<6400xi32, #tpu.memory_space<vmem_shared>>) dst(%dma_wait3A_314 : memref<6400xi32, #tpu.memory_space<hbm>>)
      tpu.yield
    }) : () -> ()
    return
  }
}

#map = affine_map<(d0, d1) -> (0)>
#map1 = affine_map<(d0, d1) -> (0, 0)>
module attributes {stable_mosaic.version = 14 : i64} {
  func.func @_gather_body(%arg0: i32, %arg1: i32, %arg2: memref<102400xi32, #tpu.memory_space<hbm>>, %arg3: memref<100000x64xf32, #tpu.memory_space<hbm>>, %arg4: memref<102400xi32, #tpu.memory_space<hbm>>, %arg5: memref<102400xi32, #tpu.memory_space<hbm>>, %arg6: memref<102400xi32, #tpu.memory_space<hbm>>, %arg7: memref<100000x64xf32, #tpu.memory_space<hbm>>, %arg8: memref<102400xi32, #tpu.memory_space<hbm>>, %arg9: memref<102400xi32, #tpu.memory_space<hbm>>, %arg10: memref<102400xi32, #tpu.memory_space<hbm>>, %arg11: memref<!tpu.dma_semaphore, #tpu.memory_space<semaphore_mem>>, %arg12: memref<!tpu.dma_semaphore, #tpu.memory_space<semaphore_mem>>, %arg13: memref<!tpu.dma_semaphore, #tpu.memory_space<semaphore_mem>>, %arg14: memref<3200xi32, #tpu.memory_space<vmem>>, %arg15: memref<2x128x64xf32, #tpu.memory_space<vmem>>, %arg16: memref<128x64xf32, #tpu.memory_space<vmem>>, %arg17: memref<3200xi32, #tpu.memory_space<vmem>>, %arg18: memref<3200xi32, #tpu.memory_space<vmem>>, %arg19: memref<3200xi32, #tpu.memory_space<vmem>>, %arg20: memref<102400xi32, #tpu.memory_space<vmem_shared>>, %arg21: memref<102400xi32, #tpu.memory_space<vmem_shared>>, %arg22: memref<102400xi32, #tpu.memory_space<vmem_shared>>) attributes {dimension_semantics = [#tpu.dimension_semantics<core_parallel>, #tpu.dimension_semantics<subcore_parallel>], iteration_bounds = array<i64: 2, 16>, scalar_prefetch = 0 : i64, scratch_operands = 12 : i64, tpu.core_type = #tpu.core_type<sc_vector_subcore>, window_params = [{transform_indices = #map}, {transform_indices = #map1}, {transform_indices = #map}, {transform_indices = #map}, {transform_indices = #map}, {transform_indices = #map1}, {transform_indices = #map}, {transform_indices = #map}, {transform_indices = #map}]} {
    %mul3A = arith.constant 2 : i32
    %mul3A_0 = arith.muli %arg1, %mul3A : i32
    %add3A = arith.addi %mul3A_0, %arg0 : i32
    %mul3A_1 = arith.constant 3200 : i32
    %mul3A_2 = arith.muli %add3A, %mul3A_1 : i32
    %mul3A_3 = arith.constant 6400 : i32
    %mul3A_4 = arith.muli %arg1, %mul3A_3 : i32
    "tpu.region"() ({
      %run_scoped3A = tpu.sem_alloc : memref<!tpu.dma_semaphore, #tpu.memory_space<semaphore_mem>>
      %dma_start3A_95 = tpu.memref_slice %arg20[%mul3A_4] : memref<102400xi32, #tpu.memory_space<vmem_shared>> -> memref<6400xi32, #tpu.memory_space<vmem_shared>>
      %dma_start3A_96 = tpu.memref_slice %arg4[%mul3A_4] : memref<102400xi32, #tpu.memory_space<hbm>> -> memref<6400xi32, #tpu.memory_space<hbm>>
      tpu.enqueue_dma source(%dma_start3A_96 : memref<6400xi32, #tpu.memory_space<hbm>>) target(%dma_start3A_95 : memref<6400xi32, #tpu.memory_space<vmem_shared>>) target_semaphore(%run_scoped3A : memref<!tpu.dma_semaphore, #tpu.memory_space<semaphore_mem>>)
      %dma_wait3A_97 = tpu.memref_slice %arg20[%mul3A_4] : memref<102400xi32, #tpu.memory_space<vmem_shared>> -> memref<6400xi32, #tpu.memory_space<vmem_shared>>
      %dma_wait3A_98 = tpu.memref_slice %arg4[%mul3A_4] : memref<102400xi32, #tpu.memory_space<hbm>> -> memref<6400xi32, #tpu.memory_space<hbm>>
      tpu.wait_dma2 semaphore(%run_scoped3A : memref<!tpu.dma_semaphore, #tpu.memory_space<semaphore_mem>>) src(%dma_wait3A_98 : memref<6400xi32, #tpu.memory_space<hbm>>) dst(%dma_wait3A_97 : memref<6400xi32, #tpu.memory_space<vmem_shared>>)
      tpu.yield
    }) : () -> ()
    "tpu.region"() ({
      %run_scoped3A = tpu.sem_alloc : memref<!tpu.dma_semaphore, #tpu.memory_space<semaphore_mem>>
      %dma_start3A_95 = tpu.memref_slice %arg21[%mul3A_4] : memref<102400xi32, #tpu.memory_space<vmem_shared>> -> memref<6400xi32, #tpu.memory_space<vmem_shared>>
      %dma_start3A_96 = tpu.memref_slice %arg5[%mul3A_4] : memref<102400xi32, #tpu.memory_space<hbm>> -> memref<6400xi32, #tpu.memory_space<hbm>>
      tpu.enqueue_dma source(%dma_start3A_96 : memref<6400xi32, #tpu.memory_space<hbm>>) target(%dma_start3A_95 : memref<6400xi32, #tpu.memory_space<vmem_shared>>) target_semaphore(%run_scoped3A : memref<!tpu.dma_semaphore, #tpu.memory_space<semaphore_mem>>)
      %dma_wait3A_97 = tpu.memref_slice %arg21[%mul3A_4] : memref<102400xi32, #tpu.memory_space<vmem_shared>> -> memref<6400xi32, #tpu.memory_space<vmem_shared>>
      %dma_wait3A_98 = tpu.memref_slice %arg5[%mul3A_4] : memref<102400xi32, #tpu.memory_space<hbm>> -> memref<6400xi32, #tpu.memory_space<hbm>>
      tpu.wait_dma2 semaphore(%run_scoped3A : memref<!tpu.dma_semaphore, #tpu.memory_space<semaphore_mem>>) src(%dma_wait3A_98 : memref<6400xi32, #tpu.memory_space<hbm>>) dst(%dma_wait3A_97 : memref<6400xi32, #tpu.memory_space<vmem_shared>>)
      tpu.yield
    }) : () -> ()
    "tpu.region"() ({
      %run_scoped3A = tpu.sem_alloc : memref<!tpu.dma_semaphore, #tpu.memory_space<semaphore_mem>>
      %dma_start3A_95 = tpu.memref_slice %arg22[%mul3A_4] : memref<102400xi32, #tpu.memory_space<vmem_shared>> -> memref<6400xi32, #tpu.memory_space<vmem_shared>>
      %dma_start3A_96 = tpu.memref_slice %arg6[%mul3A_4] : memref<102400xi32, #tpu.memory_space<hbm>> -> memref<6400xi32, #tpu.memory_space<hbm>>
      tpu.enqueue_dma source(%dma_start3A_96 : memref<6400xi32, #tpu.memory_space<hbm>>) target(%dma_start3A_95 : memref<6400xi32, #tpu.memory_space<vmem_shared>>) target_semaphore(%run_scoped3A : memref<!tpu.dma_semaphore, #tpu.memory_space<semaphore_mem>>)
      %dma_wait3A_97 = tpu.memref_slice %arg22[%mul3A_4] : memref<102400xi32, #tpu.memory_space<vmem_shared>> -> memref<6400xi32, #tpu.memory_space<vmem_shared>>
      %dma_wait3A_98 = tpu.memref_slice %arg6[%mul3A_4] : memref<102400xi32, #tpu.memory_space<hbm>> -> memref<6400xi32, #tpu.memory_space<hbm>>
      tpu.wait_dma2 semaphore(%run_scoped3A : memref<!tpu.dma_semaphore, #tpu.memory_space<semaphore_mem>>) src(%dma_wait3A_98 : memref<6400xi32, #tpu.memory_space<hbm>>) dst(%dma_wait3A_97 : memref<6400xi32, #tpu.memory_space<vmem_shared>>)
      tpu.yield
    }) : () -> ()
    "tpu.region"() ({
      %run_scoped3A = tpu.sem_alloc : memref<!tpu.dma_semaphore, #tpu.memory_space<semaphore_mem>>
      %dma_start3A_95 = tpu.memref_slice %arg2[%mul3A_2] : memref<102400xi32, #tpu.memory_space<hbm>> -> memref<3200xi32, #tpu.memory_space<hbm>>
      %dma_start3A_96 = tpu.memref_slice %arg2[%mul3A_2] : memref<102400xi32, #tpu.memory_space<hbm>> -> memref<3200xi32, #tpu.memory_space<hbm>>
      tpu.enqueue_dma source(%dma_start3A_96 : memref<3200xi32, #tpu.memory_space<hbm>>) target(%arg14 : memref<3200xi32, #tpu.memory_space<vmem>>) target_semaphore(%run_scoped3A : memref<!tpu.dma_semaphore, #tpu.memory_space<semaphore_mem>>)
      %dma_wait3A_97 = tpu.memref_slice %arg2[%mul3A_2] : memref<102400xi32, #tpu.memory_space<hbm>> -> memref<3200xi32, #tpu.memory_space<hbm>>
      %dma_wait3A_98 = tpu.memref_slice %arg2[%mul3A_2] : memref<102400xi32, #tpu.memory_space<hbm>> -> memref<3200xi32, #tpu.memory_space<hbm>>
      tpu.wait_dma2 semaphore(%run_scoped3A : memref<!tpu.dma_semaphore, #tpu.memory_space<semaphore_mem>>) src(%dma_wait3A_98 : memref<3200xi32, #tpu.memory_space<hbm>>) dst(%arg14 : memref<3200xi32, #tpu.memory_space<vmem>>)
      tpu.yield
    }) : () -> ()
    %barrier3A = arith.constant 0 : index
    tpu.barrier barrier_id(%barrier3A)
    %scan3A = arith.constant 0 : i32
    %scan3A_5 = arith.constant 0 : i32
    %scan3A_6 = arith.constant 25 : i32
    %scan3A_7 = arith.addi %scan3A_5, %scan3A_6 : i32
    %scan3A_8 = arith.constant 1 : i32
    scf.for %scan3A_95 = %scan3A_5 to %scan3A_7 step %scan3A_8  : i32 {
      %mul3A_96 = arith.constant 128 : i32
      %mul3A_97 = arith.muli %scan3A_95, %mul3A_96 : i32
      %mul3A_98 = arith.constant 128 : i32
      %mul3A_99 = arith.muli %scan3A_95, %mul3A_98 : i32
      %dma_start3A_100 = tpu.memref_slice %arg17[%mul3A_99] : memref<3200xi32, #tpu.memory_space<vmem>> -> memref<128xi32, #tpu.memory_space<vmem>>
      %dma_start3A_101 = tpu.memref_slice %arg14[%mul3A_97] : memref<3200xi32, #tpu.memory_space<vmem>> -> memref<128xi32, #tpu.memory_space<vmem>>
      %dma_start3A_102 = arith.constant 0 : i32
      %dma_start3A_103 = tpu.memref_slice %arg20[%dma_start3A_102] : memref<102400xi32, #tpu.memory_space<vmem_shared>> -> memref<102400xi32, #tpu.memory_space<vmem_shared>>
      tpu.enqueue_indirect_dma source(%dma_start3A_103 : memref<102400xi32, #tpu.memory_space<vmem_shared>>) target(%dma_start3A_100 : memref<128xi32, #tpu.memory_space<vmem>>) offsets(%dma_start3A_101 : memref<128xi32, #tpu.memory_space<vmem>>) semaphore(%arg11 : memref<!tpu.dma_semaphore, #tpu.memory_space<semaphore_mem>>)
      %dma_start3A_104 = tpu.memref_slice %arg18[%mul3A_99] : memref<3200xi32, #tpu.memory_space<vmem>> -> memref<128xi32, #tpu.memory_space<vmem>>
      %dma_start3A_105 = tpu.memref_slice %arg14[%mul3A_97] : memref<3200xi32, #tpu.memory_space<vmem>> -> memref<128xi32, #tpu.memory_space<vmem>>
      %dma_start3A_106 = arith.constant 0 : i32
      %dma_start3A_107 = tpu.memref_slice %arg21[%dma_start3A_106] : memref<102400xi32, #tpu.memory_space<vmem_shared>> -> memref<102400xi32, #tpu.memory_space<vmem_shared>>
      tpu.enqueue_indirect_dma source(%dma_start3A_107 : memref<102400xi32, #tpu.memory_space<vmem_shared>>) target(%dma_start3A_104 : memref<128xi32, #tpu.memory_space<vmem>>) offsets(%dma_start3A_105 : memref<128xi32, #tpu.memory_space<vmem>>) semaphore(%arg11 : memref<!tpu.dma_semaphore, #tpu.memory_space<semaphore_mem>>)
      %dma_start3A_108 = tpu.memref_slice %arg19[%mul3A_99] : memref<3200xi32, #tpu.memory_space<vmem>> -> memref<128xi32, #tpu.memory_space<vmem>>
      %dma_start3A_109 = tpu.memref_slice %arg14[%mul3A_97] : memref<3200xi32, #tpu.memory_space<vmem>> -> memref<128xi32, #tpu.memory_space<vmem>>
      %dma_start3A_110 = arith.constant 0 : i32
      %dma_start3A_111 = tpu.memref_slice %arg22[%dma_start3A_110] : memref<102400xi32, #tpu.memory_space<vmem_shared>> -> memref<102400xi32, #tpu.memory_space<vmem_shared>>
      tpu.enqueue_indirect_dma source(%dma_start3A_111 : memref<102400xi32, #tpu.memory_space<vmem_shared>>) target(%dma_start3A_108 : memref<128xi32, #tpu.memory_space<vmem>>) offsets(%dma_start3A_109 : memref<128xi32, #tpu.memory_space<vmem>>) semaphore(%arg11 : memref<!tpu.dma_semaphore, #tpu.memory_space<semaphore_mem>>)
      %ge3A = arith.constant 2 : i32
      %ge3A_112 = arith.cmpi sge, %scan3A_95, %ge3A : i32
      %convert_element_type3A_113 = arith.extui %ge3A_112 : i1 to i32
      %cond3A_114 = arith.constant 0 : i32
      %cond3A_115 = arith.cmpi ne, %convert_element_type3A_113, %cond3A_114 : i32
      scf.if %cond3A_115 {
        %dma_wait3A_116 = arith.constant 0 : i32
        %dma_wait3A_117 = tpu.memref_slice %arg17[%dma_wait3A_116] : memref<3200xi32, #tpu.memory_space<vmem>> -> memref<128xi32, #tpu.memory_space<vmem>>
        %dma_wait3A_118 = arith.constant 0 : i32
        %dma_wait3A_119 = tpu.memref_slice %arg2[%dma_wait3A_118] : memref<102400xi32, #tpu.memory_space<hbm>> -> memref<128xi32, #tpu.memory_space<hbm>>
        %dma_wait3A_120 = arith.constant 0 : i32
        %dma_wait3A_121 = tpu.memref_slice %arg17[%dma_wait3A_120] : memref<3200xi32, #tpu.memory_space<vmem>> -> memref<128xi32, #tpu.memory_space<vmem>>
        %dma_wait3A_122 = arith.constant 0 : i32
        %dma_wait3A_123 = tpu.memref_slice %arg2[%dma_wait3A_122] : memref<102400xi32, #tpu.memory_space<hbm>> -> memref<128xi32, #tpu.memory_space<hbm>>
        tpu.wait_dma2 semaphore(%arg11 : memref<!tpu.dma_semaphore, #tpu.memory_space<semaphore_mem>>) src(%dma_wait3A_123 : memref<128xi32, #tpu.memory_space<hbm>>) dst(%dma_wait3A_121 : memref<128xi32, #tpu.memory_space<vmem>>)
        %dma_wait3A_124 = arith.constant 0 : i32
        %dma_wait3A_125 = tpu.memref_slice %arg17[%dma_wait3A_124] : memref<3200xi32, #tpu.memory_space<vmem>> -> memref<128xi32, #tpu.memory_space<vmem>>
        %dma_wait3A_126 = arith.constant 0 : i32
        %dma_wait3A_127 = tpu.memref_slice %arg2[%dma_wait3A_126] : memref<102400xi32, #tpu.memory_space<hbm>> -> memref<128xi32, #tpu.memory_space<hbm>>
        %dma_wait3A_128 = arith.constant 0 : i32
        %dma_wait3A_129 = tpu.memref_slice %arg17[%dma_wait3A_128] : memref<3200xi32, #tpu.memory_space<vmem>> -> memref<128xi32, #tpu.memory_space<vmem>>
        %dma_wait3A_130 = arith.constant 0 : i32
        %dma_wait3A_131 = tpu.memref_slice %arg2[%dma_wait3A_130] : memref<102400xi32, #tpu.memory_space<hbm>> -> memref<128xi32, #tpu.memory_space<hbm>>
        tpu.wait_dma2 semaphore(%arg11 : memref<!tpu.dma_semaphore, #tpu.memory_space<semaphore_mem>>) src(%dma_wait3A_131 : memref<128xi32, #tpu.memory_space<hbm>>) dst(%dma_wait3A_129 : memref<128xi32, #tpu.memory_space<vmem>>)
        %dma_wait3A_132 = arith.constant 0 : i32
        %dma_wait3A_133 = tpu.memref_slice %arg17[%dma_wait3A_132] : memref<3200xi32, #tpu.memory_space<vmem>> -> memref<128xi32, #tpu.memory_space<vmem>>
        %dma_wait3A_134 = arith.constant 0 : i32
        %dma_wait3A_135 = tpu.memref_slice %arg2[%dma_wait3A_134] : memref<102400xi32, #tpu.memory_space<hbm>> -> memref<128xi32, #tpu.memory_space<hbm>>
        %dma_wait3A_136 = arith.constant 0 : i32
        %dma_wait3A_137 = tpu.memref_slice %arg17[%dma_wait3A_136] : memref<3200xi32, #tpu.memory_space<vmem>> -> memref<128xi32, #tpu.memory_space<vmem>>
        %dma_wait3A_138 = arith.constant 0 : i32
        %dma_wait3A_139 = tpu.memref_slice %arg2[%dma_wait3A_138] : memref<102400xi32, #tpu.memory_space<hbm>> -> memref<128xi32, #tpu.memory_space<hbm>>
        tpu.wait_dma2 semaphore(%arg11 : memref<!tpu.dma_semaphore, #tpu.memory_space<semaphore_mem>>) src(%dma_wait3A_139 : memref<128xi32, #tpu.memory_space<hbm>>) dst(%dma_wait3A_137 : memref<128xi32, #tpu.memory_space<vmem>>)
      } else {
      }
    }
    %scan3A_9 = arith.constant 25 : i32
    %eq3A = arith.constant 31 : i32
    %eq3A_10 = arith.cmpi eq, %add3A, %eq3A : i32
    %jit3A = arith.constant 6 : i32
    %jit3A_11 = arith.constant 25 : i32
    %select_n3A = arith.select %eq3A_10, %jit3A, %jit3A_11 : i32
    %dma_start3A = arith.constant 0 : i32
    %dma_start3A_12 = arith.constant 0 : i32
    %dma_start3A_13 = arith.constant 0 : i32
    %dma_start3A_14 = tpu.memref_slice %arg15[%dma_start3A, %dma_start3A_12, %dma_start3A_13] : memref<2x128x64xf32, #tpu.memory_space<vmem>> -> memref<1x128x64xf32, #tpu.memory_space<vmem>>
    %dma_start3A_15 = tpu.memref_squeeze %dma_start3A_14 : memref<1x128x64xf32, #tpu.memory_space<vmem>> -> memref<128x64xf32, #tpu.memory_space<vmem>>
    %dma_start3A_16 = arith.constant 0 : i32
    %dma_start3A_17 = tpu.memref_slice %arg14[%dma_start3A_16] : memref<3200xi32, #tpu.memory_space<vmem>> -> memref<128xi32, #tpu.memory_space<vmem>>
    %dma_start3A_18 = arith.constant 0 : i32
    %dma_start3A_19 = arith.constant 0 : i32
    %dma_start3A_20 = tpu.memref_slice %arg3[%dma_start3A_18, %dma_start3A_19] : memref<100000x64xf32, #tpu.memory_space<hbm>> -> memref<100000x64xf32, #tpu.memory_space<hbm>>
    tpu.enqueue_indirect_dma source(%dma_start3A_20 : memref<100000x64xf32, #tpu.memory_space<hbm>>) target(%dma_start3A_15 : memref<128x64xf32, #tpu.memory_space<vmem>>) offsets(%dma_start3A_17 : memref<128xi32, #tpu.memory_space<vmem>>) semaphore(%arg12 : memref<!tpu.dma_semaphore, #tpu.memory_space<semaphore_mem>>)
    %while3A = arith.constant 0 : i32
    %while3A_21 = arith.constant 0 : i32
    %while3A_22 = arith.subi %select_n3A, %while3A_21 : i32
    %while3A_23 = arith.addi %while3A_21, %while3A_22 : i32
    %while3A_24 = arith.constant 1 : i32
    %while3A_25 = arith.divsi %while3A_22, %while3A_24 : i32
    %while3A_26 = arith.muli %while3A_25, %while3A_24 : i32
    %while3A_27 = arith.addi %while3A_21, %while3A_26 : i32
    %while3A_28 = arith.constant 1 : i32
    scf.for %while3A_95 = %while3A_21 to %while3A_27 step %while3A_28  : i32 {
      %and3A = arith.constant 1 : i32
      %and3A_96 = arith.andi %while3A_95, %and3A : i32
      %ge3A = arith.constant 1 : i32
      %ge3A_97 = arith.cmpi sge, %while3A_95, %ge3A : i32
      %convert_element_type3A_98 = arith.extui %ge3A_97 : i1 to i32
      %cond3A_99 = arith.constant 0 : i32
      %cond3A_100 = arith.cmpi ne, %convert_element_type3A_98, %cond3A_99 : i32
      scf.if %cond3A_100 {
        %dma_wait3A_136 = arith.constant 0 : i32
        %dma_wait3A_137 = arith.constant 0 : i32
        %dma_wait3A_138 = arith.constant 0 : i32
        %dma_wait3A_139 = tpu.memref_slice %arg15[%dma_wait3A_136, %dma_wait3A_137, %dma_wait3A_138] : memref<2x128x64xf32, #tpu.memory_space<vmem>> -> memref<1x128x64xf32, #tpu.memory_space<vmem>>
        %dma_wait3A_140 = tpu.memref_squeeze %dma_wait3A_139 : memref<1x128x64xf32, #tpu.memory_space<vmem>> -> memref<128x64xf32, #tpu.memory_space<vmem>>
        %dma_wait3A_141 = arith.constant 0 : i32
        %dma_wait3A_142 = arith.constant 0 : i32
        %dma_wait3A_143 = tpu.memref_slice %arg3[%dma_wait3A_141, %dma_wait3A_142] : memref<100000x64xf32, #tpu.memory_space<hbm>> -> memref<128x64xf32, #tpu.memory_space<hbm>>
        %dma_wait3A_144 = arith.constant 0 : i32
        %dma_wait3A_145 = arith.constant 0 : i32
        %dma_wait3A_146 = tpu.memref_slice %arg15[%dma_wait3A_136, %dma_wait3A_144, %dma_wait3A_145] : memref<2x128x64xf32, #tpu.memory_space<vmem>> -> memref<1x128x64xf32, #tpu.memory_space<vmem>>
        %dma_wait3A_147 = tpu.memref_squeeze %dma_wait3A_146 : memref<1x128x64xf32, #tpu.memory_space<vmem>> -> memref<128x64xf32, #tpu.memory_space<vmem>>
        %dma_wait3A_148 = arith.constant 0 : i32
        %dma_wait3A_149 = arith.constant 0 : i32
        %dma_wait3A_150 = tpu.memref_slice %arg3[%dma_wait3A_148, %dma_wait3A_149] : memref<100000x64xf32, #tpu.memory_space<hbm>> -> memref<128x64xf32, #tpu.memory_space<hbm>>
        tpu.wait_dma2 semaphore(%arg13 : memref<!tpu.dma_semaphore, #tpu.memory_space<semaphore_mem>>) src(%dma_wait3A_150 : memref<128x64xf32, #tpu.memory_space<hbm>>) dst(%dma_wait3A_147 : memref<128x64xf32, #tpu.memory_space<vmem>>)
      } else {
      }
      %add3A_101 = arith.constant 1 : i32
      %add3A_102 = arith.addi %while3A_95, %add3A_101 : i32
      %lt3A = arith.cmpi slt, %add3A_102, %select_n3A : i32
      %convert_element_type3A_103 = arith.extui %lt3A : i1 to i32
      %cond3A_104 = arith.constant 0 : i32
      %cond3A_105 = arith.cmpi ne, %convert_element_type3A_103, %cond3A_104 : i32
      scf.if %cond3A_105 {
        %add3A_136 = arith.constant 1 : i32
        %add3A_137 = arith.addi %while3A_95, %add3A_136 : i32
        %sub3A = arith.constant 1 : i32
        %sub3A_138 = arith.subi %sub3A, %and3A_96 : i32
        %mul3A_139 = arith.constant 128 : i32
        %mul3A_140 = arith.muli %add3A_137, %mul3A_139 : i32
        %dma_start3A_141 = arith.constant 0 : i32
        %dma_start3A_142 = arith.constant 0 : i32
        %dma_start3A_143 = tpu.memref_slice %arg15[%sub3A_138, %dma_start3A_141, %dma_start3A_142] : memref<2x128x64xf32, #tpu.memory_space<vmem>> -> memref<1x128x64xf32, #tpu.memory_space<vmem>>
        %dma_start3A_144 = tpu.memref_squeeze %dma_start3A_143 : memref<1x128x64xf32, #tpu.memory_space<vmem>> -> memref<128x64xf32, #tpu.memory_space<vmem>>
        %dma_start3A_145 = tpu.memref_slice %arg14[%mul3A_140] : memref<3200xi32, #tpu.memory_space<vmem>> -> memref<128xi32, #tpu.memory_space<vmem>>
        %dma_start3A_146 = arith.constant 0 : i32
        %dma_start3A_147 = arith.constant 0 : i32
        %dma_start3A_148 = tpu.memref_slice %arg3[%dma_start3A_146, %dma_start3A_147] : memref<100000x64xf32, #tpu.memory_space<hbm>> -> memref<100000x64xf32, #tpu.memory_space<hbm>>
        tpu.enqueue_indirect_dma source(%dma_start3A_148 : memref<100000x64xf32, #tpu.memory_space<hbm>>) target(%dma_start3A_144 : memref<128x64xf32, #tpu.memory_space<vmem>>) offsets(%dma_start3A_145 : memref<128xi32, #tpu.memory_space<vmem>>) semaphore(%arg12 : memref<!tpu.dma_semaphore, #tpu.memory_space<semaphore_mem>>)
      } else {
      }
      %dma_wait3A_106 = arith.constant 0 : i32
      %dma_wait3A_107 = arith.constant 0 : i32
      %dma_wait3A_108 = arith.constant 0 : i32
      %dma_wait3A_109 = tpu.memref_slice %arg15[%dma_wait3A_106, %dma_wait3A_107, %dma_wait3A_108] : memref<2x128x64xf32, #tpu.memory_space<vmem>> -> memref<1x128x64xf32, #tpu.memory_space<vmem>>
      %dma_wait3A_110 = tpu.memref_squeeze %dma_wait3A_109 : memref<1x128x64xf32, #tpu.memory_space<vmem>> -> memref<128x64xf32, #tpu.memory_space<vmem>>
      %dma_wait3A_111 = arith.constant 0 : i32
      %dma_wait3A_112 = arith.constant 0 : i32
      %dma_wait3A_113 = tpu.memref_slice %arg3[%dma_wait3A_111, %dma_wait3A_112] : memref<100000x64xf32, #tpu.memory_space<hbm>> -> memref<128x64xf32, #tpu.memory_space<hbm>>
      %dma_wait3A_114 = arith.constant 0 : i32
      %dma_wait3A_115 = arith.constant 0 : i32
      %dma_wait3A_116 = tpu.memref_slice %arg15[%dma_wait3A_106, %dma_wait3A_114, %dma_wait3A_115] : memref<2x128x64xf32, #tpu.memory_space<vmem>> -> memref<1x128x64xf32, #tpu.memory_space<vmem>>
      %dma_wait3A_117 = tpu.memref_squeeze %dma_wait3A_116 : memref<1x128x64xf32, #tpu.memory_space<vmem>> -> memref<128x64xf32, #tpu.memory_space<vmem>>
      %dma_wait3A_118 = arith.constant 0 : i32
      %dma_wait3A_119 = arith.constant 0 : i32
      %dma_wait3A_120 = tpu.memref_slice %arg3[%dma_wait3A_118, %dma_wait3A_119] : memref<100000x64xf32, #tpu.memory_space<hbm>> -> memref<128x64xf32, #tpu.memory_space<hbm>>
      tpu.wait_dma2 semaphore(%arg12 : memref<!tpu.dma_semaphore, #tpu.memory_space<semaphore_mem>>) src(%dma_wait3A_120 : memref<128x64xf32, #tpu.memory_space<hbm>>) dst(%dma_wait3A_117 : memref<128x64xf32, #tpu.memory_space<vmem>>)
      %mul3A_121 = arith.constant 128 : i32
      %mul3A_122 = arith.muli %while3A_95, %mul3A_121 : i32
      %add3A_123 = arith.addi %mul3A_2, %mul3A_122 : i32
      %dma_start3A_124 = arith.constant 0 : i32
      %dma_start3A_125 = arith.constant 0 : i32
      %dma_start3A_126 = tpu.memref_slice %arg15[%and3A_96, %dma_start3A_124, %dma_start3A_125] : memref<2x128x64xf32, #tpu.memory_space<vmem>> -> memref<1x128x64xf32, #tpu.memory_space<vmem>>
      %dma_start3A_127 = tpu.memref_squeeze %dma_start3A_126 : memref<1x128x64xf32, #tpu.memory_space<vmem>> -> memref<128x64xf32, #tpu.memory_space<vmem>>
      %dma_start3A_128 = arith.constant 0 : i32
      %dma_start3A_129 = tpu.memref_slice %arg7[%add3A_123, %dma_start3A_128] : memref<100000x64xf32, #tpu.memory_space<hbm>> -> memref<128x64xf32, #tpu.memory_space<hbm>>
      %dma_start3A_130 = arith.constant 0 : i32
      %dma_start3A_131 = tpu.memref_slice %arg7[%add3A_123, %dma_start3A_130] : memref<100000x64xf32, #tpu.memory_space<hbm>> -> memref<128x64xf32, #tpu.memory_space<hbm>>
      %dma_start3A_132 = arith.constant 0 : i32
      %dma_start3A_133 = arith.constant 0 : i32
      %dma_start3A_134 = tpu.memref_slice %arg15[%and3A_96, %dma_start3A_132, %dma_start3A_133] : memref<2x128x64xf32, #tpu.memory_space<vmem>> -> memref<1x128x64xf32, #tpu.memory_space<vmem>>
      %dma_start3A_135 = tpu.memref_squeeze %dma_start3A_134 : memref<1x128x64xf32, #tpu.memory_space<vmem>> -> memref<128x64xf32, #tpu.memory_space<vmem>>
      tpu.enqueue_dma source(%dma_start3A_135 : memref<128x64xf32, #tpu.memory_space<vmem>>) target(%dma_start3A_131 : memref<128x64xf32, #tpu.memory_space<hbm>>) target_semaphore(%arg13 : memref<!tpu.dma_semaphore, #tpu.memory_space<semaphore_mem>>)
    }
    %while3A_29 = arith.constant 1 : i32
    scf.for %while3A_95 = %while3A_27 to %while3A_23 step %while3A_29  : i32 {
      %and3A = arith.constant 1 : i32
      %and3A_96 = arith.andi %while3A_95, %and3A : i32
      %ge3A = arith.constant 1 : i32
      %ge3A_97 = arith.cmpi sge, %while3A_95, %ge3A : i32
      %convert_element_type3A_98 = arith.extui %ge3A_97 : i1 to i32
      %cond3A_99 = arith.constant 0 : i32
      %cond3A_100 = arith.cmpi ne, %convert_element_type3A_98, %cond3A_99 : i32
      scf.if %cond3A_100 {
        %dma_wait3A_136 = arith.constant 0 : i32
        %dma_wait3A_137 = arith.constant 0 : i32
        %dma_wait3A_138 = arith.constant 0 : i32
        %dma_wait3A_139 = tpu.memref_slice %arg15[%dma_wait3A_136, %dma_wait3A_137, %dma_wait3A_138] : memref<2x128x64xf32, #tpu.memory_space<vmem>> -> memref<1x128x64xf32, #tpu.memory_space<vmem>>
        %dma_wait3A_140 = tpu.memref_squeeze %dma_wait3A_139 : memref<1x128x64xf32, #tpu.memory_space<vmem>> -> memref<128x64xf32, #tpu.memory_space<vmem>>
        %dma_wait3A_141 = arith.constant 0 : i32
        %dma_wait3A_142 = arith.constant 0 : i32
        %dma_wait3A_143 = tpu.memref_slice %arg3[%dma_wait3A_141, %dma_wait3A_142] : memref<100000x64xf32, #tpu.memory_space<hbm>> -> memref<128x64xf32, #tpu.memory_space<hbm>>
        %dma_wait3A_144 = arith.constant 0 : i32
        %dma_wait3A_145 = arith.constant 0 : i32
        %dma_wait3A_146 = tpu.memref_slice %arg15[%dma_wait3A_136, %dma_wait3A_144, %dma_wait3A_145] : memref<2x128x64xf32, #tpu.memory_space<vmem>> -> memref<1x128x64xf32, #tpu.memory_space<vmem>>
        %dma_wait3A_147 = tpu.memref_squeeze %dma_wait3A_146 : memref<1x128x64xf32, #tpu.memory_space<vmem>> -> memref<128x64xf32, #tpu.memory_space<vmem>>
        %dma_wait3A_148 = arith.constant 0 : i32
        %dma_wait3A_149 = arith.constant 0 : i32
        %dma_wait3A_150 = tpu.memref_slice %arg3[%dma_wait3A_148, %dma_wait3A_149] : memref<100000x64xf32, #tpu.memory_space<hbm>> -> memref<128x64xf32, #tpu.memory_space<hbm>>
        tpu.wait_dma2 semaphore(%arg13 : memref<!tpu.dma_semaphore, #tpu.memory_space<semaphore_mem>>) src(%dma_wait3A_150 : memref<128x64xf32, #tpu.memory_space<hbm>>) dst(%dma_wait3A_147 : memref<128x64xf32, #tpu.memory_space<vmem>>)
      } else {
      }
      %add3A_101 = arith.constant 1 : i32
      %add3A_102 = arith.addi %while3A_95, %add3A_101 : i32
      %lt3A = arith.cmpi slt, %add3A_102, %select_n3A : i32
      %convert_element_type3A_103 = arith.extui %lt3A : i1 to i32
      %cond3A_104 = arith.constant 0 : i32
      %cond3A_105 = arith.cmpi ne, %convert_element_type3A_103, %cond3A_104 : i32
      scf.if %cond3A_105 {
        %add3A_136 = arith.constant 1 : i32
        %add3A_137 = arith.addi %while3A_95, %add3A_136 : i32
        %sub3A = arith.constant 1 : i32
        %sub3A_138 = arith.subi %sub3A, %and3A_96 : i32
        %mul3A_139 = arith.constant 128 : i32
        %mul3A_140 = arith.muli %add3A_137, %mul3A_139 : i32
        %dma_start3A_141 = arith.constant 0 : i32
        %dma_start3A_142 = arith.constant 0 : i32
        %dma_start3A_143 = tpu.memref_slice %arg15[%sub3A_138, %dma_start3A_141, %dma_start3A_142] : memref<2x128x64xf32, #tpu.memory_space<vmem>> -> memref<1x128x64xf32, #tpu.memory_space<vmem>>
        %dma_start3A_144 = tpu.memref_squeeze %dma_start3A_143 : memref<1x128x64xf32, #tpu.memory_space<vmem>> -> memref<128x64xf32, #tpu.memory_space<vmem>>
        %dma_start3A_145 = tpu.memref_slice %arg14[%mul3A_140] : memref<3200xi32, #tpu.memory_space<vmem>> -> memref<128xi32, #tpu.memory_space<vmem>>
        %dma_start3A_146 = arith.constant 0 : i32
        %dma_start3A_147 = arith.constant 0 : i32
        %dma_start3A_148 = tpu.memref_slice %arg3[%dma_start3A_146, %dma_start3A_147] : memref<100000x64xf32, #tpu.memory_space<hbm>> -> memref<100000x64xf32, #tpu.memory_space<hbm>>
        tpu.enqueue_indirect_dma source(%dma_start3A_148 : memref<100000x64xf32, #tpu.memory_space<hbm>>) target(%dma_start3A_144 : memref<128x64xf32, #tpu.memory_space<vmem>>) offsets(%dma_start3A_145 : memref<128xi32, #tpu.memory_space<vmem>>) semaphore(%arg12 : memref<!tpu.dma_semaphore, #tpu.memory_space<semaphore_mem>>)
      } else {
      }
      %dma_wait3A_106 = arith.constant 0 : i32
      %dma_wait3A_107 = arith.constant 0 : i32
      %dma_wait3A_108 = arith.constant 0 : i32
      %dma_wait3A_109 = tpu.memref_slice %arg15[%dma_wait3A_106, %dma_wait3A_107, %dma_wait3A_108] : memref<2x128x64xf32, #tpu.memory_space<vmem>> -> memref<1x128x64xf32, #tpu.memory_space<vmem>>
      %dma_wait3A_110 = tpu.memref_squeeze %dma_wait3A_109 : memref<1x128x64xf32, #tpu.memory_space<vmem>> -> memref<128x64xf32, #tpu.memory_space<vmem>>
      %dma_wait3A_111 = arith.constant 0 : i32
      %dma_wait3A_112 = arith.constant 0 : i32
      %dma_wait3A_113 = tpu.memref_slice %arg3[%dma_wait3A_111, %dma_wait3A_112] : memref<100000x64xf32, #tpu.memory_space<hbm>> -> memref<128x64xf32, #tpu.memory_space<hbm>>
      %dma_wait3A_114 = arith.constant 0 : i32
      %dma_wait3A_115 = arith.constant 0 : i32
      %dma_wait3A_116 = tpu.memref_slice %arg15[%dma_wait3A_106, %dma_wait3A_114, %dma_wait3A_115] : memref<2x128x64xf32, #tpu.memory_space<vmem>> -> memref<1x128x64xf32, #tpu.memory_space<vmem>>
      %dma_wait3A_117 = tpu.memref_squeeze %dma_wait3A_116 : memref<1x128x64xf32, #tpu.memory_space<vmem>> -> memref<128x64xf32, #tpu.memory_space<vmem>>
      %dma_wait3A_118 = arith.constant 0 : i32
      %dma_wait3A_119 = arith.constant 0 : i32
      %dma_wait3A_120 = tpu.memref_slice %arg3[%dma_wait3A_118, %dma_wait3A_119] : memref<100000x64xf32, #tpu.memory_space<hbm>> -> memref<128x64xf32, #tpu.memory_space<hbm>>
      tpu.wait_dma2 semaphore(%arg12 : memref<!tpu.dma_semaphore, #tpu.memory_space<semaphore_mem>>) src(%dma_wait3A_120 : memref<128x64xf32, #tpu.memory_space<hbm>>) dst(%dma_wait3A_117 : memref<128x64xf32, #tpu.memory_space<vmem>>)
      %mul3A_121 = arith.constant 128 : i32
      %mul3A_122 = arith.muli %while3A_95, %mul3A_121 : i32
      %add3A_123 = arith.addi %mul3A_2, %mul3A_122 : i32
      %dma_start3A_124 = arith.constant 0 : i32
      %dma_start3A_125 = arith.constant 0 : i32
      %dma_start3A_126 = tpu.memref_slice %arg15[%and3A_96, %dma_start3A_124, %dma_start3A_125] : memref<2x128x64xf32, #tpu.memory_space<vmem>> -> memref<1x128x64xf32, #tpu.memory_space<vmem>>
      %dma_start3A_127 = tpu.memref_squeeze %dma_start3A_126 : memref<1x128x64xf32, #tpu.memory_space<vmem>> -> memref<128x64xf32, #tpu.memory_space<vmem>>
      %dma_start3A_128 = arith.constant 0 : i32
      %dma_start3A_129 = tpu.memref_slice %arg7[%add3A_123, %dma_start3A_128] : memref<100000x64xf32, #tpu.memory_space<hbm>> -> memref<128x64xf32, #tpu.memory_space<hbm>>
      %dma_start3A_130 = arith.constant 0 : i32
      %dma_start3A_131 = tpu.memref_slice %arg7[%add3A_123, %dma_start3A_130] : memref<100000x64xf32, #tpu.memory_space<hbm>> -> memref<128x64xf32, #tpu.memory_space<hbm>>
      %dma_start3A_132 = arith.constant 0 : i32
      %dma_start3A_133 = arith.constant 0 : i32
      %dma_start3A_134 = tpu.memref_slice %arg15[%and3A_96, %dma_start3A_132, %dma_start3A_133] : memref<2x128x64xf32, #tpu.memory_space<vmem>> -> memref<1x128x64xf32, #tpu.memory_space<vmem>>
      %dma_start3A_135 = tpu.memref_squeeze %dma_start3A_134 : memref<1x128x64xf32, #tpu.memory_space<vmem>> -> memref<128x64xf32, #tpu.memory_space<vmem>>
      tpu.enqueue_dma source(%dma_start3A_135 : memref<128x64xf32, #tpu.memory_space<vmem>>) target(%dma_start3A_131 : memref<128x64xf32, #tpu.memory_space<hbm>>) target_semaphore(%arg13 : memref<!tpu.dma_semaphore, #tpu.memory_space<semaphore_mem>>)
    }
    %dma_wait3A = arith.constant 0 : i32
    %dma_wait3A_30 = arith.constant 0 : i32
    %dma_wait3A_31 = arith.constant 0 : i32
    %dma_wait3A_32 = tpu.memref_slice %arg15[%dma_wait3A, %dma_wait3A_30, %dma_wait3A_31] : memref<2x128x64xf32, #tpu.memory_space<vmem>> -> memref<1x128x64xf32, #tpu.memory_space<vmem>>
    %dma_wait3A_33 = tpu.memref_squeeze %dma_wait3A_32 : memref<1x128x64xf32, #tpu.memory_space<vmem>> -> memref<128x64xf32, #tpu.memory_space<vmem>>
    %dma_wait3A_34 = arith.constant 0 : i32
    %dma_wait3A_35 = arith.constant 0 : i32
    %dma_wait3A_36 = tpu.memref_slice %arg3[%dma_wait3A_34, %dma_wait3A_35] : memref<100000x64xf32, #tpu.memory_space<hbm>> -> memref<128x64xf32, #tpu.memory_space<hbm>>
    %dma_wait3A_37 = arith.constant 0 : i32
    %dma_wait3A_38 = arith.constant 0 : i32
    %dma_wait3A_39 = tpu.memref_slice %arg15[%dma_wait3A, %dma_wait3A_37, %dma_wait3A_38] : memref<2x128x64xf32, #tpu.memory_space<vmem>> -> memref<1x128x64xf32, #tpu.memory_space<vmem>>
    %dma_wait3A_40 = tpu.memref_squeeze %dma_wait3A_39 : memref<1x128x64xf32, #tpu.memory_space<vmem>> -> memref<128x64xf32, #tpu.memory_space<vmem>>
    %dma_wait3A_41 = arith.constant 0 : i32
    %dma_wait3A_42 = arith.constant 0 : i32
    %dma_wait3A_43 = tpu.memref_slice %arg3[%dma_wait3A_41, %dma_wait3A_42] : memref<100000x64xf32, #tpu.memory_space<hbm>> -> memref<128x64xf32, #tpu.memory_space<hbm>>
    tpu.wait_dma2 semaphore(%arg13 : memref<!tpu.dma_semaphore, #tpu.memory_space<semaphore_mem>>) src(%dma_wait3A_43 : memref<128x64xf32, #tpu.memory_space<hbm>>) dst(%dma_wait3A_40 : memref<128x64xf32, #tpu.memory_space<vmem>>)
    %dma_wait3A_44 = arith.constant 0 : i32
    %dma_wait3A_45 = tpu.memref_slice %arg17[%dma_wait3A_44] : memref<3200xi32, #tpu.memory_space<vmem>> -> memref<128xi32, #tpu.memory_space<vmem>>
    %dma_wait3A_46 = arith.constant 0 : i32
    %dma_wait3A_47 = tpu.memref_slice %arg2[%dma_wait3A_46] : memref<102400xi32, #tpu.memory_space<hbm>> -> memref<128xi32, #tpu.memory_space<hbm>>
    %dma_wait3A_48 = arith.constant 0 : i32
    %dma_wait3A_49 = tpu.memref_slice %arg17[%dma_wait3A_48] : memref<3200xi32, #tpu.memory_space<vmem>> -> memref<128xi32, #tpu.memory_space<vmem>>
    %dma_wait3A_50 = arith.constant 0 : i32
    %dma_wait3A_51 = tpu.memref_slice %arg2[%dma_wait3A_50] : memref<102400xi32, #tpu.memory_space<hbm>> -> memref<128xi32, #tpu.memory_space<hbm>>
    tpu.wait_dma2 semaphore(%arg11 : memref<!tpu.dma_semaphore, #tpu.memory_space<semaphore_mem>>) src(%dma_wait3A_51 : memref<128xi32, #tpu.memory_space<hbm>>) dst(%dma_wait3A_49 : memref<128xi32, #tpu.memory_space<vmem>>)
    %dma_wait3A_52 = arith.constant 0 : i32
    %dma_wait3A_53 = tpu.memref_slice %arg17[%dma_wait3A_52] : memref<3200xi32, #tpu.memory_space<vmem>> -> memref<128xi32, #tpu.memory_space<vmem>>
    %dma_wait3A_54 = arith.constant 0 : i32
    %dma_wait3A_55 = tpu.memref_slice %arg2[%dma_wait3A_54] : memref<102400xi32, #tpu.memory_space<hbm>> -> memref<128xi32, #tpu.memory_space<hbm>>
    %dma_wait3A_56 = arith.constant 0 : i32
    %dma_wait3A_57 = tpu.memref_slice %arg17[%dma_wait3A_56] : memref<3200xi32, #tpu.memory_space<vmem>> -> memref<128xi32, #tpu.memory_space<vmem>>
    %dma_wait3A_58 = arith.constant 0 : i32
    %dma_wait3A_59 = tpu.memref_slice %arg2[%dma_wait3A_58] : memref<102400xi32, #tpu.memory_space<hbm>> -> memref<128xi32, #tpu.memory_space<hbm>>
    tpu.wait_dma2 semaphore(%arg11 : memref<!tpu.dma_semaphore, #tpu.memory_space<semaphore_mem>>) src(%dma_wait3A_59 : memref<128xi32, #tpu.memory_space<hbm>>) dst(%dma_wait3A_57 : memref<128xi32, #tpu.memory_space<vmem>>)
    %dma_wait3A_60 = arith.constant 0 : i32
    %dma_wait3A_61 = tpu.memref_slice %arg17[%dma_wait3A_60] : memref<3200xi32, #tpu.memory_space<vmem>> -> memref<128xi32, #tpu.memory_space<vmem>>
    %dma_wait3A_62 = arith.constant 0 : i32
    %dma_wait3A_63 = tpu.memref_slice %arg2[%dma_wait3A_62] : memref<102400xi32, #tpu.memory_space<hbm>> -> memref<128xi32, #tpu.memory_space<hbm>>
    %dma_wait3A_64 = arith.constant 0 : i32
    %dma_wait3A_65 = tpu.memref_slice %arg17[%dma_wait3A_64] : memref<3200xi32, #tpu.memory_space<vmem>> -> memref<128xi32, #tpu.memory_space<vmem>>
    %dma_wait3A_66 = arith.constant 0 : i32
    %dma_wait3A_67 = tpu.memref_slice %arg2[%dma_wait3A_66] : memref<102400xi32, #tpu.memory_space<hbm>> -> memref<128xi32, #tpu.memory_space<hbm>>
    tpu.wait_dma2 semaphore(%arg11 : memref<!tpu.dma_semaphore, #tpu.memory_space<semaphore_mem>>) src(%dma_wait3A_67 : memref<128xi32, #tpu.memory_space<hbm>>) dst(%dma_wait3A_65 : memref<128xi32, #tpu.memory_space<vmem>>)
    %dma_wait3A_68 = arith.constant 0 : i32
    %dma_wait3A_69 = tpu.memref_slice %arg17[%dma_wait3A_68] : memref<3200xi32, #tpu.memory_space<vmem>> -> memref<128xi32, #tpu.memory_space<vmem>>
    %dma_wait3A_70 = arith.constant 0 : i32
    %dma_wait3A_71 = tpu.memref_slice %arg2[%dma_wait3A_70] : memref<102400xi32, #tpu.memory_space<hbm>> -> memref<128xi32, #tpu.memory_space<hbm>>
    %dma_wait3A_72 = arith.constant 0 : i32
    %dma_wait3A_73 = tpu.memref_slice %arg17[%dma_wait3A_72] : memref<3200xi32, #tpu.memory_space<vmem>> -> memref<128xi32, #tpu.memory_space<vmem>>
    %dma_wait3A_74 = arith.constant 0 : i32
    %dma_wait3A_75 = tpu.memref_slice %arg2[%dma_wait3A_74] : memref<102400xi32, #tpu.memory_space<hbm>> -> memref<128xi32, #tpu.memory_space<hbm>>
    tpu.wait_dma2 semaphore(%arg11 : memref<!tpu.dma_semaphore, #tpu.memory_space<semaphore_mem>>) src(%dma_wait3A_75 : memref<128xi32, #tpu.memory_space<hbm>>) dst(%dma_wait3A_73 : memref<128xi32, #tpu.memory_space<vmem>>)
    %dma_wait3A_76 = arith.constant 0 : i32
    %dma_wait3A_77 = tpu.memref_slice %arg17[%dma_wait3A_76] : memref<3200xi32, #tpu.memory_space<vmem>> -> memref<128xi32, #tpu.memory_space<vmem>>
    %dma_wait3A_78 = arith.constant 0 : i32
    %dma_wait3A_79 = tpu.memref_slice %arg2[%dma_wait3A_78] : memref<102400xi32, #tpu.memory_space<hbm>> -> memref<128xi32, #tpu.memory_space<hbm>>
    %dma_wait3A_80 = arith.constant 0 : i32
    %dma_wait3A_81 = tpu.memref_slice %arg17[%dma_wait3A_80] : memref<3200xi32, #tpu.memory_space<vmem>> -> memref<128xi32, #tpu.memory_space<vmem>>
    %dma_wait3A_82 = arith.constant 0 : i32
    %dma_wait3A_83 = tpu.memref_slice %arg2[%dma_wait3A_82] : memref<102400xi32, #tpu.memory_space<hbm>> -> memref<128xi32, #tpu.memory_space<hbm>>
    tpu.wait_dma2 semaphore(%arg11 : memref<!tpu.dma_semaphore, #tpu.memory_space<semaphore_mem>>) src(%dma_wait3A_83 : memref<128xi32, #tpu.memory_space<hbm>>) dst(%dma_wait3A_81 : memref<128xi32, #tpu.memory_space<vmem>>)
    %dma_wait3A_84 = arith.constant 0 : i32
    %dma_wait3A_85 = tpu.memref_slice %arg17[%dma_wait3A_84] : memref<3200xi32, #tpu.memory_space<vmem>> -> memref<128xi32, #tpu.memory_space<vmem>>
    %dma_wait3A_86 = arith.constant 0 : i32
    %dma_wait3A_87 = tpu.memref_slice %arg2[%dma_wait3A_86] : memref<102400xi32, #tpu.memory_space<hbm>> -> memref<128xi32, #tpu.memory_space<hbm>>
    %dma_wait3A_88 = arith.constant 0 : i32
    %dma_wait3A_89 = tpu.memref_slice %arg17[%dma_wait3A_88] : memref<3200xi32, #tpu.memory_space<vmem>> -> memref<128xi32, #tpu.memory_space<vmem>>
    %dma_wait3A_90 = arith.constant 0 : i32
    %dma_wait3A_91 = tpu.memref_slice %arg2[%dma_wait3A_90] : memref<102400xi32, #tpu.memory_space<hbm>> -> memref<128xi32, #tpu.memory_space<hbm>>
    tpu.wait_dma2 semaphore(%arg11 : memref<!tpu.dma_semaphore, #tpu.memory_space<semaphore_mem>>) src(%dma_wait3A_91 : memref<128xi32, #tpu.memory_space<hbm>>) dst(%dma_wait3A_89 : memref<128xi32, #tpu.memory_space<vmem>>)
    "tpu.region"() ({
      %run_scoped3A = tpu.sem_alloc : memref<!tpu.dma_semaphore, #tpu.memory_space<semaphore_mem>>
      %dma_start3A_95 = tpu.memref_slice %arg8[%mul3A_2] : memref<102400xi32, #tpu.memory_space<hbm>> -> memref<3200xi32, #tpu.memory_space<hbm>>
      %dma_start3A_96 = tpu.memref_slice %arg8[%mul3A_2] : memref<102400xi32, #tpu.memory_space<hbm>> -> memref<3200xi32, #tpu.memory_space<hbm>>
      tpu.enqueue_dma source(%arg17 : memref<3200xi32, #tpu.memory_space<vmem>>) target(%dma_start3A_96 : memref<3200xi32, #tpu.memory_space<hbm>>) target_semaphore(%run_scoped3A : memref<!tpu.dma_semaphore, #tpu.memory_space<semaphore_mem>>)
      %dma_wait3A_97 = tpu.memref_slice %arg8[%mul3A_2] : memref<102400xi32, #tpu.memory_space<hbm>> -> memref<3200xi32, #tpu.memory_space<hbm>>
      %dma_wait3A_98 = tpu.memref_slice %arg8[%mul3A_2] : memref<102400xi32, #tpu.memory_space<hbm>> -> memref<3200xi32, #tpu.memory_space<hbm>>
      tpu.wait_dma2 semaphore(%run_scoped3A : memref<!tpu.dma_semaphore, #tpu.memory_space<semaphore_mem>>) src(%arg17 : memref<3200xi32, #tpu.memory_space<vmem>>) dst(%dma_wait3A_98 : memref<3200xi32, #tpu.memory_space<hbm>>)
      tpu.yield
    }) : () -> ()
    "tpu.region"() ({
      %run_scoped3A = tpu.sem_alloc : memref<!tpu.dma_semaphore, #tpu.memory_space<semaphore_mem>>
      %dma_start3A_95 = tpu.memref_slice %arg9[%mul3A_2] : memref<102400xi32, #tpu.memory_space<hbm>> -> memref<3200xi32, #tpu.memory_space<hbm>>
      %dma_start3A_96 = tpu.memref_slice %arg9[%mul3A_2] : memref<102400xi32, #tpu.memory_space<hbm>> -> memref<3200xi32, #tpu.memory_space<hbm>>
      tpu.enqueue_dma source(%arg18 : memref<3200xi32, #tpu.memory_space<vmem>>) target(%dma_start3A_96 : memref<3200xi32, #tpu.memory_space<hbm>>) target_semaphore(%run_scoped3A : memref<!tpu.dma_semaphore, #tpu.memory_space<semaphore_mem>>)
      %dma_wait3A_97 = tpu.memref_slice %arg9[%mul3A_2] : memref<102400xi32, #tpu.memory_space<hbm>> -> memref<3200xi32, #tpu.memory_space<hbm>>
      %dma_wait3A_98 = tpu.memref_slice %arg9[%mul3A_2] : memref<102400xi32, #tpu.memory_space<hbm>> -> memref<3200xi32, #tpu.memory_space<hbm>>
      tpu.wait_dma2 semaphore(%run_scoped3A : memref<!tpu.dma_semaphore, #tpu.memory_space<semaphore_mem>>) src(%arg18 : memref<3200xi32, #tpu.memory_space<vmem>>) dst(%dma_wait3A_98 : memref<3200xi32, #tpu.memory_space<hbm>>)
      tpu.yield
    }) : () -> ()
    "tpu.region"() ({
      %run_scoped3A = tpu.sem_alloc : memref<!tpu.dma_semaphore, #tpu.memory_space<semaphore_mem>>
      %dma_start3A_95 = tpu.memref_slice %arg10[%mul3A_2] : memref<102400xi32, #tpu.memory_space<hbm>> -> memref<3200xi32, #tpu.memory_space<hbm>>
      %dma_start3A_96 = tpu.memref_slice %arg10[%mul3A_2] : memref<102400xi32, #tpu.memory_space<hbm>> -> memref<3200xi32, #tpu.memory_space<hbm>>
      tpu.enqueue_dma source(%arg19 : memref<3200xi32, #tpu.memory_space<vmem>>) target(%dma_start3A_96 : memref<3200xi32, #tpu.memory_space<hbm>>) target_semaphore(%run_scoped3A : memref<!tpu.dma_semaphore, #tpu.memory_space<semaphore_mem>>)
      %dma_wait3A_97 = tpu.memref_slice %arg10[%mul3A_2] : memref<102400xi32, #tpu.memory_space<hbm>> -> memref<3200xi32, #tpu.memory_space<hbm>>
      %dma_wait3A_98 = tpu.memref_slice %arg10[%mul3A_2] : memref<102400xi32, #tpu.memory_space<hbm>> -> memref<3200xi32, #tpu.memory_space<hbm>>
      tpu.wait_dma2 semaphore(%run_scoped3A : memref<!tpu.dma_semaphore, #tpu.memory_space<semaphore_mem>>) src(%arg19 : memref<3200xi32, #tpu.memory_space<vmem>>) dst(%dma_wait3A_98 : memref<3200xi32, #tpu.memory_space<hbm>>)
      tpu.yield
    }) : () -> ()
    %eq3A_92 = arith.constant 31 : i32
    %eq3A_93 = arith.cmpi eq, %add3A, %eq3A_92 : i32
    %convert_element_type3A = arith.extui %eq3A_93 : i1 to i32
    %cond3A = arith.constant 0 : i32
    %cond3A_94 = arith.cmpi ne, %convert_element_type3A, %cond3A : i32
    scf.if %cond3A_94 {
      %run_scoped3A = arith.constant 0 : i32
      "tpu.region"() ({
        %run_scoped3A_98 = tpu.sem_alloc : memref<!tpu.dma_semaphore, #tpu.memory_space<semaphore_mem>>
        %dma_start3A_99 = arith.constant 0 : i32
        %dma_start3A_100 = arith.constant 0 : i32
        %dma_start3A_101 = tpu.memref_slice %arg15[%run_scoped3A, %dma_start3A_99, %dma_start3A_100] : memref<2x128x64xf32, #tpu.memory_space<vmem>> -> memref<1x32x64xf32, #tpu.memory_space<vmem>>
        %dma_start3A_102 = tpu.memref_squeeze %dma_start3A_101 : memref<1x32x64xf32, #tpu.memory_space<vmem>> -> memref<32x64xf32, #tpu.memory_space<vmem>>
        %dma_start3A_103 = arith.constant 768 : i32
        %dma_start3A_104 = tpu.memref_slice %arg14[%dma_start3A_103] : memref<3200xi32, #tpu.memory_space<vmem>> -> memref<32xi32, #tpu.memory_space<vmem>>
        %dma_start3A_105 = arith.constant 0 : i32
        %dma_start3A_106 = arith.constant 0 : i32
        %dma_start3A_107 = tpu.memref_slice %arg3[%dma_start3A_105, %dma_start3A_106] : memref<100000x64xf32, #tpu.memory_space<hbm>> -> memref<100000x64xf32, #tpu.memory_space<hbm>>
        tpu.enqueue_indirect_dma source(%dma_start3A_107 : memref<100000x64xf32, #tpu.memory_space<hbm>>) target(%dma_start3A_102 : memref<32x64xf32, #tpu.memory_space<vmem>>) offsets(%dma_start3A_104 : memref<32xi32, #tpu.memory_space<vmem>>) semaphore(%run_scoped3A_98 : memref<!tpu.dma_semaphore, #tpu.memory_space<semaphore_mem>>)
        %dma_wait3A_108 = arith.constant 0 : i32
        %dma_wait3A_109 = arith.constant 0 : i32
        %dma_wait3A_110 = tpu.memref_slice %arg15[%run_scoped3A, %dma_wait3A_108, %dma_wait3A_109] : memref<2x128x64xf32, #tpu.memory_space<vmem>> -> memref<1x32x64xf32, #tpu.memory_space<vmem>>
        %dma_wait3A_111 = tpu.memref_squeeze %dma_wait3A_110 : memref<1x32x64xf32, #tpu.memory_space<vmem>> -> memref<32x64xf32, #tpu.memory_space<vmem>>
        %dma_wait3A_112 = arith.constant 768 : i32
        %dma_wait3A_113 = tpu.memref_slice %arg14[%dma_wait3A_112] : memref<3200xi32, #tpu.memory_space<vmem>> -> memref<32xi32, #tpu.memory_space<vmem>>
        %dma_wait3A_114 = arith.constant 0 : i32
        %dma_wait3A_115 = arith.constant 0 : i32
        %dma_wait3A_116 = tpu.memref_slice %arg3[%dma_wait3A_114, %dma_wait3A_115] : memref<100000x64xf32, #tpu.memory_space<hbm>> -> memref<100000x64xf32, #tpu.memory_space<hbm>>
        tpu.wait_indirect_dma semaphore(%run_scoped3A_98 : memref<!tpu.dma_semaphore, #tpu.memory_space<semaphore_mem>>) src(%dma_wait3A_116 : memref<100000x64xf32, #tpu.memory_space<hbm>>) dst(%dma_wait3A_111 : memref<32x64xf32, #tpu.memory_space<vmem>>)
        tpu.yield
      }) : () -> ()
      %add3A_95 = arith.constant 768 : i32
      %add3A_96 = arith.addi %mul3A_2, %add3A_95 : i32
      %run_scoped3A_97 = arith.constant 0 : i32
      "tpu.region"() ({
        %run_scoped3A_98 = tpu.sem_alloc : memref<!tpu.dma_semaphore, #tpu.memory_space<semaphore_mem>>
        %dma_start3A_99 = arith.constant 0 : i32
        %dma_start3A_100 = arith.constant 0 : i32
        %dma_start3A_101 = tpu.memref_slice %arg15[%run_scoped3A_97, %dma_start3A_99, %dma_start3A_100] : memref<2x128x64xf32, #tpu.memory_space<vmem>> -> memref<1x32x64xf32, #tpu.memory_space<vmem>>
        %dma_start3A_102 = tpu.memref_squeeze %dma_start3A_101 : memref<1x32x64xf32, #tpu.memory_space<vmem>> -> memref<32x64xf32, #tpu.memory_space<vmem>>
        %dma_start3A_103 = arith.constant 0 : i32
        %dma_start3A_104 = tpu.memref_slice %arg7[%add3A_96, %dma_start3A_103] : memref<100000x64xf32, #tpu.memory_space<hbm>> -> memref<32x64xf32, #tpu.memory_space<hbm>>
        %dma_start3A_105 = arith.constant 0 : i32
        %dma_start3A_106 = tpu.memref_slice %arg7[%add3A_96, %dma_start3A_105] : memref<100000x64xf32, #tpu.memory_space<hbm>> -> memref<32x64xf32, #tpu.memory_space<hbm>>
        %dma_start3A_107 = arith.constant 0 : i32
        %dma_start3A_108 = arith.constant 0 : i32
        %dma_start3A_109 = tpu.memref_slice %arg15[%run_scoped3A_97, %dma_start3A_107, %dma_start3A_108] : memref<2x128x64xf32, #tpu.memory_space<vmem>> -> memref<1x32x64xf32, #tpu.memory_space<vmem>>
        %dma_start3A_110 = tpu.memref_squeeze %dma_start3A_109 : memref<1x32x64xf32, #tpu.memory_space<vmem>> -> memref<32x64xf32, #tpu.memory_space<vmem>>
        tpu.enqueue_dma source(%dma_start3A_110 : memref<32x64xf32, #tpu.memory_space<vmem>>) target(%dma_start3A_106 : memref<32x64xf32, #tpu.memory_space<hbm>>) target_semaphore(%run_scoped3A_98 : memref<!tpu.dma_semaphore, #tpu.memory_space<semaphore_mem>>)
        %dma_wait3A_111 = arith.constant 0 : i32
        %dma_wait3A_112 = arith.constant 0 : i32
        %dma_wait3A_113 = tpu.memref_slice %arg15[%run_scoped3A_97, %dma_wait3A_111, %dma_wait3A_112] : memref<2x128x64xf32, #tpu.memory_space<vmem>> -> memref<1x32x64xf32, #tpu.memory_space<vmem>>
        %dma_wait3A_114 = tpu.memref_squeeze %dma_wait3A_113 : memref<1x32x64xf32, #tpu.memory_space<vmem>> -> memref<32x64xf32, #tpu.memory_space<vmem>>
        %dma_wait3A_115 = arith.constant 0 : i32
        %dma_wait3A_116 = tpu.memref_slice %arg7[%add3A_96, %dma_wait3A_115] : memref<100000x64xf32, #tpu.memory_space<hbm>> -> memref<32x64xf32, #tpu.memory_space<hbm>>
        %dma_wait3A_117 = arith.constant 0 : i32
        %dma_wait3A_118 = tpu.memref_slice %arg7[%add3A_96, %dma_wait3A_117] : memref<100000x64xf32, #tpu.memory_space<hbm>> -> memref<32x64xf32, #tpu.memory_space<hbm>>
        %dma_wait3A_119 = arith.constant 0 : i32
        %dma_wait3A_120 = arith.constant 0 : i32
        %dma_wait3A_121 = tpu.memref_slice %arg15[%run_scoped3A_97, %dma_wait3A_119, %dma_wait3A_120] : memref<2x128x64xf32, #tpu.memory_space<vmem>> -> memref<1x32x64xf32, #tpu.memory_space<vmem>>
        %dma_wait3A_122 = tpu.memref_squeeze %dma_wait3A_121 : memref<1x32x64xf32, #tpu.memory_space<vmem>> -> memref<32x64xf32, #tpu.memory_space<vmem>>
        tpu.wait_dma2 semaphore(%run_scoped3A_98 : memref<!tpu.dma_semaphore, #tpu.memory_space<semaphore_mem>>) src(%dma_wait3A_122 : memref<32x64xf32, #tpu.memory_space<vmem>>) dst(%dma_wait3A_118 : memref<32x64xf32, #tpu.memory_space<hbm>>)
        tpu.yield
      }) : () -> ()
    } else {
    }
    return
  }
}

module attributes {stable_mosaic.version = 14 : i64} {
  func.func @_rel_body(%arg0: i32, %arg1: memref<5000x51xf32, #tpu.memory_space<vmem>>, %arg2: memref<5000x64xf32, #tpu.memory_space<vmem>>, %arg3: memref<5000x1xf32, #tpu.memory_space<vmem>>, %arg4: memref<5000x1xi32, #tpu.memory_space<vmem>>) attributes {dimension_semantics = [#tpu.dimension_semantics<arbitrary>], iteration_bounds = array<i64: 20>, scalar_prefetch = 0 : i64, scratch_operands = 0 : i64, tpu.core_type = #tpu.core_type<tc>, window_params = [{transform_indices = @transform_0, window_bounds = array<i64: 5000, 51>}, {transform_indices = @transform_1, window_bounds = array<i64: 5000, 64>}, {transform_indices = @transform_2, window_bounds = array<i64: 5000, 1>}, {transform_indices = @transform_3, window_bounds = array<i64: 5000, 1>}]} {
    %get3A = arith.constant 0 : index
    %get3A_0 = arith.constant 0 : index
    %get3A_1 = vector.load %arg1[%get3A, %get3A_0] : memref<5000x51xf32, #tpu.memory_space<vmem>>, vector<5000x51xf32>
    %reduce_max3A = arith.constant dense<0xFF800000> : vector<5000xf32>
    %reduce_max3A_2 = vector.multi_reduction <maximumf>, %get3A_1, %reduce_max3A [1] : vector<5000x51xf32> to vector<5000xf32>
    %broadcast_in_dim3A = vector.shape_cast %reduce_max3A_2 : vector<5000xf32> to vector<5000x1xf32>
    %sub3A = vector.broadcast %broadcast_in_dim3A : vector<5000x1xf32> to vector<5000x51xf32>
    %sub3A_3 = arith.subf %get3A_1, %sub3A : vector<5000x51xf32>
    %exp3A = math.exp %sub3A_3 : vector<5000x51xf32>
    %reduce_sum3A = arith.constant dense<0.000000e+00> : vector<5000xf32>
    %reduce_sum3A_4 = vector.multi_reduction <add>, %exp3A, %reduce_sum3A [1] : vector<5000x51xf32> to vector<5000xf32>
    %broadcast_in_dim3A_5 = vector.shape_cast %reduce_sum3A_4 : vector<5000xf32> to vector<5000x1xf32>
    %div3A = vector.broadcast %broadcast_in_dim3A_5 : vector<5000x1xf32> to vector<5000x51xf32>
    %div3A_6 = arith.divf %exp3A, %div3A : vector<5000x51xf32>
    %iota3A = tpu.iota {dimensions = array<i32: 1>} : vector<5000x51xi32>
    %ge3A = arith.constant 1 : i32
    %ge3A_7 = vector.broadcast %ge3A : i32 to vector<5000x51xi32>
    %ge3A_8 = arith.cmpi sge, %iota3A, %ge3A_7 : vector<5000x51xi32>
    %jit3A = arith.constant 0.000000e+00 : f32
    %broadcast_in_dim3A_9 = vector.broadcast %jit3A : f32 to vector<5000x51xf32>
    %select_n3A = arith.select %ge3A_8, %div3A_6, %broadcast_in_dim3A_9 : vector<5000x51xi1>, vector<5000x51xf32>
    %reduce_max3A_10 = arith.constant dense<0xFF800000> : vector<5000xf32>
    %reduce_max3A_11 = vector.multi_reduction <maximumf>, %select_n3A, %reduce_max3A_10 [1] : vector<5000x51xf32> to vector<5000xf32>
    %broadcast_in_dim3A_12 = vector.shape_cast %reduce_max3A_11 : vector<5000xf32> to vector<5000x1xf32>
    %eq3A = vector.broadcast %broadcast_in_dim3A_12 : vector<5000x1xf32> to vector<5000x51xf32>
    %eq3A_13 = arith.cmpf oeq, %select_n3A, %eq3A : vector<5000x51xf32>
    %and3A = arith.andi %ge3A_8, %eq3A_13 : vector<5000x51xi1>
    %jit3A_14 = arith.constant 52 : i32
    %broadcast_in_dim3A_15 = vector.broadcast %jit3A_14 : i32 to vector<5000x51xi32>
    %select_n3A_16 = arith.select %and3A, %iota3A, %broadcast_in_dim3A_15 : vector<5000x51xi1>, vector<5000x51xi32>
    %reduce_min3A = arith.constant dense<2147483647> : vector<5000xi32>
    %reduce_min3A_17 = vector.multi_reduction <minsi>, %select_n3A_16, %reduce_min3A [1] : vector<5000x51xi32> to vector<5000xi32>
    %broadcast_in_dim3A_18 = arith.constant 0.000000e+00 : f32
    %broadcast_in_dim3A_19 = vector.broadcast %broadcast_in_dim3A_18 : f32 to vector<5000x13xf32>
    %concatenate3A = tpu.concatenate %div3A_6, %broadcast_in_dim3A_19 in 1 : vector<5000x51xf32>, vector<5000x13xf32> -> vector<5000x64xf32>
    %swap3A = arith.constant 0 : index
    %swap3A_20 = arith.constant 0 : index
    %swap3A_21 = vector.load %arg2[%swap3A, %swap3A_20] : memref<5000x64xf32, #tpu.memory_space<vmem>>, vector<5000x64xf32>
    tpu.vector_store %arg2[%swap3A, %swap3A_20], %concatenate3A {strides = array<i32>} : memref<5000x64xf32, #tpu.memory_space<vmem>>, vector<5000x64xf32>,
    %broadcast_in_dim3A_22 = vector.shape_cast %reduce_max3A_11 : vector<5000xf32> to vector<5000x1xf32>
    %swap3A_23 = arith.constant 0 : index
    %swap3A_24 = arith.constant 0 : index
    %swap3A_25 = vector.load %arg3[%swap3A_23, %swap3A_24] : memref<5000x1xf32, #tpu.memory_space<vmem>>, vector<5000x1xf32>
    tpu.vector_store %arg3[%swap3A_23, %swap3A_24], %broadcast_in_dim3A_22 {strides = array<i32>} : memref<5000x1xf32, #tpu.memory_space<vmem>>, vector<5000x1xf32>,
    %broadcast_in_dim3A_26 = vector.shape_cast %reduce_min3A_17 : vector<5000xi32> to vector<5000x1xi32>
    %swap3A_27 = arith.constant 0 : index
    %swap3A_28 = arith.constant 0 : index
    %swap3A_29 = vector.load %arg4[%swap3A_27, %swap3A_28] : memref<5000x1xi32, #tpu.memory_space<vmem>>, vector<5000x1xi32>
    tpu.vector_store %arg4[%swap3A_27, %swap3A_28], %broadcast_in_dim3A_26 {strides = array<i32>} : memref<5000x1xi32, #tpu.memory_space<vmem>>, vector<5000x1xi32>,
    return
  }
  func.func @transform_0(%arg0: i32) -> (i32, i32) {
    %c0_i32 = arith.constant 0 : i32
    %c0_i32_0 = arith.constant 0 : i32
    return %arg0, %c0_i32 : i32, i32
  }
  func.func @transform_1(%arg0: i32) -> (i32, i32) {
    %c0_i32 = arith.constant 0 : i32
    %c0_i32_0 = arith.constant 0 : i32
    return %arg0, %c0_i32 : i32, i32
  }
  func.func @transform_2(%arg0: i32) -> (i32, i32) {
    %c0_i32 = arith.constant 0 : i32
    %c0_i32_0 = arith.constant 0 : i32
    return %arg0, %c0_i32 : i32, i32
  }
  func.func @transform_3(%arg0: i32) -> (i32, i32) {
    %c0_i32 = arith.constant 0 : i32
    %c0_i32_0 = arith.constant 0 : i32
    return %arg0, %c0_i32 : i32, i32
  }
}

module attributes {stable_mosaic.version = 14 : i64} {
  func.func @_obj_body(%arg0: i32, %arg1: memref<4000x151xf32, #tpu.memory_space<vmem>>, %arg2: memref<4000x1xf32, #tpu.memory_space<vmem>>, %arg3: memref<4000x1xi32, #tpu.memory_space<vmem>>) attributes {dimension_semantics = [#tpu.dimension_semantics<arbitrary>], iteration_bounds = array<i64: 5>, scalar_prefetch = 0 : i64, scratch_operands = 0 : i64, tpu.core_type = #tpu.core_type<tc>, window_params = [{transform_indices = @transform_0, window_bounds = array<i64: 4000, 151>}, {transform_indices = @transform_1, window_bounds = array<i64: 4000, 1>}, {transform_indices = @transform_2, window_bounds = array<i64: 4000, 1>}]} {
    %get3A = arith.constant 0 : index
    %get3A_0 = arith.constant 0 : index
    %get3A_1 = vector.load %arg1[%get3A, %get3A_0] : memref<4000x151xf32, #tpu.memory_space<vmem>>, vector<4000x151xf32>
    %reduce_max3A = arith.constant dense<0xFF800000> : vector<4000xf32>
    %reduce_max3A_2 = vector.multi_reduction <maximumf>, %get3A_1, %reduce_max3A [1] : vector<4000x151xf32> to vector<4000xf32>
    %broadcast_in_dim3A = vector.shape_cast %reduce_max3A_2 : vector<4000xf32> to vector<4000x1xf32>
    %sub3A = vector.broadcast %broadcast_in_dim3A : vector<4000x1xf32> to vector<4000x151xf32>
    %sub3A_3 = arith.subf %get3A_1, %sub3A : vector<4000x151xf32>
    %exp3A = math.exp %sub3A_3 : vector<4000x151xf32>
    %reduce_sum3A = arith.constant dense<0.000000e+00> : vector<4000xf32>
    %reduce_sum3A_4 = vector.multi_reduction <add>, %exp3A, %reduce_sum3A [1] : vector<4000x151xf32> to vector<4000xf32>
    %broadcast_in_dim3A_5 = vector.shape_cast %reduce_sum3A_4 : vector<4000xf32> to vector<4000x1xf32>
    %div3A = vector.broadcast %broadcast_in_dim3A_5 : vector<4000x1xf32> to vector<4000x151xf32>
    %div3A_6 = arith.divf %exp3A, %div3A : vector<4000x151xf32>
    %iota3A = tpu.iota {dimensions = array<i32: 1>} : vector<4000x151xi32>
    %ge3A = arith.constant 1 : i32
    %ge3A_7 = vector.broadcast %ge3A : i32 to vector<4000x151xi32>
    %ge3A_8 = arith.cmpi sge, %iota3A, %ge3A_7 : vector<4000x151xi32>
    %jit3A = arith.constant 0.000000e+00 : f32
    %broadcast_in_dim3A_9 = vector.broadcast %jit3A : f32 to vector<4000x151xf32>
    %select_n3A = arith.select %ge3A_8, %div3A_6, %broadcast_in_dim3A_9 : vector<4000x151xi1>, vector<4000x151xf32>
    %reduce_max3A_10 = arith.constant dense<0xFF800000> : vector<4000xf32>
    %reduce_max3A_11 = vector.multi_reduction <maximumf>, %select_n3A, %reduce_max3A_10 [1] : vector<4000x151xf32> to vector<4000xf32>
    %broadcast_in_dim3A_12 = vector.shape_cast %reduce_max3A_11 : vector<4000xf32> to vector<4000x1xf32>
    %eq3A = vector.broadcast %broadcast_in_dim3A_12 : vector<4000x1xf32> to vector<4000x151xf32>
    %eq3A_13 = arith.cmpf oeq, %select_n3A, %eq3A : vector<4000x151xf32>
    %and3A = arith.andi %ge3A_8, %eq3A_13 : vector<4000x151xi1>
    %jit3A_14 = arith.constant 152 : i32
    %broadcast_in_dim3A_15 = vector.broadcast %jit3A_14 : i32 to vector<4000x151xi32>
    %select_n3A_16 = arith.select %and3A, %iota3A, %broadcast_in_dim3A_15 : vector<4000x151xi1>, vector<4000x151xi32>
    %reduce_min3A = arith.constant dense<2147483647> : vector<4000xi32>
    %reduce_min3A_17 = vector.multi_reduction <minsi>, %select_n3A_16, %reduce_min3A [1] : vector<4000x151xi32> to vector<4000xi32>
    %broadcast_in_dim3A_18 = vector.shape_cast %reduce_max3A_11 : vector<4000xf32> to vector<4000x1xf32>
    %swap3A = arith.constant 0 : index
    %swap3A_19 = arith.constant 0 : index
    %swap3A_20 = vector.load %arg2[%swap3A, %swap3A_19] : memref<4000x1xf32, #tpu.memory_space<vmem>>, vector<4000x1xf32>
    tpu.vector_store %arg2[%swap3A, %swap3A_19], %broadcast_in_dim3A_18 {strides = array<i32>} : memref<4000x1xf32, #tpu.memory_space<vmem>>, vector<4000x1xf32>,
    %broadcast_in_dim3A_21 = vector.shape_cast %reduce_min3A_17 : vector<4000xi32> to vector<4000x1xi32>
    %swap3A_22 = arith.constant 0 : index
    %swap3A_23 = arith.constant 0 : index
    %swap3A_24 = vector.load %arg3[%swap3A_22, %swap3A_23] : memref<4000x1xi32, #tpu.memory_space<vmem>>, vector<4000x1xi32>
    tpu.vector_store %arg3[%swap3A_22, %swap3A_23], %broadcast_in_dim3A_21 {strides = array<i32>} : memref<4000x1xi32, #tpu.memory_space<vmem>>, vector<4000x1xi32>,
    return
  }
  func.func @transform_0(%arg0: i32) -> (i32, i32) {
    %c0_i32 = arith.constant 0 : i32
    %c0_i32_0 = arith.constant 0 : i32
    return %arg0, %c0_i32 : i32, i32
  }
  func.func @transform_1(%arg0: i32) -> (i32, i32) {
    %c0_i32 = arith.constant 0 : i32
    %c0_i32_0 = arith.constant 0 : i32
    return %arg0, %c0_i32 : i32, i32
  }
  func.func @transform_2(%arg0: i32) -> (i32, i32) {
    %c0_i32 = arith.constant 0 : i32
    %c0_i32_0 = arith.constant 0 : i32
    return %arg0, %c0_i32 : i32, i32
  }
}

</mosaic_0001>

<sc_bundles>
// kernel: kernel.6.cloned.1.call-start
scs
__scs_entry_jumppad:
0x0: {  	(pc) =	sbr.rel $0x88, $3  }
0x1: {  	(tag) =	ssettag $0x0;
	lr =	simm.s32 $0x1  }
0x2: {  	[smem:$0x3F9D] =	sst lr;
	_ =	strace $0xD0000000  }
0x3: {  	_ = 	snop  }
0x4: {  	_ = 	snop  }
0x5: {  	_ = 	snop  }
0x6: {  	_ = 	snop  }
0x7: {  	_ = 	snop  }
__scs_overlays_trampoline_lowered:
0x8: {  	[smem:$0x3FAC] =	sst s0  }
0x9: {  	[smem:$0x3FAD] =	sst s1  }
0xa: {  	[smem:$0x3FAE] =	sst s2  }
0xb: {  	[smem:$0x3FAF] =	sst s3  }
0xc: {  	[smem:$0x3FB0] =	sst s4  }
0xd: {  	[smem:$0x3FB1] =	sst s5  }
0xe: {  	[smem:$0x3FB2] =	sst s6  }
0xf: {  	[smem:$0x3FB3] =	sst s7  }
0x10: {  	[smem:$0x3FB4] =	sst s8  }
0x11: {  	[smem:$0x3FB5] =	sst s9;
	s0 =	simm.s32 @!p0 $0x0  }
0x12: {  	s1 =	sld [smem:$0x3F9B];
	s0 =	simm.s32 @p0 $0x1  }
0x13: {  	[smem:$0x3FB6] =	sst s0;
	s0 =	simm.s32 @!p1 $0x0  }
0x14: {  	s2 =	sld [smem:$0x3F9A];
	s0 =	simm.s32 @p1 $0x1  }
0x15: {  	[smem:$0x3FB7] =	sst s0;
	s0 =	simm.s32 @!p2 $0x0  }
0x16: {  	s3 =	sld [smem:$0x3FDB];
	s0 =	simm.s32 @p2 $0x1  }
0x17: {  	s4 =	simm.s32 $0x1BF5;
	[smem:$0x3FB9] =	sst s0  }
0x18: {  	s0 =	sld [smem:$0x3F9C];
	_ =	swait.ge [sflag:s4], $0x0  }
0x19: {  	s7 =	sld [smem:$0x3F9D]  }
0x1a: {  	s8 =	sadd.s32 $0xFFFFE003, lr  }
0x1b: {  	s9 =	sadd.s32 $0xFFFFFEF7, lr;
	s5 =	simm.s32 $0xFFFFFFFF;
	p2 =	slt.u32 s8, $0xFFFFF086  }
0x1c: {  	p1 =	slt.u32 s9, $0xF7A;
	s5 =	simm.s32 @!p2 $0x0  }
0x1d: {  	s5 =	simm.s32 @p1 $0x1;
	p0 =	seq.s32 s7, s2  }
0x1e: {  	s7 =	smul.u32 @!p0 $0xF7A, s2;
	p2 =	seq.s32 @!p0 s5, $0x0  }
0x1f: {  	s9 =	smul.u32 $0xF7A, s1;
	s8 =	simm.s32 @!p0 $0x1BF5;
	p2 =	por !p2, p0  }
0x20: {  	[sflag:s8] =	ssyncset.s32 @!p0 $0xFFFFF086;
	s6 =	sadd.s32 @!p0 s3, s7;
	s7 =	simm.s32 @!p0 $0x108  }
0x21: {  	s3 =	sadd.s32 s3, s9;
	s6 =	sadd.s32 @!p0 $0x88, s6;
	s7 =	simm.s32 @p2 $0x1082  }
0x22: {  	[simem:s7], [sflag:s8] =	dma.local @!p0 [hbm:s6], $0xF7A  }
0x23: {  	s9 =	sor.u32 $0xD0000000, s2;
	s6 =	simm.s32 $0x108;
	_ =	swait.ge @!p0 [sflag:s8], $0x0  }
0x24: {  	s3 =	sadd.s32 $0x88, s3;
	s6 =	simm.s32 @!p1 $0x1082;
	[sflag:s4] =	ssyncset.s32 $0xFFFFF086  }
0x25: {  	[simem:s6], [sflag:s4] =	dma.local [hbm:s3], $0xF7A  }
0x26: {  	[smem:$0x3F9D] =	sst s1;
	(tag) =	ssettag s2;
	_ =	strace s9  }
0x27: {  	s1 =	sld [smem:$0x3FAD]  }
0x28: {  	s2 =	sld [smem:$0x3FAE]  }
0x29: {  	s4 =	sld [smem:$0x3FB0]  }
0x2a: {  	p0 =	seq.s32 s5, $0x0;
	s5 =	sld [smem:$0x3FB1]  }
0x2b: {  	s6 =	sld [smem:$0x3FB2]  }
0x2c: {  	s7 =	sld [smem:$0x3FB3]  }
0x2d: {  	s3 =	simm.s32 $0x108;
	s8 =	sld [smem:$0x3FB4]  }
0x2e: {  	s3 =	simm.s32 @!p0 $0x1082;
	s9 =	sld [smem:$0x3FB5]  }
0x2f: {  	lr =	sadd.s32 s0, s3;
	s0 =	sld [smem:$0x3FAC]  }
0x30: {  	s3 =	sld [smem:$0x3FAF]  }
0x31: {  	[smem:$0x3FB8] =	sst s10  }
0x32: {  	s10 =	sld [smem:$0x3FB6];
	_ =	sdelay $0x3  }
0x33: {  	p0 =	seq.s32 s10, $0x1;
	s10 =	sld [smem:$0x3FB8];
	_ =	sdelay $0x3  }
0x34: {  	[smem:$0x3FB8] =	sst s10  }
0x35: {  	s10 =	sld [smem:$0x3FB7];
	_ =	sdelay $0x3  }
0x36: {  	p1 =	seq.s32 s10, $0x1;
	s10 =	sld [smem:$0x3FB8];
	_ =	sdelay $0x3  }
0x37: {  	[smem:$0x3FB8] =	sst s10  }
0x38: {  	s10 =	sld [smem:$0x3FB9]  }
0x39: {  	_ = 	snop;
	(pc) =	sbr.ind lr, $3  }
0x3a: {  	_ = 	snop  }
0x3b: {  	_ = 	snop  }
0x3c: {  	p2 =	seq.s32 s10, $0x1;
	s10 =	sld [smem:$0x3FB8]  }
0x3d: {  	_ =	shalt  }
0x3e: {  	_ =	shalt  }
0x3f: {  	_ =	shalt  }
0x40: {  	_ =	shalt  }
0x41: {  	_ =	shalt  }
0x42: {  	_ =	shalt  }
0x43: {  	_ =	shalt  }
0x44: {  	_ =	shalt  }
0x45: {  	_ =	shalt  }
0x46: {  	_ =	shalt  }
0x47: {  	_ =	shalt  }
0x48: {  	_ =	shalt  }
0x49: {  	_ =	shalt  }
0x4a: {  	_ =	shalt  }
0x4b: {  	_ =	shalt  }
0x4c: {  	_ =	shalt  }
0x4d: {  	_ =	shalt  }
0x4e: {  	_ =	shalt  }
0x4f: {  	_ =	shalt  }
0x50: {  	_ =	shalt  }
0x51: {  	_ =	shalt  }
0x52: {  	_ =	shalt  }
0x53: {  	_ =	shalt  }
0x54: {  	_ =	shalt  }
0x55: {  	_ =	shalt  }
0x56: {  	_ =	shalt  }
0x57: {  	_ =	shalt  }
0x58: {  	_ =	shalt  }
0x59: {  	_ =	shalt  }
0x5a: {  	_ =	shalt  }
0x5b: {  	_ =	shalt  }
0x5c: {  	_ =	shalt  }
0x5d: {  	_ =	shalt  }
0x5e: {  	_ =	shalt  }
0x5f: {  	_ =	shalt  }
0x60: {  	_ =	shalt  }
0x61: {  	_ =	shalt  }
0x62: {  	_ =	shalt  }
0x63: {  	_ =	shalt  }
0x64: {  	_ =	shalt  }
0x65: {  	_ =	shalt  }
0x66: {  	_ =	shalt  }
0x67: {  	_ =	shalt  }
0x68: {  	_ =	shalt  }
0x69: {  	_ =	shalt  }
0x6a: {  	_ =	shalt  }
0x6b: {  	_ =	shalt  }
0x6c: {  	_ =	shalt  }
0x6d: {  	_ =	shalt  }
0x6e: {  	_ =	shalt  }
0x6f: {  	_ =	shalt  }
0x70: {  	_ =	shalt  }
0x71: {  	_ =	shalt  }
0x72: {  	_ =	shalt  }
0x73: {  	_ =	shalt  }
0x74: {  	_ =	shalt  }
0x75: {  	_ =	shalt  }
0x76: {  	_ =	shalt  }
0x77: {  	_ =	shalt  }
0x78: {  	_ =	shalt  }
0x79: {  	_ =	shalt  }
0x7a: {  	_ =	shalt  }
0x7b: {  	_ =	shalt  }
0x7c: {  	_ =	shalt  }
0x7d: {  	_ =	shalt  }
0x7e: {  	_ =	shalt  }
0x7f: {  	_ =	shalt  }
0x80: {  	_ =	shalt  }
0x81: {  	_ =	shalt  }
0x82: {  	_ =	shalt  }
0x83: {  	_ =	shalt  }
0x84: {  	_ =	shalt  }
0x85: {  	_ =	shalt  }
0x86: {  	_ =	shalt  }
0x87: {  	_ =	shalt  }
.Lfunc_end0:
.L_simem_size_0:
called_computation_lowered:
.L_overlay_start_0:
0x88: {  	s0 =	sld [smem:$0x3FD9]  }
0x89: {  	s1 =	sld [smem:$0x3FFE];
	_ =	sdelay $0x3  }
0x8a: {  	s0 =	sadd.s32 s1, s0  }
0x8b: {  	[smem:$0x3FC4] =	sst s0  }
0x8c: {  	_ = 	snop  }
0x8d: {  	s0 =	sld [smem:$0x3FD0];
	_ =	sdelay $0x2  }
0x8e: {  	s13 =	simm.s32 $0xA;
	s2 =	simm.s32 $0x10  }
0x8f: {  	[smem:s2], [sflag:s13] =	dma.local [hbm:s0], $0x1  }
0x90: {  	_ =	swait.eq [sflag:s13], $0x1  }
0x91: {  	[sflag:s13] =	ssyncset.done $0x0  }
0x92: {  	s14 =	sld [smem:$0x12];
	[sflag:s13] =	ssyncadd.s32 $0xFFFFFFFF  }
0x93: {  	s15 =	sld [smem:$0x13];
	(tm) =	ssettm $0x1  }
0x94: {  	s16 =	sld [smem:$0x3FFB];
	_ =	sdelay $0x3  }
0x95: {  	_ =	strace s16  }
0x96: {  	s2 =	sld [smem:$0x3FFC];
	_ =	sdelay $0x3  }
0x97: {  	_ =	strace s2  }
0x98: {  	s2 =	sld [smem:$0x3FFD];
	_ =	sdelay $0x3  }
0x99: {  	_ =	strace s2  }
0x9a: {  	_ =	strace $0x8FFFFFFF  }
0x9b: {  	s17 =	sld [smem:$0x3FDB];
	_ =	sdelay $0x1  }
0x9c: {  	s3 =	simm.s32 $_scs_section_size  }
0x9d: {  	s4 =	simm.s32 $_size__tile_overlayer_lowered;
	s5 =	simm.s32 $_tile_overlayer_lowered  }
0x9e: {  	s20 =	simm.s32 $0x1BFF;
	s19 =	sshll.u32 s5, $0x1;
	s2 =	sadd.s32 s3, s17  }
0x9f: {  	s6 =	simm.s32 $0x0;
	s18 =	sshll.u32 s4, $0x1;
	s4 =	sadd.s32 s19, s2  }
0xa0: {  	[timem:s6], [sflag:s20] =	dma.local [hbm:s4], s18  }
0xa1: {  	_ =	swait.ge [sflag:s20], s18  }
0xa2: {  	s3 =	ssub.s32 $0x0, s18;
	[sflag:s20] =	ssyncset.done $0x0  }
0xa3: {  	[sflag:s20] =	ssyncadd.s32 s3;
	_ =	sdelay $0x1  }
0xa4: {  	s21 =	simm.s32 $0x1B8B  }
0xa5: {  	_ =	swait.ge [sflag:s21], $0x1  }
0xa6: {  	[sflag:s21] =	ssyncset.done $0x0  }
0xa7: {  	s23 =	simm.s32 $0x1B8E;
	s22 =	sld [smem:$0x3FFE];
	[sflag:s21] =	ssyncadd.s32 $0xFFFFFFFF  }
0xa8: {  	s24 =	simm.s32 $execute0_lowered;
	[smem:$0x3FD2] =	sst s23  }
0xa9: {  	s4 =	sshll.u32 s24, $0x1;
	_ =	strace $0x80000046;
	[dreg:$0x1] =	wrdreg $0xFFFFFFFF  }
0xaa: {  	s25 =	simm.s32 $_size_execute0_lowered;
	s2 =	sadd.s32 s2, s4;
	[dreg:$0x0] =	wrdreg $0x0  }
0xab: {  	s4 =	sshll.u32 s25, $0x1;
	[dreg:$0x2] =	wrdreg s2  }
0xac: {  	[dreg:$0x3] =	wrdreg s4  }
0xad: {  	[dreg:$0x4] =	wrdreg $0xC0  }
0xae: {  	_ =	task [dreg:s6], $0x5FFFF  }
0xaf: {  	[dreg:$0x1] =	wrdreg $0xFFFFFFFF  }
0xb0: {  	[dreg:$0x0] =	wrdreg $0x60  }
0xb1: {  	[dreg:$0x2] =	wrdreg s15  }
0xb2: {  	[dreg:$0x3] =	wrdreg s22  }
0xb3: {  	[dreg:$0x4] =	wrdreg s14  }
0xb4: {  	[dreg:$0x5] =	wrdreg $0x193800  }
0xb5: {  	[dreg:$0x6] =	wrdreg $0x12F800  }
0xb6: {  	[dreg:$0x7] =	wrdreg $0x148800  }
0xb7: {  	[dreg:$0x8] =	wrdreg $0x161800  }
0xb8: {  	[dreg:$0x9] =	wrdreg $0x17A800  }
0xb9: {  	[dreg:$0xa] =	wrdreg $0x9  }
0xba: {  	_ =	task.clear_ibuf [dreg:s6], $0xBFFFF;
	_ =	strace $0x90000046  }
0xbb: {  	s26 =	simm.s32 $0x9;
	_ =	strace $0x80000048  }
0xbc: {  	_ =	swait.ge [sflag:s26], $0x1  }
0xbd: {  	[sflag:s26] =	ssyncadd.s32 $0xFFFFFFFF  }
0xbe: {  	_ =	strace $0x90000048  }
0xbf: {  	_ =	sfence  }
0xc0: {  	s28 =	sld [smem:$0x0];
	_ =	sdelay $0x1  }
0xc1: {  	s29 =	srdreg.scid  }
0xc2: {  	s30 =	sshll.u32 s29, $0xD;
	s31 =	sshrl.u32 s29, $0x2  }
0xc3: {  	s1 =	sand.u32 $0x1, s29;
	s2 =	sand.u32 $0x4000, s30;
	s0 =	sadd.s32 s31, s28  }
0xc4: {  	s1 =	sor.u32 s2, s1;
	s0 =	sshll.u32 s0, $0x11  }
0xc5: {  	s0 =	sor.u32 s0, s1  }
0xc6: {  	s0 =	sadd.s32 $0x8F2B, s0  }
0xc7: {  	[sflag:s0] =	ssyncadd.remote.s32 $0x1  }
0xc8: {  	_ =	sfence.sel $0xFFFF  }
0xc9: {  	[dreg:$0x0] =	wrdreg $0xFFFFFFFF;
	(pc) =	sbr.abs _section_cstart, $3  }
0xca: {  	[dreg:$0x1] =	wrdreg $0xFFFFFFFF  }
0xcb: {  	_ =	task.clear_ibuf [dreg:s6], $0x2FFFF;
	_ =	strace $0x9FFFFFFF  }
0xcc: {  	(tm) =	ssettm $0x7FFFFFFF  }
0xcd: {  	_ =	shalt  }
tec
execute0_lowered:
.L_overlay_start_1:
0x0: {  	(tag) =	ssettag $0x1  }
0x1: {  	s11 =	rddreg [dreg:$0x0]  }
0x2: {  	s2 =	rddreg [dreg:$0x1]  }
0x3: {  	s12 =	rddreg [dreg:$0x2]  }
0x4: {  	s6 =	rddreg [dreg:$0x3]  }
0x5: {  	s5 =	rddreg [dreg:$0x4]  }
0x6: {  	s4 =	rddreg [dreg:$0x5]  }
0x7: {  	s9 =	rddreg [dreg:$0x6];
	s1 =	stileid.u32  }
0x8: {  	s7 =	rddreg [dreg:$0x7];
	s8 =	smul.u32 $0x1900, s1  }
0x9: {  	s0 =	rddreg [dreg:$0x8];
	s10 =	simm.s32 $0x0  }
0xa: {  	s14 =	simm.s32 $0x3200;
	[smem:$0x7FF] =	sst s10;
	s3 =	sshrl.u32 s8, $0x3  }
0xb: {  	_ =	strace $0x80000047;
	s13 =	sadd.s32 s3, s2;
	s11 =	sadd.s32 s11, s3  }
0xc: {  	[tilespmem:s14], [sflag:$0x1] =	stream.linear.gather [hbm4b:s11+s10], $0x1900, $0x38;
	[tilespmem:$0x19780] =	vst v63  }
0xd: {  	s28 =	simm.s32 $0x4B00;
	s26 =	sadd.s32 $0x5D400, s13  }
0xe: {  	[tilespmem:s28], [sflag:$0x1] =	stream.linear.gather [hbm4b:s26+s10], $0x1900, $0x38;
	[tilespmem:$0x19780] =	vst v63  }
0xf: {  	s30 =	simm.s32 $0x6400;
	s29 =	sadd.s32 $0x60600, s13  }
0x10: {  	[tilespmem:s30], [sflag:$0x1] =	stream.linear.gather [hbm4b:s29+s10], $0x1900, $0x38;
	[tilespmem:$0x19780] =	vst v63  }
0x11: {  	s31 =	simm.s32 $0x1;
	s11 =	simm.s32 $0x7D00  }
0x12: {  	[tilespmem:s11], [sflag:$0x1] =	stream.linear.gather [hbm4b:s12+s10], $0x4E80, $0x38;
	[tilespmem:$0x19780] =	vst v63  }
0x13: {  	_ =	swait.ge [sflag:s31], $0x1900  }
0x14: {  	[sflag:s31] =	ssyncset.done $0x0  }
0x15: {  	[sflag:s31] =	ssyncadd.s32 $0xFFFFE700  }
0x16: {  	_ =	swait.ge [sflag:s31], $0x1900  }
0x17: {  	[sflag:s31] =	ssyncset.done $0x0  }
0x18: {  	[sflag:s31] =	ssyncadd.s32 $0xFFFFE700  }
0x19: {  	_ =	swait.ge [sflag:s31], $0x1900  }
0x1a: {  	[sflag:s31] =	ssyncset.done $0x0  }
0x1b: {  	[sflag:s31] =	ssyncadd.s32 $0xFFFFE700  }
0x1c: {  	_ =	swait.ge [sflag:s31], $0x4E80  }
0x1d: {  	[sflag:s31] =	ssyncset.done $0x0  }
0x1e: {  	s12 =	simm.s32 $0x0;
	[sflag:s31] =	ssyncadd.s32 $0xFFFFB180  }
0x1f: {  	v0 =	vld [tilespmem:s12+$0x4B00];
	_ =	sdelay $0x1  }
0x20: {  	v2 =	vld [tilespmem:s12+$0x6400];
	_ =	sdelay $0x4  }
0x21: {  	v3 =	vld [tilespmem:s12+$0x3200]  }
0x22: {  	v1 =	vld.idx.msk [tilespmem:v0+s11+$0x0], $0xffff  }
0x23: {  	v0 =	vlaneseq.u32  }
0x24: {  	v2 =	vld.idx.msk [tilespmem:v2+s11+$0x0], $0xffff;
	v4 =	vor.u32 s8, v0  }
0x25: {  	s15 =	simm.s32 $0x80;
	s14 =	simm.s32 $0x10;
	s13 =	smov.u32 s8;
	[tilespmem:s12+$0x1900] =	vst v4  }
.LBB2_1:
0x26: {  	p0 =	sne.s32 s15, $0x63C0;
	v4 =	vld [tilespmem:s14+$0x4B00]  }
0x27: {  	v1 =	vmul.f32 v1, v3  }
0x28: {  	v5 =	vld [tilespmem:s14+$0x6400]  }
0x29: {  	v1 =	vmul.f32 v2, v1  }
0x2a: {  	v2 =	vmov s13  }
0x2b: {  	vm0 =	vlt.u32 v2, $0x186A0;
	v1 =	vsub.s32 $0x3F800000, v1  }
0x2c: {  	v1 =	vnsel vm0, $0x3FFFFFFF, v1  }
0x2d: {  	[tilespmem:s12+$0x0] =	vst v1;
	s12 =	smov.u32 s14  }
.Ltmp0:
0x2e: {  	s13 =	sadd.s32 $0x10, s13;
	v1 =	vld.idx.msk [tilespmem:v4+s11+$0x0], $0xffff;
	(pc) =	sbr.rel @p0 .LBB2_1-.Ltmp0, $3  }
0x2f: {  	v4 =	vor.u32 s13, v0;
	v3 =	vld [tilespmem:s12+$0x3200]  }
0x30: {  	v2 =	vld.idx.msk [tilespmem:v5+s11+$0x0], $0xffff;
	[tilespmem:s12+$0x1900] =	vst v4;
	_ =	sdelay $0x1  }
0x31: {  	s14 =	sshra.s32 s15, $0x2;
	s15 =	sadd.s32 $0x40, s15  }
0x32: {  	v4 =	vld [tilespmem:s14+$0x4B00]  }
0x33: {  	v1 =	vmul.f32 v1, v3;
	_ =	sdelay $0x1  }
0x34: {  	v3 =	vld [tilespmem:s14+$0x6400];
	v1 =	vmul.f32 v2, v1  }
0x35: {  	v2 =	vmov s13  }
0x36: {  	vm0 =	vlt.u32 v2, $0x186A0;
	v1 =	vsub.s32 $0x3F800000, v1  }
0x37: {  	v1 =	vnsel vm0, $0x3FFFFFFF, v1  }
0x38: {  	[tilespmem:s12+$0x0] =	vst v1  }
0x39: {  	v1 =	vld.idx.msk [tilespmem:v4+s11+$0x0], $0xffff  }
0x3a: {  	v2 =	vld [tilespmem:s14+$0x3200];
	_ =	sdelay $0x1  }
0x3b: {  	v3 =	vld.idx.msk [tilespmem:v3+s11+$0x0], $0xffff;
	_ =	sdelay $0x2  }
0x3c: {  	v1 =	vmul.f32 v1, v2;
	_ =	sdelay $0x1  }
0x3d: {  	s31 =	sadd.s32 $0x10, s13;
	v1 =	vmul.f32 v3, v1  }
0x3e: {  	v2 =	vmov s31  }
0x3f: {  	v0 =	vor.u32 s31, v0;
	vm15 =	vlt.u32 v2, $0x186A0;
	v1 =	vsub.s32 $0x3F800000, v1  }
0x40: {  	[tilespmem:s14+$0x1900] =	vst v0;
	v0 =	vnsel vm15, $0x3FFFFFFF, v1  }
0x41: {  	[tilespmem:s14+$0x0] =	vst v0;
	v0 =	vimm.s32 $0x0  }
.LBB2_3:
0x42: {  	p0 =	sne.s32 s10, $0xFC0  }
.Ltmp1:
0x43: {  	_ = 	snop;
	(pc) =	sbr.rel @p0 .LBB2_3-.Ltmp1, $3  }
0x44: {  	_ =	sdelay $0x1  }
0x45: {  	s11 =	sshra.s32 s10, $0x2  }
0x46: {  	s10 =	sadd.s32 $0x40, s10;
	[tilespmem:s11+$0xCB80] =	vst v0  }
0x47: {  	s10 =	simm.s32 $0xCB80;
	s12 =	simm.s32 $0x0;
	s11 =	simm.s32 $0x40  }
.LBB2_5:
0x48: {  	p0 =	sne.s32 s11, $0x63C0;
	v0 =	vld [tilespmem:s12+$0x0];
	_ =	sdelay $0x4  }
0x49: {  	v0 =	vand.u32 $0x3FF, v0  }
0x4a: {  	(xrf1) =	vunique.msk.u32 $0xffff, v0;
	_ =	sdelay $0xc  }
0x4b: {  	v1 =	vld.idx.msk [tilespmem:v0+s10+$0x0], $0xffff  }
0x4c: {  	_, v2, vm0 =	vpop (xrf1);
	_ =	sdelay $0x1  }
.Ltmp2:
0x4d: {  	(pc) =	sbr.rel @p0 .LBB2_5-.Ltmp2, $3  }
0x4e: {  	_ =	sdelay $0x1  }
0x4f: {  	v1 =	vadd.s32 v1, v2  }
0x50: {  	s12 =	sshra.s32 s11, $0x2;
	s11 =	sadd.s32 $0x40, s11;
	[tilespmem:v0+s10+$0x0] =	vst.idx.msk vm0, v1  }
0x51: {  	v0 =	vld [tilespmem:s12+$0x0];
	_ =	sdelay $0x4  }
0x52: {  	v0 =	vand.u32 $0x3FF, v0  }
0x53: {  	(xrf1) =	vunique.msk.u32 $0xffff, v0;
	_ =	sdelay $0xd  }
0x54: {  	v1 =	vld.idx.msk [tilespmem:v0+s10+$0x0], $0xffff;
	_, v2, vm0 =	vpop (xrf1);
	_ =	sdelay $0x4  }
0x55: {  	s11 =	sshll.u32 s1, $0xA;
	v1 =	vadd.s32 v1, v2  }
0x56: {  	s26 =	simm.s32 $0xCB80;
	s28 =	simm.s32 $0x2;
	[tilespmem:v0+s10+$0x0] =	vst.idx.msk vm0, v1;
	s10 =	sadd.s32 s11, s6  }
0x57: {  	[spmem:s10] =	stream.linear.scatter [tilespmem:s26], [sflag:$0x2], $0x400, $0x38;
	[tilespmem:$0x19780] =	vst v63  }
0x58: {  	_ =	swait.ge [sflag:s28], $0x400  }
0x59: {  	[sflag:s28] =	ssyncset.done $0x0  }
0x5a: {  	[sflag:s28] =	ssyncadd.s32 $0xFFFFFC00  }
0x5b: {  	s29 =	simm.s32 $0xD380;
	[bflag:$0x0] =	sbarrier.arrive $0xFFFF  }
0x5c: {  	[tilespmem:s29], [sflag:$0x2] =	stream.linear.gather [spmem:s6], $0x4000, $0x38;
	[tilespmem:$0x19780] =	vst v63  }
0x5d: {  	_ =	swait.ge [sflag:s28], $0x4000  }
0x5e: {  	s11 =	simm.s32 $0x0;
	[sflag:s28] =	ssyncset.done $0x0  }
0x5f: {  	s30 =	sand.u32 $0x3F0, s11;
	[sflag:s28] =	ssyncadd.s32 $0xFFFFC000  }
0x60: {  	v0 =	vld [tilespmem:s30+$0xD380]  }
0x61: {  	v1 =	vld [tilespmem:s30+$0xD780]  }
0x62: {  	v2 =	vld [tilespmem:s30+$0xDB80]  }
0x63: {  	v3 =	vld [tilespmem:s30+$0xDF80]  }
0x64: {  	p4 =	sgt.u32 s1, $0x3  }
0x65: {  	p0 =	sgt.u32 s1, $0x1;
	p2 =	seq.s32 s1, $0x0;
	s12 =	simm.s32 @!p4 $0x0;
	v4 =	vld [tilespmem:s30+$0xE380]  }
0x66: {  	p1 =	sgt.u32 s1, $0x2;
	p3 =	sgt.u32 s1, $0x4;
	s12 =	simm.s32 @p4 $0x1;
	v5 =	vld [tilespmem:s30+$0xE780];
	v6 =	vadd.s32 v0, v1;
	v0 =	vpsel p2, $0x0, v0;
	v1 =	vpsel !p0, $0x0, v1  }
0x67: {  	[smem:$0x7FC] =	sst s12;
	s12 =	simm.s32 @!p3 $0x0;
	v7 =	vld [tilespmem:s30+$0xEB80];
	v0 =	vadd.s32 v0, v1;
	v1 =	vpsel !p1, $0x0, v2  }
0x68: {  	s12 =	simm.s32 @p3 $0x1;
	v0 =	vadd.s32 v0, v1;
	v1 =	vpsel !p4, $0x0, v3;
	p4 =	sgt.u32 s1, $0x5  }
0x69: {  	v8 =	vld [tilespmem:s30+$0xEF80];
	[smem:$0x7FD] =	sst s12;
	v6 =	vadd.s32 v6, v2;
	s12 =	simm.s32 @!p4 $0x0  }
0x6a: {  	v9 =	vld [tilespmem:s30+$0xF380];
	v6 =	vadd.s32 v6, v3;
	v0 =	vadd.s32 v0, v1;
	v1 =	vpsel !p3, $0x0, v4;
	p3 =	sgt.u32 s1, $0x6;
	s12 =	simm.s32 @p4 $0x1  }
0x6b: {  	v10 =	vld [tilespmem:s30+$0xF780];
	v6 =	vadd.s32 v6, v4;
	v0 =	vadd.s32 v0, v1;
	v1 =	vpsel !p4, $0x0, v5;
	[smem:$0x7F2] =	sst s12;
	s12 =	simm.s32 @!p3 $0x0  }
0x6c: {  	v11 =	vld [tilespmem:s30+$0xFB80];
	v6 =	vadd.s32 v6, v5;
	v0 =	vadd.s32 v0, v1;
	v1 =	vpsel !p3, $0x0, v7;
	s12 =	simm.s32 @p3 $0x1;
	p3 =	sgt.u32 s1, $0x7  }
0x6d: {  	s13 =	sadd.s32 $0xD380, s30;
	v12 =	vld [tilespmem:s30+$0xFF80];
	v6 =	vadd.s32 v6, v7;
	[smem:$0x7F3] =	sst s12;
	s12 =	simm.s32 @!p3 $0x0  }
0x6e: {  	v13 =	vld [tilespmem:s13+$0x3000];
	v6 =	vadd.s32 v6, v8;
	v0 =	vadd.s32 v0, v1;
	v1 =	vpsel !p3, $0x0, v8;
	s12 =	simm.s32 @p3 $0x1;
	p3 =	sgt.u32 s1, $0x8  }
0x6f: {  	v2 =	vadd.s32 v6, v9;
	v6 =	vld [tilespmem:s13+$0x3400];
	[smem:$0x7F4] =	sst s12;
	s12 =	simm.s32 @!p3 $0x0  }
0x70: {  	v3 =	vld [tilespmem:s13+$0x3800];
	v2 =	vadd.s32 v2, v10;
	v0 =	vadd.s32 v0, v1;
	v1 =	vpsel !p3, $0x0, v9;
	s12 =	simm.s32 @p3 $0x1;
	p3 =	sgt.u32 s1, $0x9  }
0x71: {  	v4 =	vld [tilespmem:s13+$0x3C00];
	v2 =	vadd.s32 v2, v11;
	[smem:$0x7F5] =	sst s12;
	s12 =	simm.s32 @!p3 $0x0  }
0x72: {  	v2 =	vadd.s32 v2, v12;
	v0 =	vadd.s32 v0, v1;
	v1 =	vpsel !p3, $0x0, v10;
	s12 =	simm.s32 @p3 $0x1;
	p3 =	sgt.u32 s1, $0xA  }
0x73: {  	v2 =	vadd.s32 v2, v13;
	[smem:$0x7F6] =	sst s12;
	s12 =	simm.s32 @!p3 $0x0  }
0x74: {  	v2 =	vadd.s32 v2, v6;
	v0 =	vadd.s32 v0, v1;
	v1 =	vpsel !p3, $0x0, v11;
	s12 =	simm.s32 @p3 $0x1;
	p3 =	sgt.u32 s1, $0xB  }
0x75: {  	v2 =	vadd.s32 v2, v3;
	[smem:$0x7F7] =	sst s12;
	s12 =	simm.s32 @!p3 $0x0  }
0x76: {  	v2 =	vadd.s32 v2, v4;
	v0 =	vadd.s32 v0, v1;
	v1 =	vpsel !p3, $0x0, v12;
	s12 =	simm.s32 @p3 $0x1;
	p3 =	sgt.u32 s1, $0xC  }
0x77: {  	(xrf0) =	vadd.scan.msk.s32 $0xffff, v2;
	[smem:$0x7F8] =	sst s12;
	s12 =	simm.s32 @!p3 $0x0  }
0x78: {  	v0 =	vadd.s32 v0, v1;
	v1 =	vpsel !p3, $0x0, v13;
	s12 =	simm.s32 @p3 $0x1;
	p3 =	sgt.u32 s1, $0xD  }
0x79: {  	v0 =	vadd.s32 v0, v1;
	[smem:$0x7F9] =	sst s12;
	s12 =	simm.s32 @!p3 $0x0;
	v1 =	vpsel !p3, $0x0, v6  }
0x7a: {  	s12 =	simm.s32 @p3 $0x1;
	p3 =	seq.s32 s1, $0xF;
	v0 =	vadd.s32 v0, v1;
	v1 =	vsub.s32 s11, v2  }
0x7b: {  	v3 =	vpsel !p3, $0x0, v3  }
0x7c: {  	[smem:$0x7FA] =	sst s12;
	s12 =	simm.s32 @!p3 $0x0;
	v0 =	vadd.s32 v0, v3  }
0x7d: {  	s12 =	simm.s32 @p3 $0x1;
	v0 =	vadd.s32 v0, v1;
	v1, _, _ =	vpop (xrf0)  }
0x7e: {  	s15 =	simm.s32 $0xCF80;
	[smem:$0x7FB] =	sst s12;
	s12 =	simm.s32 $0x10;
	v0 =	vadd.s32 v1, v0  }
0x7f: {  	(v2sf) =	vpush v1, $0xF;
	s31 =	sand.u32 $0x3F0, s12;
	[tilespmem:s15+$0x0] =	vst v0  }
0x80: {  	v3 =	vld [tilespmem:s31+$0xD380]  }
0x81: {  	v6 =	vld [tilespmem:s31+$0xD780]  }
0x82: {  	v9 =	vld [tilespmem:s31+$0xDB80]  }
0x83: {  	v10 =	vld [tilespmem:s31+$0xDF80]  }
0x84: {  	v12 =	vld [tilespmem:s31+$0xE380]  }
0x85: {  	v8 =	vld [tilespmem:s31+$0xE780]  }
0x86: {  	v7 =	vld [tilespmem:s31+$0xEB80];
	v0 =	vadd.s32 v3, v6  }
0x87: {  	v5 =	vld [tilespmem:s31+$0xEF80];
	v0 =	vadd.s32 v0, v9  }
0x88: {  	v4 =	vld [tilespmem:s31+$0xF380];
	v0 =	vadd.s32 v0, v10  }
0x89: {  	s17 =	sld [smem:$0x7FC];
	v2 =	vld [tilespmem:s31+$0xF780];
	v0 =	vadd.s32 v0, v12  }
0x8a: {  	s18 =	sld [smem:$0x7FD];
	s16 =	sadd.s32 $0xD380, s31;
	v1 =	vld [tilespmem:s31+$0xFB80];
	v0 =	vadd.s32 v0, v8  }
0x8b: {  	v13 =	vpsel p2, $0x0, v3;
	v6 =	vpsel !p0, $0x0, v6;
	v3 =	vld [tilespmem:s16+$0x3000];
	v11 =	vadd.s32 v0, v7  }
0x8c: {  	p5 =	por p2, p2;
	p6 =	por p1, p1;
	p4 =	seq.s32 s17, $0x1;
	v13 =	vadd.s32 v13, v6;
	v9 =	vpsel !p1, $0x0, v9;
	v6 =	vld [tilespmem:s16+$0x3400];
	v11 =	vadd.s32 v11, v5  }
0x8d: {  	s17 =	simm.s32 $0x30;
	s13 =	simm.s32 $0x20;
	p3 =	seq.s32 s18, $0x1;
	v13 =	vadd.s32 v13, v9;
	v9 =	vld [tilespmem:s16+$0x3800];
	v11 =	vadd.s32 v11, v4  }
0x8e: {  	p2 =	por p0, p0;
	p0 =	por p4, p4;
	v10 =	vpsel !p4, $0x0, v10;
	v0 =	vld [tilespmem:s31+$0xFF80];
	s14 =	spop (v2sf);
	v14 =	vadd.s32 v11, v2  }
0x8f: {  	p4 =	por p3, p3;
	v11 =	vadd.s32 v13, v10;
	v13 =	vpsel !p3, $0x0, v12;
	v10 =	vld [tilespmem:s16+$0x3C00];
	s16 =	simm.s32 $0x20;
	s14 =	sadd.s32 $0x0, s14;
	v12 =	vadd.s32 v14, v1  }
.LBB2_7:
0x90: {  	s18 =	sld [smem:$0x7F2]  }
0x91: {  	s20 =	sld [smem:$0x7F3]  }
0x92: {  	s21 =	sld [smem:$0x7F4]  }
0x93: {  	s22 =	sld [smem:$0x7F5];
	p3 =	seq.s32 s18, $0x1  }
0x94: {  	s23 =	sld [smem:$0x7F6];
	v8 =	vpsel !p3, $0x0, v8;
	p3 =	seq.s32 s20, $0x1  }
0x95: {  	v11 =	vadd.s32 v11, v13;
	s24 =	sld [smem:$0x7F7];
	v12 =	vadd.s32 v12, v0;
	v7 =	vpsel !p3, $0x0, v7;
	p3 =	seq.s32 s21, $0x1  }
0x96: {  	s25 =	sld [smem:$0x7FB];
	v8 =	vadd.s32 v11, v8;
	v11 =	vadd.s32 v12, v3;
	v5 =	vpsel !p3, $0x0, v5;
	p3 =	seq.s32 s22, $0x1  }
0x97: {  	s26 =	sld [smem:$0x7F8];
	v7 =	vadd.s32 v8, v7;
	v8 =	vadd.s32 v11, v6;
	v4 =	vpsel !p3, $0x0, v4;
	p3 =	seq.s32 s23, $0x1  }
0x98: {  	s28 =	sld [smem:$0x7F9];
	v5 =	vadd.s32 v7, v5;
	v7 =	vadd.s32 v8, v9;
	v2 =	vpsel !p3, $0x0, v2;
	p3 =	seq.s32 s24, $0x1  }
0x99: {  	s29 =	sld [smem:$0x7FA];
	v4 =	vadd.s32 v5, v4;
	v5 =	vadd.s32 v7, v10;
	v1 =	vpsel !p3, $0x0, v1;
	p3 =	seq.s32 s25, $0x1  }
0x9a: {  	v2 =	vadd.s32 v4, v2;
	(xrf0) =	vadd.scan.msk.s32 $0xffff, v5;
	v4 =	vpsel !p3, $0x0, v9;
	p3 =	seq.s32 s26, $0x1  }
0x9b: {  	v1 =	vadd.s32 v2, v1;
	v0 =	vpsel !p3, $0x0, v0;
	p3 =	seq.s32 s28, $0x1  }
0x9c: {  	v0 =	vadd.s32 v1, v0;
	v1 =	vpsel !p3, $0x0, v3;
	p3 =	seq.s32 s29, $0x1  }
0x9d: {  	v0 =	vadd.s32 v0, v1;
	v1 =	vpsel !p3, $0x0, v6  }
0x9e: {  	v0 =	vadd.s32 v0, v1  }
0x9f: {  	v2 =	vsub.s32 s14, v5;
	v0 =	vadd.s32 v0, v4  }
0xa0: {  	v0 =	vadd.s32 v0, v2;
	v1, _, _ =	vpop (xrf0)  }
0xa1: {  	s15 =	sadd.s32 $0x10, s15;
	v0 =	vadd.s32 v1, v0  }
0xa2: {  	s30 =	sand.u32 $0x3F0, s16;
	(v2sf) =	vpush v1, $0xF;
	[tilespmem:s15+$0x0] =	vst v0  }
0xa3: {  	v3 =	vld [tilespmem:s30+$0xD380]  }
0xa4: {  	v6 =	vld [tilespmem:s30+$0xD780]  }
0xa5: {  	v9 =	vld [tilespmem:s30+$0xDB80]  }
0xa6: {  	v10 =	vld [tilespmem:s30+$0xDF80]  }
0xa7: {  	v12 =	vld [tilespmem:s30+$0xE380]  }
0xa8: {  	v8 =	vld [tilespmem:s30+$0xE780]  }
0xa9: {  	v7 =	vld [tilespmem:s30+$0xEB80];
	v0 =	vadd.s32 v3, v6  }
0xaa: {  	v5 =	vld [tilespmem:s30+$0xEF80];
	v0 =	vadd.s32 v0, v9  }
0xab: {  	v4 =	vld [tilespmem:s30+$0xF380];
	v0 =	vadd.s32 v0, v10  }
0xac: {  	v2 =	vld [tilespmem:s30+$0xF780];
	v0 =	vadd.s32 v0, v12  }
0xad: {  	p1 =	sne.s32 s17, $0x3F0;
	s19 =	sadd.s32 $0xD380, s30;
	v1 =	vld [tilespmem:s30+$0xFB80];
	v0 =	vadd.s32 v0, v8  }
.Ltmp3:
0xae: {  	v13 =	vpsel p5, $0x0, v3;
	v6 =	vpsel !p2, $0x0, v6;
	v3 =	vld [tilespmem:s19+$0x3000];
	v11 =	vadd.s32 v0, v7;
	(pc) =	sbr.rel @p1 .LBB2_7-.Ltmp3, $4  }
0xaf: {  	v13 =	vadd.s32 v13, v6;
	v9 =	vpsel !p6, $0x0, v9;
	v6 =	vld [tilespmem:s19+$0x3400];
	v11 =	vadd.s32 v11, v5  }
0xb0: {  	v13 =	vadd.s32 v13, v9;
	v9 =	vld [tilespmem:s19+$0x3800];
	v11 =	vadd.s32 v11, v4  }
0xb1: {  	v10 =	vpsel !p0, $0x0, v10;
	v0 =	vld [tilespmem:s30+$0xFF80];
	s31 =	spop (v2sf);
	v14 =	vadd.s32 v11, v2  }
0xb2: {  	s16 =	smov.u32 s17;
	s17 =	sadd.s32 $0x10, s17;
	v11 =	vadd.s32 v13, v10;
	v13 =	vpsel !p4, $0x0, v12;
	v10 =	vld [tilespmem:s19+$0x3C00];
	s14 =	sadd.s32 s14, s31;
	v12 =	vadd.s32 v14, v1  }
0xb3: {  	s17 =	sld [smem:$0x7F2]  }
0xb4: {  	s19 =	sld [smem:$0x7F3]  }
0xb5: {  	s20 =	sld [smem:$0x7F4]  }
0xb6: {  	s21 =	sld [smem:$0x7F5];
	p3 =	seq.s32 s17, $0x1  }
0xb7: {  	v11 =	vadd.s32 v11, v13;
	s22 =	sld [smem:$0x7F6];
	p1 =	seq.s32 s19, $0x1;
	v8 =	vpsel !p3, $0x0, v8  }
0xb8: {  	s23 =	sld [smem:$0x7F7];
	v12 =	vadd.s32 v12, v0;
	v7 =	vpsel !p1, $0x0, v7;
	p1 =	seq.s32 s20, $0x1;
	v8 =	vadd.s32 v11, v8  }
0xb9: {  	s24 =	sld [smem:$0x7F8];
	v47 =	vadd.s32 v12, v3;
	v5 =	vpsel !p1, $0x0, v5;
	p1 =	seq.s32 s21, $0x1;
	v7 =	vadd.s32 v8, v7  }
0xba: {  	s25 =	sld [smem:$0x7F9];
	v48 =	vadd.s32 v47, v6;
	v4 =	vpsel !p1, $0x0, v4;
	p1 =	seq.s32 s22, $0x1;
	v5 =	vadd.s32 v7, v5  }
0xbb: {  	s26 =	sld [smem:$0x7FA];
	v49 =	vadd.s32 v48, v9;
	v2 =	vpsel !p1, $0x0, v2;
	p1 =	seq.s32 s23, $0x1;
	v4 =	vadd.s32 v5, v4  }
0xbc: {  	v50 =	vadd.s32 v49, v10;
	v1 =	vpsel !p1, $0x0, v1;
	p1 =	seq.s32 s24, $0x1;
	v2 =	vadd.s32 v4, v2  }
0xbd: {  	s28 =	sld [smem:$0x7FB];
	(xrf0) =	vadd.scan.msk.s32 $0xffff, v50;
	v0 =	vpsel !p1, $0x0, v0;
	p1 =	seq.s32 s25, $0x1;
	v1 =	vadd.s32 v2, v1  }
0xbe: {  	v0 =	vadd.s32 v1, v0;
	v1 =	vpsel !p1, $0x0, v3;
	p1 =	seq.s32 s26, $0x1  }
0xbf: {  	v0 =	vadd.s32 v0, v1;
	v1 =	vpsel !p1, $0x0, v6  }
0xc0: {  	p1 =	seq.s32 s28, $0x1;
	v0 =	vadd.s32 v0, v1;
	v1 =	vsub.s32 s14, v50  }
0xc1: {  	v2 =	vpsel !p1, $0x0, v9  }
0xc2: {  	v0 =	vadd.s32 v0, v2  }
0xc3: {  	v0 =	vadd.s32 v0, v1;
	v1, _, _ =	vpop (xrf0)  }
0xc4: {  	s15 =	sadd.s32 $0x10, s15;
	v0 =	vadd.s32 v1, v0  }
0xc5: {  	s16 =	sand.u32 $0x3F0, s16;
	[tilespmem:s15+$0x0] =	vst v0  }
0xc6: {  	v0 =	vld [tilespmem:s16+$0xD380]  }
0xc7: {  	v2 =	vld [tilespmem:s16+$0xD780]  }
0xc8: {  	v3 =	vld [tilespmem:s16+$0xDB80]  }
0xc9: {  	v51 =	vld [tilespmem:s16+$0xDF80]  }
0xca: {  	v52 =	vld [tilespmem:s16+$0xE380]  }
0xcb: {  	v53 =	vld [tilespmem:s16+$0xE780]  }
0xcc: {  	v55 =	vld [tilespmem:s16+$0xEB80];
	v54 =	vadd.s32 v0, v2  }
0xcd: {  	(v2sf) =	vpush v1, $0xF;
	v56 =	vld [tilespmem:s16+$0xEF80];
	v7 =	vadd.s32 v54, v3  }
0xce: {  	v57 =	vld [tilespmem:s16+$0xF380];
	v7 =	vadd.s32 v7, v51  }
0xcf: {  	v58 =	vld [tilespmem:s16+$0xF780];
	v1 =	vadd.s32 v7, v52  }
0xd0: {  	v59 =	vld [tilespmem:s16+$0xFB80];
	v1 =	vadd.s32 v1, v53  }
0xd1: {  	s29 =	sadd.s32 $0xD380, s16;
	v60 =	vld [tilespmem:s16+$0xFF80];
	v1 =	vadd.s32 v1, v55  }
0xd2: {  	s30 =	sld [smem:$0x7F3];
	v61 =	vld [tilespmem:s29+$0x3000];
	v0 =	vpsel p5, $0x0, v0;
	v2 =	vpsel !p2, $0x0, v2;
	v1 =	vadd.s32 v1, v56  }
0xd3: {  	s31 =	sld [smem:$0x7F4];
	s16 =	simm.s32 @!p5 $0x0;
	v0 =	vadd.s32 v0, v2;
	v2 =	vpsel !p6, $0x0, v3;
	v3 =	vld [tilespmem:s29+$0x3400];
	v1 =	vadd.s32 v1, v57  }
0xd4: {  	s17 =	sld [smem:$0x7F5];
	v62 =	vld [tilespmem:s29+$0x3800];
	s16 =	simm.s32 @p5 $0x1;
	v0 =	vadd.s32 v0, v2;
	v2 =	vpsel !p0, $0x0, v51;
	v1 =	vadd.s32 v1, v58  }
0xd5: {  	v63 =	vld [tilespmem:s29+$0x3C00];
	[smem:$0x7F0] =	sst s16;
	s16 =	simm.s32 @!p2 $0x0;
	v0 =	vadd.s32 v0, v2;
	v2 =	vpsel !p4, $0x0, v52;
	v1 =	vadd.s32 v1, v59  }
0xd6: {  	s18 =	sld [smem:$0x7F6];
	s16 =	simm.s32 @p2 $0x1;
	p2 =	seq.s32 s30, $0x1;
	v0 =	vadd.s32 v0, v2;
	v2 =	vpsel !p3, $0x0, v53;
	v1 =	vadd.s32 v1, v60  }
0xd7: {  	s19 =	sld [smem:$0x7F7];
	p3 =	seq.s32 s31, $0x1;
	v0 =	vadd.s32 v0, v2;
	v2 =	vpsel !p2, $0x0, v55;
	v1 =	vadd.s32 v1, v61  }
0xd8: {  	s20 =	sld [smem:$0x7F8];
	p4 =	seq.s32 s17, $0x1;
	v0 =	vadd.s32 v0, v2;
	v2 =	vpsel !p3, $0x0, v56;
	v1 =	vadd.s32 v1, v3  }
0xd9: {  	s21 =	sld [smem:$0x7F9];
	p5 =	seq.s32 s18, $0x1;
	v0 =	vadd.s32 v0, v2;
	v2 =	vpsel !p4, $0x0, v57;
	v1 =	vadd.s32 v1, v62  }
0xda: {  	s23 =	sld [smem:$0x7FA];
	p0 =	seq.s32 s19, $0x1;
	v0 =	vadd.s32 v0, v2;
	v2 =	vpsel !p5, $0x0, v58;
	v1 =	vadd.s32 v1, v63  }
0xdb: {  	s25 =	sld [smem:$0x7FB];
	p2 =	seq.s32 s20, $0x1;
	v0 =	vadd.s32 v0, v2;
	v2 =	vpsel !p0, $0x0, v59;
	(xrf0) =	vadd.scan.msk.s32 $0xffff, v1  }
0xdc: {  	p3 =	seq.s32 s21, $0x1;
	s22 =	spop (v2sf);
	v0 =	vadd.s32 v0, v2;
	v2 =	vpsel !p2, $0x0, v60  }
0xdd: {  	p4 =	seq.s32 s23, $0x1;
	s24 =	sadd.s32 s14, s22;
	v0 =	vadd.s32 v0, v2;
	v2 =	vpsel !p3, $0x0, v61  }
0xde: {  	p5 =	seq.s32 s25, $0x1;
	v0 =	vadd.s32 v0, v2;
	v2 =	vpsel !p4, $0x0, v3;
	v1 =	vsub.s32 s24, v1  }
0xdf: {  	v3 =	vpsel !p5, $0x0, v62;
	v0 =	vadd.s32 v0, v2  }
0xe0: {  	v0 =	vadd.s32 v0, v3  }
0xe1: {  	v0 =	vadd.s32 v0, v1;
	v1, _, _ =	vpop (xrf0)  }
0xe2: {  	s26 =	sadd.s32 $0x10, s15;
	v0 =	vadd.s32 v1, v0  }
0xe3: {  	s28 =	simm.s32 $0x0;
	[tilespmem:s26+$0x0] =	vst v0  }
0xe4: {  	v0 =	vld [tilespmem:s28+$0x0];
	_ =	sdelay $0x4  }
0xe5: {  	v0 =	vand.u32 $0x3FF, v0  }
0xe6: {  	(xrf1) =	vunique.msk.u32 $0xffff, v0;
	_ =	sdelay $0x4  }
0xe7: {  	(v2sf) =	vpush v1, $0xF;
	_ =	sdelay $0x7  }
0xe8: {  	s14 =	simm.s32 $0xCF80  }
0xe9: {  	v1 =	vld.idx.msk [tilespmem:v0+s14+$0x0], $0xffff;
	_, v2, vm0 =	vpop (xrf1);
	_ =	sdelay $0x3  }
0xea: {  	s29 =	sand.u32 $0x7E00, s11  }
0xeb: {  	[smem:$0x7F1] =	sst s16;
	s30 =	sand.u32 $0x70, s11;
	s15 =	sshrl.u32 s29, $0x2;
	v1 =	vadd.s32 v1, v2  }
0xec: {  	s11 =	simm.s32 $0x40;
	s15 =	sor.u32 s30, s15;
	s31 =	spop (v2sf);
	[tilespmem:v0+s14+$0x0] =	vst.idx.msk vm0, v1;
	v0 =	vadd.s32 $0xFFFFFFFF, v1  }
.LBB2_9:
0xed: {  	p1 =	sne.s32 s13, $0x18F0  }
0xee: {  	s16 =	sshra.s32 s11, $0x2;
	[tilespmem:s15+$0x11380] =	vst v0;
	s15 =	smov.u32 s13;
	s13 =	sadd.s32 $0x10, s13  }
0xef: {  	v0 =	vld [tilespmem:s16+$0x0];
	_ =	sdelay $0x4  }
0xf0: {  	v0 =	vand.u32 $0x3FF, v0  }
0xf1: {  	(xrf1) =	vunique.msk.u32 $0xffff, v0;
	_ =	sdelay $0xc  }
0xf2: {  	v1 =	vld.idx.msk [tilespmem:v0+s14+$0x0], $0xffff  }
0xf3: {  	_, v2, vm0 =	vpop (xrf1);
	_ =	sdelay $0x1  }
.Ltmp4:
0xf4: {  	(pc) =	sbr.rel @p1 .LBB2_9-.Ltmp4, $4  }
0xf5: {  	_ = 	snop  }
0xf6: {  	s16 =	sand.u32 $0x7E00, s11  }
0xf7: {  	s17 =	sand.u32 $0x70, s12;
	s12 =	smov.u32 s15;
	s16 =	sshrl.u32 s16, $0x2;
	v1 =	vadd.s32 v1, v2  }
0xf8: {  	s11 =	sadd.s32 $0x40, s11;
	s15 =	sor.u32 s17, s16;
	[tilespmem:v0+s14+$0x0] =	vst.idx.msk vm0, v1;
	v0 =	vadd.s32 $0xFFFFFFFF, v1  }
0xf9: {  	s13 =	sshra.s32 s11, $0x2;
	[tilespmem:s15+$0x11380] =	vst v0  }
0xfa: {  	v0 =	vld [tilespmem:s13+$0x0];
	_ =	sdelay $0x4  }
0xfb: {  	v0 =	vand.u32 $0x3FF, v0  }
0xfc: {  	(xrf1) =	vunique.msk.u32 $0xffff, v0;
	_ =	sdelay $0xd  }
0xfd: {  	v1 =	vld.idx.msk [tilespmem:v0+s14+$0x0], $0xffff;
	_, v2, vm0 =	vpop (xrf1);
	_ =	sdelay $0x3  }
0xfe: {  	s16 =	sand.u32 $0x7E00, s11  }
0xff: {  	s12 =	sand.u32 $0x70, s12;
	s11 =	sshrl.u32 s16, $0x2;
	v1 =	vadd.s32 v1, v2  }
0x100: {  	s11 =	sor.u32 s12, s11;
	v63 =	vadd.s32 $0xFFFFFFFF, v1;
	[tilespmem:v0+s14+$0x0] =	vst.idx.msk vm0, v1  }
0x101: {  	s17 =	simm.s32 $0x11380;
	s18 =	simm.s32 $0x0;
	[tilespmem:s11+$0x11380] =	vst v63;
	s11 =	simm.s32 $0x80  }
0x102: {  	[spmem:s5] =	stream.indirect.scatter [tilespmem:s18], [sflag:$0x1], $0x1, s17, s11, $0xb8;
	[tilespmem:$0x19780] =	vst v63  }
0x103: {  	s19 =	simm.s32 $0x1900  }
0x104: {  	[spmem:s4] =	stream.indirect.scatter [tilespmem:s19], [sflag:$0x1], $0x1, s17, s11, $0xb8;
	[tilespmem:$0x19780] =	vst v63  }
0x105: {  	s20 =	simm.s32 $0x11400  }
0x106: {  	[spmem:s5] =	stream.indirect.scatter [tilespmem:s11], [sflag:$0x1], $0x1, s20, s11, $0xb8;
	[tilespmem:$0x19780] =	vst v63  }
0x107: {  	s21 =	simm.s32 $0x1980  }
0x108: {  	[spmem:s4] =	stream.indirect.scatter [tilespmem:s21], [sflag:$0x1], $0x1, s20, s11, $0xb8;
	[tilespmem:$0x19780] =	vst v63  }
0x109: {  	s22 =	simm.s32 $0x11480;
	s23 =	simm.s32 $0x100  }
0x10a: {  	[spmem:s5] =	stream.indirect.scatter [tilespmem:s23], [sflag:$0x1], $0x1, s22, s11, $0xb8;
	[tilespmem:$0x19780] =	vst v63  }
0x10b: {  	s24 =	simm.s32 $0x1A00  }
0x10c: {  	[spmem:s4] =	stream.indirect.scatter [tilespmem:s24], [sflag:$0x1], $0x1, s22, s11, $0xb8;
	[tilespmem:$0x19780] =	vst v63  }
0x10d: {  	s25 =	simm.s32 $0x11500;
	s26 =	simm.s32 $0x180  }
0x10e: {  	[spmem:s5] =	stream.indirect.scatter [tilespmem:s26], [sflag:$0x1], $0x1, s25, s11, $0xb8;
	[tilespmem:$0x19780] =	vst v63  }
0x10f: {  	s28 =	simm.s32 $0x1A80  }
0x110: {  	[spmem:s4] =	stream.indirect.scatter [tilespmem:s28], [sflag:$0x1], $0x1, s25, s11, $0xb8;
	[tilespmem:$0x19780] =	vst v63  }
0x111: {  	s29 =	simm.s32 $0x200;
	s30 =	simm.s32 $0x11580  }
0x112: {  	[spmem:s5] =	stream.indirect.scatter [tilespmem:s29], [sflag:$0x1], $0x1, s30, s11, $0xb8;
	[tilespmem:$0x19780] =	vst v63  }
0x113: {  	s31 =	simm.s32 $0x1B00;
	s12 =	simm.s32 $0x1  }
0x114: {  	[spmem:s4] =	stream.indirect.scatter [tilespmem:s31], [sflag:$0x1], $0x1, s30, s11, $0xb8;
	[tilespmem:$0x19780] =	vst v63  }
0x115: {  	_ =	swait.ge [sflag:s12], $0x80  }
0x116: {  	[sflag:s12] =	ssyncset.done $0x0  }
0x117: {  	[sflag:s12] =	ssyncadd.s32 $0xFFFFFF80  }
0x118: {  	_ =	swait.ge [sflag:s12], $0x80  }
0x119: {  	s13 =	simm.s32 $0x280;
	s14 =	simm.s32 $0xC00;
	[sflag:s12] =	ssyncset.done $0x0  }
.LBB2_11:
0x11a: {  	s15 =	sadd.s32 $0x11380, s13  }
0x11b: {  	[sflag:s12] =	ssyncadd.s32 $0xFFFFFF80;
	s16 =	smov.u32 s14;
	s17 =	sadd.s32 $0x200, s14  }
0x11c: {  	[spmem:s5] =	stream.indirect.scatter [tilespmem:s13], [sflag:$0x1], $0x1, s15, s11, $0xb8;
	[tilespmem:$0x19780] =	vst v63  }
0x11d: {  	p1 =	sne.s32 s14, $0x6200;
	s13 =	sadd.s32 $0x1900, s13  }
0x11e: {  	[spmem:s4] =	stream.indirect.scatter [tilespmem:s13], [sflag:$0x1], $0x1, s15, s11, $0xb8;
	[tilespmem:$0x19780] =	vst v63  }
.Ltmp5:
0x11f: {  	_ =	swait.ge [sflag:s12], $0x80;
	(pc) =	sbr.rel @p1 .LBB2_11-.Ltmp5, $4  }
0x120: {  	[sflag:s12] =	ssyncset.done $0x0  }
0x121: {  	[sflag:s12] =	ssyncadd.s32 $0xFFFFFF80  }
0x122: {  	_ =	swait.ge [sflag:s12], $0x80  }
0x123: {  	s14 =	smov.u32 s17;
	s13 =	sshra.s32 s16, $0x2;
	[sflag:s12] =	ssyncset.done $0x0  }
0x124: {  	s14 =	sadd.s32 $0x11380, s13;
	[sflag:s12] =	ssyncadd.s32 $0xFFFFFF80  }
0x125: {  	[spmem:s5] =	stream.indirect.scatter [tilespmem:s13], [sflag:$0x1], $0x1, s14, s11, $0xb8;
	[tilespmem:$0x19780] =	vst v63  }
0x126: {  	s25 =	sadd.s32 $0x1900, s13  }
0x127: {  	[spmem:s4] =	stream.indirect.scatter [tilespmem:s25], [sflag:$0x1], $0x1, s14, s11, $0xb8;
	[tilespmem:$0x19780] =	vst v63  }
0x128: {  	_ =	swait.ge [sflag:s12], $0x80  }
0x129: {  	[sflag:s12] =	ssyncset.done $0x0  }
0x12a: {  	[sflag:s12] =	ssyncadd.s32 $0xFFFFFF80  }
0x12b: {  	_ =	swait.ge [sflag:s12], $0x80  }
0x12c: {  	[sflag:s12] =	ssyncset.done $0x0  }
0x12d: {  	s26 =	simm.s32 $0x1;
	[sflag:s12] =	ssyncadd.s32 $0xFFFFFF80  }
0x12e: {  	_ =	swait.ge [sflag:s26], $0x80  }
0x12f: {  	[sflag:s26] =	ssyncset.done $0x0  }
0x130: {  	[sflag:s26] =	ssyncadd.s32 $0xFFFFFF80  }
0x131: {  	_ =	swait.ge [sflag:s26], $0x80  }
0x132: {  	[sflag:s26] =	ssyncset.done $0x0  }
0x133: {  	[sflag:s26] =	ssyncadd.s32 $0xFFFFFF80  }
0x134: {  	_ =	swait.ge [sflag:s26], $0x80  }
0x135: {  	[sflag:s26] =	ssyncset.done $0x0  }
0x136: {  	[sflag:s26] =	ssyncadd.s32 $0xFFFFFF80  }
0x137: {  	_ =	swait.ge [sflag:s26], $0x80  }
0x138: {  	[sflag:s26] =	ssyncset.done $0x0  }
0x139: {  	[sflag:s26] =	ssyncadd.s32 $0xFFFFFF80  }
0x13a: {  	_ =	swait.ge [sflag:s26], $0x80  }
0x13b: {  	[sflag:s26] =	ssyncset.done $0x0  }
0x13c: {  	[sflag:s26] =	ssyncadd.s32 $0xFFFFFF80  }
0x13d: {  	_ =	swait.ge [sflag:s26], $0x80  }
0x13e: {  	[sflag:s26] =	ssyncset.done $0x0  }
0x13f: {  	[sflag:s26] =	ssyncadd.s32 $0xFFFFFF80  }
0x140: {  	_ =	swait.ge [sflag:s26], $0x80  }
0x141: {  	[sflag:s26] =	ssyncset.done $0x0  }
0x142: {  	[sflag:s26] =	ssyncadd.s32 $0xFFFFFF80  }
0x143: {  	_ =	swait.ge [sflag:s26], $0x80  }
0x144: {  	[sflag:s26] =	ssyncset.done $0x0  }
0x145: {  	s28 =	sadd.s32 s8, s5;
	[sflag:s26] =	ssyncadd.s32 $0xFFFFFF80  }
0x146: {  	s29 =	simm.s32 $0x2;
	s12 =	simm.s32 $0x0;
	[bflag:$0x0] =	sbarrier.arrive $0xFFFF  }
0x147: {  	[tilespmem:s12], [sflag:$0x2] =	stream.linear.gather [spmem:s28], $0x1900, $0x38;
	[tilespmem:$0x19780] =	vst v63  }
0x148: {  	_ =	swait.ge [sflag:s29], $0x1900  }
0x149: {  	[sflag:s29] =	ssyncset.done $0x0  }
0x14a: {  	s30 =	simm.s32 $0x1900;
	s11 =	sadd.s32 s8, s4;
	[sflag:s29] =	ssyncadd.s32 $0xFFFFE700  }
0x14b: {  	[tilespmem:s30], [sflag:$0x2] =	stream.linear.gather [spmem:s11], $0x1900, $0x38;
	[tilespmem:$0x19780] =	vst v63  }
0x14c: {  	_ =	swait.ge [sflag:s29], $0x1900  }
0x14d: {  	s31 =	sld [smem:$0x7F0];
	_ =	sdelay $0x1  }
0x14e: {  	[sflag:s29] =	ssyncset.done $0x0  }
0x14f: {  	v0 =	vimm.s32 $0x0;
	[sflag:s29] =	ssyncadd.s32 $0xFFFFE700;
	p4 =	seq.s32 s31, $0x1  }
.LBB2_13:
0x150: {  	p1 =	sne.s32 s12, $0xFC0  }
.Ltmp6:
0x151: {  	_ = 	snop;
	(pc) =	sbr.rel @p1 .LBB2_13-.Ltmp6, $3  }
0x152: {  	_ =	sdelay $0x1  }
0x153: {  	s13 =	sshra.s32 s12, $0x2  }
0x154: {  	s12 =	sadd.s32 $0x40, s12;
	[tilespmem:s13+$0xCB80] =	vst v0  }
0x155: {  	s12 =	simm.s32 @!p6 $0x0  }
0x156: {  	s14 =	simm.s32 $0x0;
	s12 =	simm.s32 @p6 $0x1  }
0x157: {  	s13 =	simm.s32 $0x40;
	[smem:$0x7EF] =	sst s12;
	s12 =	simm.s32 $0xCB80  }
.LBB2_15:
0x158: {  	p1 =	sne.s32 s13, $0x63C0;
	v0 =	vld [tilespmem:s14+$0x0];
	_ =	sdelay $0x4  }
0x159: {  	v0 =	vshrl.u32 v0, $0xA  }
0x15a: {  	v0 =	vand.u32 $0x3FF, v0  }
0x15b: {  	(xrf1) =	vunique.msk.u32 $0xffff, v0;
	_ =	sdelay $0xc  }
0x15c: {  	v1 =	vld.idx.msk [tilespmem:v0+s12+$0x0], $0xffff  }
0x15d: {  	_, v2, vm0 =	vpop (xrf1);
	_ =	sdelay $0x1  }
.Ltmp7:
0x15e: {  	(pc) =	sbr.rel @p1 .LBB2_15-.Ltmp7, $3  }
0x15f: {  	_ =	sdelay $0x1  }
0x160: {  	v1 =	vadd.s32 v1, v2  }
0x161: {  	s14 =	sshra.s32 s13, $0x2;
	s13 =	sadd.s32 $0x40, s13;
	[tilespmem:v0+s12+$0x0] =	vst.idx.msk vm0, v1  }
0x162: {  	v0 =	vld [tilespmem:s14+$0x0];
	_ =	sdelay $0x4  }
0x163: {  	v0 =	vshrl.u32 v0, $0xA  }
0x164: {  	v0 =	vand.u32 $0x3FF, v0  }
0x165: {  	(xrf1) =	vunique.msk.u32 $0xffff, v0;
	_ =	sdelay $0xd  }
0x166: {  	v1 =	vld.idx.msk [tilespmem:v0+s12+$0x0], $0xffff;
	_, v2, vm0 =	vpop (xrf1);
	_ =	sdelay $0x4  }
0x167: {  	v1 =	vadd.s32 v1, v2  }
0x168: {  	s30 =	simm.s32 $0xCB80;
	s13 =	simm.s32 $0x2;
	[tilespmem:v0+s12+$0x0] =	vst.idx.msk vm0, v1  }
0x169: {  	[spmem:s10] =	stream.linear.scatter [tilespmem:s30], [sflag:$0x2], $0x400, $0x38;
	[tilespmem:$0x19780] =	vst v63  }
0x16a: {  	_ =	swait.ge [sflag:s13], $0x400  }
0x16b: {  	[sflag:s13] =	ssyncset.done $0x0  }
0x16c: {  	[sflag:s13] =	ssyncadd.s32 $0xFFFFFC00  }
0x16d: {  	s31 =	simm.s32 $0xD380;
	[bflag:$0x0] =	sbarrier.arrive $0xFFFF  }
0x16e: {  	[tilespmem:s31], [sflag:$0x2] =	stream.linear.gather [spmem:s6], $0x4000, $0x38;
	[tilespmem:$0x19780] =	vst v63  }
0x16f: {  	_ =	swait.ge [sflag:s13], $0x4000  }
0x170: {  	s12 =	simm.s32 $0x0;
	[sflag:s13] =	ssyncset.done $0x0  }
0x171: {  	s14 =	sand.u32 $0x3F0, s12;
	[sflag:s13] =	ssyncadd.s32 $0xFFFFC000  }
0x172: {  	v0 =	vld [tilespmem:s14+$0xD380]  }
0x173: {  	v1 =	vld [tilespmem:s14+$0xD780]  }
0x174: {  	v2 =	vld [tilespmem:s14+$0xDB80]  }
0x175: {  	v3 =	vld [tilespmem:s14+$0xDF80]  }
0x176: {  	v4 =	vld [tilespmem:s14+$0xE380]  }
0x177: {  	v5 =	vld [tilespmem:s14+$0xE780]  }
0x178: {  	v7 =	vld [tilespmem:s14+$0xEB80];
	v6 =	vadd.s32 v0, v1  }
0x179: {  	s16 =	sld [smem:$0x7F1];
	v8 =	vld [tilespmem:s14+$0xEF80];
	v6 =	vadd.s32 v6, v2  }
0x17a: {  	s17 =	sld [smem:$0x7EF];
	v9 =	vld [tilespmem:s14+$0xF380];
	v6 =	vadd.s32 v6, v3  }
0x17b: {  	s18 =	sld [smem:$0x7FC];
	v10 =	vld [tilespmem:s14+$0xF780];
	v6 =	vadd.s32 v6, v4  }
0x17c: {  	s19 =	sld [smem:$0x7FD];
	v11 =	vld [tilespmem:s14+$0xFB80];
	p5 =	seq.s32 s16, $0x1;
	v6 =	vadd.s32 v6, v5  }
0x17d: {  	s15 =	sadd.s32 $0xD380, s14;
	s20 =	sld [smem:$0x7F2];
	v12 =	vld [tilespmem:s14+$0xFF80];
	p6 =	seq.s32 s17, $0x1;
	v0 =	vpsel p4, $0x0, v0;
	v1 =	vpsel !p5, $0x0, v1;
	v6 =	vadd.s32 v6, v7  }
0x17e: {  	s21 =	sld [smem:$0x7F3];
	v13 =	vld [tilespmem:s15+$0x3000];
	p3 =	seq.s32 s18, $0x1;
	v0 =	vadd.s32 v0, v1;
	v1 =	vpsel !p6, $0x0, v2;
	v6 =	vadd.s32 v6, v8  }
0x17f: {  	s22 =	sld [smem:$0x7F4];
	p0 =	seq.s32 s19, $0x1;
	v0 =	vadd.s32 v0, v1;
	v1 =	vpsel !p3, $0x0, v3;
	v2 =	vadd.s32 v6, v9;
	v6 =	vld [tilespmem:s15+$0x3400]  }
0x180: {  	s23 =	sld [smem:$0x7F5];
	p2 =	seq.s32 s20, $0x1;
	v3 =	vld [tilespmem:s15+$0x3800];
	v0 =	vadd.s32 v0, v1;
	v1 =	vpsel !p0, $0x0, v4;
	v2 =	vadd.s32 v2, v10  }
0x181: {  	s24 =	sld [smem:$0x7F6];
	p1 =	seq.s32 s21, $0x1;
	v4 =	vld [tilespmem:s15+$0x3C00];
	v0 =	vadd.s32 v0, v1;
	v1 =	vpsel !p2, $0x0, v5;
	v2 =	vadd.s32 v2, v11  }
0x182: {  	s25 =	sld [smem:$0x7F7];
	p2 =	seq.s32 s22, $0x1;
	v0 =	vadd.s32 v0, v1;
	v1 =	vpsel !p1, $0x0, v7;
	v2 =	vadd.s32 v2, v12  }
0x183: {  	s26 =	sld [smem:$0x7F8];
	p1 =	seq.s32 s23, $0x1;
	v0 =	vadd.s32 v0, v1;
	v1 =	vpsel !p2, $0x0, v8;
	v2 =	vadd.s32 v2, v13  }
0x184: {  	s28 =	sld [smem:$0x7F9];
	p2 =	seq.s32 s24, $0x1;
	v0 =	vadd.s32 v0, v1;
	v1 =	vpsel !p1, $0x0, v9;
	v2 =	vadd.s32 v2, v6  }
0x185: {  	s29 =	sld [smem:$0x7FA];
	p1 =	seq.s32 s25, $0x1;
	v0 =	vadd.s32 v0, v1;
	v1 =	vpsel !p2, $0x0, v10;
	v2 =	vadd.s32 v2, v3  }
0x186: {  	p2 =	seq.s32 s26, $0x1;
	v0 =	vadd.s32 v0, v1;
	v1 =	vpsel !p1, $0x0, v11;
	v2 =	vadd.s32 v2, v4  }
0x187: {  	s30 =	sld [smem:$0x7FB];
	p1 =	seq.s32 s28, $0x1;
	v0 =	vadd.s32 v0, v1;
	v1 =	vpsel !p2, $0x0, v12;
	(xrf0) =	vadd.scan.msk.s32 $0xffff, v2  }
0x188: {  	p2 =	seq.s32 s29, $0x1;
	v0 =	vadd.s32 v0, v1;
	v1 =	vpsel !p1, $0x0, v13  }
0x189: {  	v0 =	vadd.s32 v0, v1;
	v1 =	vpsel !p2, $0x0, v6  }
0x18a: {  	p1 =	seq.s32 s30, $0x1;
	v0 =	vadd.s32 v0, v1;
	v1 =	vsub.s32 s12, v2  }
0x18b: {  	v3 =	vpsel !p1, $0x0, v3  }
0x18c: {  	v0 =	vadd.s32 v0, v3  }
0x18d: {  	v0 =	vadd.s32 v0, v1;
	v1, _, _ =	vpop (xrf0)  }
0x18e: {  	s13 =	simm.s32 $0x10;
	s16 =	simm.s32 $0xCF80;
	v0 =	vadd.s32 v1, v0  }
0x18f: {  	s31 =	sand.u32 $0x3F0, s13;
	(v2sf) =	vpush v1, $0xF;
	[tilespmem:s16+$0x0] =	vst v0  }
0x190: {  	v3 =	vld [tilespmem:s31+$0xD380]  }
0x191: {  	v6 =	vld [tilespmem:s31+$0xD780]  }
0x192: {  	v9 =	vld [tilespmem:s31+$0xDB80]  }
0x193: {  	v10 =	vld [tilespmem:s31+$0xDF80]  }
0x194: {  	v12 =	vld [tilespmem:s31+$0xE380]  }
0x195: {  	v8 =	vld [tilespmem:s31+$0xE780]  }
0x196: {  	v7 =	vld [tilespmem:s31+$0xEB80];
	v0 =	vadd.s32 v3, v6  }
0x197: {  	v5 =	vld [tilespmem:s31+$0xEF80];
	v0 =	vadd.s32 v0, v9  }
0x198: {  	v4 =	vld [tilespmem:s31+$0xF380];
	v0 =	vadd.s32 v0, v10  }
0x199: {  	v2 =	vld [tilespmem:s31+$0xF780];
	v0 =	vadd.s32 v0, v12  }
0x19a: {  	s17 =	sadd.s32 $0xD380, s31;
	s19 =	sld [smem:$0x7FD];
	v1 =	vld [tilespmem:s31+$0xFB80];
	v0 =	vadd.s32 v0, v8  }
0x19b: {  	v13 =	vpsel p4, $0x0, v3;
	v6 =	vpsel !p5, $0x0, v6;
	v3 =	vld [tilespmem:s17+$0x3000];
	v11 =	vadd.s32 v0, v7  }
0x19c: {  	s14 =	simm.s32 $0x20;
	s18 =	simm.s32 $0x30;
	v13 =	vadd.s32 v13, v6;
	v9 =	vpsel !p6, $0x0, v9;
	v6 =	vld [tilespmem:s17+$0x3400];
	v11 =	vadd.s32 v11, v5  }
0x19d: {  	p2 =	por p4, p4;
	p1 =	seq.s32 s19, $0x1;
	p4 =	por p5, p5;
	v13 =	vadd.s32 v13, v9;
	v9 =	vld [tilespmem:s17+$0x3800];
	v11 =	vadd.s32 v11, v4  }
0x19e: {  	p5 =	por p6, p6;
	p6 =	por p3, p3;
	v10 =	vpsel !p3, $0x0, v10;
	v0 =	vld [tilespmem:s31+$0xFF80];
	s15 =	spop (v2sf);
	v14 =	vadd.s32 v11, v2  }
0x19f: {  	p3 =	por p1, p1;
	v11 =	vadd.s32 v13, v10;
	v13 =	vpsel !p1, $0x0, v12;
	v10 =	vld [tilespmem:s17+$0x3C00];
	s17 =	simm.s32 $0x20;
	s15 =	sadd.s32 $0x0, s15;
	v12 =	vadd.s32 v14, v1  }
.LBB2_17:
0x1a0: {  	s19 =	sld [smem:$0x7F2]  }
0x1a1: {  	s20 =	sld [smem:$0x7F3]  }
0x1a2: {  	s21 =	sld [smem:$0x7F4]  }
0x1a3: {  	s22 =	sld [smem:$0x7F5];
	p0 =	seq.s32 s19, $0x1  }
0x1a4: {  	s23 =	sld [smem:$0x7F6];
	v8 =	vpsel !p0, $0x0, v8;
	p0 =	seq.s32 s20, $0x1  }
0x1a5: {  	v11 =	vadd.s32 v11, v13;
	s24 =	sld [smem:$0x7F7];
	v12 =	vadd.s32 v12, v0;
	v7 =	vpsel !p0, $0x0, v7;
	p0 =	seq.s32 s21, $0x1  }
0x1a6: {  	s25 =	sld [smem:$0x7FB];
	v8 =	vadd.s32 v11, v8;
	v11 =	vadd.s32 v12, v3;
	v5 =	vpsel !p0, $0x0, v5;
	p0 =	seq.s32 s22, $0x1  }
0x1a7: {  	s26 =	sld [smem:$0x7F8];
	v7 =	vadd.s32 v8, v7;
	v8 =	vadd.s32 v11, v6;
	v4 =	vpsel !p0, $0x0, v4;
	p0 =	seq.s32 s23, $0x1  }
0x1a8: {  	s28 =	sld [smem:$0x7F9];
	v5 =	vadd.s32 v7, v5;
	v7 =	vadd.s32 v8, v9;
	v2 =	vpsel !p0, $0x0, v2;
	p0 =	seq.s32 s24, $0x1  }
0x1a9: {  	s29 =	sld [smem:$0x7FA];
	v4 =	vadd.s32 v5, v4;
	v5 =	vadd.s32 v7, v10;
	v1 =	vpsel !p0, $0x0, v1;
	p0 =	seq.s32 s25, $0x1  }
0x1aa: {  	v2 =	vadd.s32 v4, v2;
	(xrf0) =	vadd.scan.msk.s32 $0xffff, v5;
	v4 =	vpsel !p0, $0x0, v9;
	p0 =	seq.s32 s26, $0x1  }
0x1ab: {  	v1 =	vadd.s32 v2, v1;
	v0 =	vpsel !p0, $0x0, v0;
	p0 =	seq.s32 s28, $0x1  }
0x1ac: {  	v0 =	vadd.s32 v1, v0;
	v1 =	vpsel !p0, $0x0, v3;
	p0 =	seq.s32 s29, $0x1  }
0x1ad: {  	v0 =	vadd.s32 v0, v1;
	v1 =	vpsel !p0, $0x0, v6  }
0x1ae: {  	v0 =	vadd.s32 v0, v1  }
0x1af: {  	v2 =	vsub.s32 s15, v5;
	v0 =	vadd.s32 v0, v4  }
0x1b0: {  	v0 =	vadd.s32 v0, v2;
	v1, _, _ =	vpop (xrf0)  }
0x1b1: {  	s16 =	sadd.s32 $0x10, s16;
	v0 =	vadd.s32 v1, v0  }
0x1b2: {  	s30 =	sand.u32 $0x3F0, s17;
	(v2sf) =	vpush v1, $0xF;
	[tilespmem:s16+$0x0] =	vst v0  }
0x1b3: {  	v3 =	vld [tilespmem:s30+$0xD380]  }
0x1b4: {  	v6 =	vld [tilespmem:s30+$0xD780]  }
0x1b5: {  	v9 =	vld [tilespmem:s30+$0xDB80]  }
0x1b6: {  	v10 =	vld [tilespmem:s30+$0xDF80]  }
0x1b7: {  	v12 =	vld [tilespmem:s30+$0xE380]  }
0x1b8: {  	v8 =	vld [tilespmem:s30+$0xE780]  }
0x1b9: {  	v7 =	vld [tilespmem:s30+$0xEB80];
	v0 =	vadd.s32 v3, v6  }
0x1ba: {  	v5 =	vld [tilespmem:s30+$0xEF80];
	v0 =	vadd.s32 v0, v9  }
0x1bb: {  	v4 =	vld [tilespmem:s30+$0xF380];
	v0 =	vadd.s32 v0, v10  }
0x1bc: {  	v2 =	vld [tilespmem:s30+$0xF780];
	v0 =	vadd.s32 v0, v12  }
0x1bd: {  	p1 =	sne.s32 s18, $0x3F0;
	s20 =	sadd.s32 $0xD380, s30;
	v1 =	vld [tilespmem:s30+$0xFB80];
	v0 =	vadd.s32 v0, v8  }
.Ltmp8:
0x1be: {  	v13 =	vpsel p2, $0x0, v3;
	v6 =	vpsel !p4, $0x0, v6;
	v3 =	vld [tilespmem:s20+$0x3000];
	v11 =	vadd.s32 v0, v7;
	(pc) =	sbr.rel @p1 .LBB2_17-.Ltmp8, $4  }
0x1bf: {  	v13 =	vadd.s32 v13, v6;
	v9 =	vpsel !p5, $0x0, v9;
	v6 =	vld [tilespmem:s20+$0x3400];
	v11 =	vadd.s32 v11, v5  }
0x1c0: {  	v13 =	vadd.s32 v13, v9;
	v9 =	vld [tilespmem:s20+$0x3800];
	v11 =	vadd.s32 v11, v4  }
0x1c1: {  	v10 =	vpsel !p6, $0x0, v10;
	v0 =	vld [tilespmem:s30+$0xFF80];
	s31 =	spop (v2sf);
	v14 =	vadd.s32 v11, v2  }
0x1c2: {  	s17 =	smov.u32 s18;
	s18 =	sadd.s32 $0x10, s18;
	v11 =	vadd.s32 v13, v10;
	v13 =	vpsel !p3, $0x0, v12;
	v10 =	vld [tilespmem:s20+$0x3C00];
	s15 =	sadd.s32 s15, s31;
	v12 =	vadd.s32 v14, v1  }
0x1c3: {  	s18 =	sld [smem:$0x7F2]  }
0x1c4: {  	s19 =	sld [smem:$0x7F3]  }
0x1c5: {  	s20 =	sld [smem:$0x7F4]  }
0x1c6: {  	s21 =	sld [smem:$0x7F5];
	p1 =	seq.s32 s18, $0x1  }
0x1c7: {  	v11 =	vadd.s32 v11, v13;
	s22 =	sld [smem:$0x7F6];
	p0 =	seq.s32 s19, $0x1;
	v8 =	vpsel !p1, $0x0, v8  }
0x1c8: {  	s23 =	sld [smem:$0x7F7];
	v12 =	vadd.s32 v12, v0;
	v7 =	vpsel !p0, $0x0, v7;
	p0 =	seq.s32 s20, $0x1;
	v8 =	vadd.s32 v11, v8  }
0x1c9: {  	s24 =	sld [smem:$0x7F8];
	v47 =	vadd.s32 v12, v3;
	v5 =	vpsel !p0, $0x0, v5;
	p0 =	seq.s32 s21, $0x1;
	v7 =	vadd.s32 v8, v7  }
0x1ca: {  	s25 =	sld [smem:$0x7F9];
	v48 =	vadd.s32 v47, v6;
	v4 =	vpsel !p0, $0x0, v4;
	p0 =	seq.s32 s22, $0x1;
	v5 =	vadd.s32 v7, v5  }
0x1cb: {  	s26 =	sld [smem:$0x7FA];
	v49 =	vadd.s32 v48, v9;
	v2 =	vpsel !p0, $0x0, v2;
	p0 =	seq.s32 s23, $0x1;
	v4 =	vadd.s32 v5, v4  }
0x1cc: {  	v50 =	vadd.s32 v49, v10;
	v1 =	vpsel !p0, $0x0, v1;
	p0 =	seq.s32 s24, $0x1;
	v2 =	vadd.s32 v4, v2  }
0x1cd: {  	s28 =	sld [smem:$0x7FB];
	(xrf0) =	vadd.scan.msk.s32 $0xffff, v50;
	v0 =	vpsel !p0, $0x0, v0;
	p0 =	seq.s32 s25, $0x1;
	v1 =	vadd.s32 v2, v1  }
0x1ce: {  	v0 =	vadd.s32 v1, v0;
	v1 =	vpsel !p0, $0x0, v3;
	p0 =	seq.s32 s26, $0x1  }
0x1cf: {  	v0 =	vadd.s32 v0, v1;
	v1 =	vpsel !p0, $0x0, v6  }
0x1d0: {  	p0 =	seq.s32 s28, $0x1;
	v0 =	vadd.s32 v0, v1;
	v1 =	vsub.s32 s15, v50  }
0x1d1: {  	v2 =	vpsel !p0, $0x0, v9  }
0x1d2: {  	v0 =	vadd.s32 v0, v2  }
0x1d3: {  	v0 =	vadd.s32 v0, v1;
	v1, _, _ =	vpop (xrf0)  }
0x1d4: {  	s16 =	sadd.s32 $0x10, s16;
	v0 =	vadd.s32 v1, v0  }
0x1d5: {  	s17 =	sand.u32 $0x3F0, s17;
	[tilespmem:s16+$0x0] =	vst v0  }
0x1d6: {  	v0 =	vld [tilespmem:s17+$0xD380]  }
0x1d7: {  	v2 =	vld [tilespmem:s17+$0xD780]  }
0x1d8: {  	v3 =	vld [tilespmem:s17+$0xDB80]  }
0x1d9: {  	v51 =	vld [tilespmem:s17+$0xDF80]  }
0x1da: {  	v52 =	vld [tilespmem:s17+$0xE380]  }
0x1db: {  	v53 =	vld [tilespmem:s17+$0xE780]  }
0x1dc: {  	v55 =	vld [tilespmem:s17+$0xEB80];
	v54 =	vadd.s32 v0, v2  }
0x1dd: {  	(v2sf) =	vpush v1, $0xF;
	v56 =	vld [tilespmem:s17+$0xEF80];
	v7 =	vadd.s32 v54, v3  }
0x1de: {  	v57 =	vld [tilespmem:s17+$0xF380];
	v7 =	vadd.s32 v7, v51  }
0x1df: {  	v58 =	vld [tilespmem:s17+$0xF780];
	v1 =	vadd.s32 v7, v52  }
0x1e0: {  	v59 =	vld [tilespmem:s17+$0xFB80];
	v1 =	vadd.s32 v1, v53  }
0x1e1: {  	s29 =	sadd.s32 $0xD380, s17;
	v60 =	vld [tilespmem:s17+$0xFF80];
	v1 =	vadd.s32 v1, v55  }
0x1e2: {  	v61 =	vld [tilespmem:s29+$0x3000];
	v0 =	vpsel p2, $0x0, v0;
	v2 =	vpsel !p4, $0x0, v2;
	v1 =	vadd.s32 v1, v56  }
0x1e3: {  	s30 =	sld [smem:$0x7F3];
	v0 =	vadd.s32 v0, v2;
	v2 =	vpsel !p5, $0x0, v3;
	v3 =	vld [tilespmem:s29+$0x3400];
	v1 =	vadd.s32 v1, v57  }
0x1e4: {  	s31 =	sld [smem:$0x7F4];
	v62 =	vld [tilespmem:s29+$0x3800];
	v0 =	vadd.s32 v0, v2;
	v2 =	vpsel !p6, $0x0, v51;
	v1 =	vadd.s32 v1, v58  }
0x1e5: {  	s18 =	sld [smem:$0x7F5];
	v63 =	vld [tilespmem:s29+$0x3C00];
	v0 =	vadd.s32 v0, v2;
	v2 =	vpsel !p3, $0x0, v52;
	v1 =	vadd.s32 v1, v59  }
0x1e6: {  	s19 =	sld [smem:$0x7F6];
	p4 =	seq.s32 s30, $0x1;
	v0 =	vadd.s32 v0, v2;
	v2 =	vpsel !p1, $0x0, v53;
	v1 =	vadd.s32 v1, v60  }
0x1e7: {  	s20 =	sld [smem:$0x7F7];
	p5 =	seq.s32 s31, $0x1;
	v0 =	vadd.s32 v0, v2;
	v2 =	vpsel !p4, $0x0, v55;
	v1 =	vadd.s32 v1, v61  }
0x1e8: {  	s21 =	sld [smem:$0x7F8];
	p6 =	seq.s32 s18, $0x1;
	v0 =	vadd.s32 v0, v2;
	v2 =	vpsel !p5, $0x0, v56;
	v1 =	vadd.s32 v1, v3  }
0x1e9: {  	s22 =	sld [smem:$0x7F9];
	p2 =	seq.s32 s19, $0x1;
	v0 =	vadd.s32 v0, v2;
	v2 =	vpsel !p6, $0x0, v57;
	v1 =	vadd.s32 v1, v62  }
0x1ea: {  	s24 =	sld [smem:$0x7FA];
	p3 =	seq.s32 s20, $0x1;
	v0 =	vadd.s32 v0, v2;
	v2 =	vpsel !p2, $0x0, v58;
	v1 =	vadd.s32 v1, v63  }
0x1eb: {  	p4 =	seq.s32 s21, $0x1;
	v0 =	vadd.s32 v0, v2;
	v2 =	vpsel !p3, $0x0, v59;
	(xrf0) =	vadd.scan.msk.s32 $0xffff, v1  }
0x1ec: {  	p5 =	seq.s32 s22, $0x1;
	s23 =	spop (v2sf);
	v0 =	vadd.s32 v0, v2;
	v2 =	vpsel !p4, $0x0, v60  }
0x1ed: {  	p6 =	seq.s32 s24, $0x1;
	s25 =	sadd.s32 s15, s23;
	v0 =	vadd.s32 v0, v2;
	v2 =	vpsel !p5, $0x0, v61  }
0x1ee: {  	v0 =	vadd.s32 v0, v2;
	v2 =	vpsel !p6, $0x0, v3;
	v1 =	vsub.s32 s25, v1  }
0x1ef: {  	v3 =	vpsel !p0, $0x0, v62;
	v0 =	vadd.s32 v0, v2  }
0x1f0: {  	v0 =	vadd.s32 v0, v3  }
0x1f1: {  	v0 =	vadd.s32 v0, v1;
	v1, _, _ =	vpop (xrf0)  }
0x1f2: {  	s26 =	sadd.s32 $0x10, s16;
	v0 =	vadd.s32 v1, v0  }
0x1f3: {  	s28 =	simm.s32 $0x0;
	[tilespmem:s26+$0x0] =	vst v0  }
0x1f4: {  	v0 =	vld [tilespmem:s28+$0x0];
	_ =	sdelay $0x4  }
0x1f5: {  	v0 =	vshrl.u32 v0, $0xA  }
0x1f6: {  	v0 =	vand.u32 $0x3FF, v0  }
0x1f7: {  	(xrf1) =	vunique.msk.u32 $0xffff, v0;
	_ =	sdelay $0x4  }
0x1f8: {  	(v2sf) =	vpush v1, $0xF;
	_ =	sdelay $0x7  }
0x1f9: {  	s15 =	simm.s32 $0xCF80  }
0x1fa: {  	v1 =	vld.idx.msk [tilespmem:v0+s15+$0x0], $0xffff;
	_, v2, vm0 =	vpop (xrf1);
	_ =	sdelay $0x3  }
0x1fb: {  	s29 =	sand.u32 $0x7E00, s12  }
0x1fc: {  	s30 =	sand.u32 $0x70, s12;
	s16 =	sshrl.u32 s29, $0x2;
	v1 =	vadd.s32 v1, v2  }
0x1fd: {  	s12 =	simm.s32 $0x40;
	s16 =	sor.u32 s30, s16;
	s31 =	spop (v2sf);
	[tilespmem:v0+s15+$0x0] =	vst.idx.msk vm0, v1;
	v0 =	vadd.s32 $0xFFFFFFFF, v1  }
.LBB2_19:
0x1fe: {  	p1 =	sne.s32 s14, $0x18F0  }
0x1ff: {  	s17 =	sshra.s32 s12, $0x2;
	[tilespmem:s16+$0x11380] =	vst v0;
	s16 =	smov.u32 s14;
	s14 =	sadd.s32 $0x10, s14  }
0x200: {  	v0 =	vld [tilespmem:s17+$0x0];
	_ =	sdelay $0x4  }
0x201: {  	v0 =	vshrl.u32 v0, $0xA  }
0x202: {  	v0 =	vand.u32 $0x3FF, v0  }
0x203: {  	(xrf1) =	vunique.msk.u32 $0xffff, v0;
	_ =	sdelay $0xc  }
0x204: {  	v1 =	vld.idx.msk [tilespmem:v0+s15+$0x0], $0xffff  }
0x205: {  	_, v2, vm0 =	vpop (xrf1);
	_ =	sdelay $0x1  }
.Ltmp9:
0x206: {  	(pc) =	sbr.rel @p1 .LBB2_19-.Ltmp9, $4  }
0x207: {  	_ = 	snop  }
0x208: {  	s17 =	sand.u32 $0x7E00, s12  }
0x209: {  	s18 =	sand.u32 $0x70, s13;
	s13 =	smov.u32 s16;
	s17 =	sshrl.u32 s17, $0x2;
	v1 =	vadd.s32 v1, v2  }
0x20a: {  	s12 =	sadd.s32 $0x40, s12;
	s16 =	sor.u32 s18, s17;
	[tilespmem:v0+s15+$0x0] =	vst.idx.msk vm0, v1;
	v0 =	vadd.s32 $0xFFFFFFFF, v1  }
0x20b: {  	s14 =	sshra.s32 s12, $0x2;
	[tilespmem:s16+$0x11380] =	vst v0  }
0x20c: {  	v0 =	vld [tilespmem:s14+$0x0];
	_ =	sdelay $0x4  }
0x20d: {  	v0 =	vshrl.u32 v0, $0xA  }
0x20e: {  	v0 =	vand.u32 $0x3FF, v0  }
0x20f: {  	(xrf1) =	vunique.msk.u32 $0xffff, v0;
	_ =	sdelay $0xd  }
0x210: {  	v1 =	vld.idx.msk [tilespmem:v0+s15+$0x0], $0xffff;
	_, v2, vm0 =	vpop (xrf1);
	_ =	sdelay $0x3  }
0x211: {  	s16 =	sand.u32 $0x7E00, s12  }
0x212: {  	s13 =	sand.u32 $0x70, s13;
	s12 =	sshrl.u32 s16, $0x2;
	v1 =	vadd.s32 v1, v2  }
0x213: {  	s12 =	sor.u32 s13, s12;
	v63 =	vadd.s32 $0xFFFFFFFF, v1;
	[tilespmem:v0+s15+$0x0] =	vst.idx.msk vm0, v1  }
0x214: {  	s17 =	simm.s32 $0x11380;
	s18 =	simm.s32 $0x0;
	[tilespmem:s12+$0x11380] =	vst v63;
	s12 =	simm.s32 $0x80  }
0x215: {  	[spmem:s9] =	stream.indirect.scatter [tilespmem:s18], [sflag:$0x1], $0x1, s17, s12, $0xb8;
	[tilespmem:$0x19780] =	vst v63  }
0x216: {  	s19 =	simm.s32 $0x1900  }
0x217: {  	[spmem:s7] =	stream.indirect.scatter [tilespmem:s19], [sflag:$0x1], $0x1, s17, s12, $0xb8;
	[tilespmem:$0x19780] =	vst v63  }
0x218: {  	s20 =	simm.s32 $0x11400  }
0x219: {  	[spmem:s9] =	stream.indirect.scatter [tilespmem:s12], [sflag:$0x1], $0x1, s20, s12, $0xb8;
	[tilespmem:$0x19780] =	vst v63  }
0x21a: {  	s21 =	simm.s32 $0x1980  }
0x21b: {  	[spmem:s7] =	stream.indirect.scatter [tilespmem:s21], [sflag:$0x1], $0x1, s20, s12, $0xb8;
	[tilespmem:$0x19780] =	vst v63  }
0x21c: {  	s22 =	simm.s32 $0x11480;
	s23 =	simm.s32 $0x100  }
0x21d: {  	[spmem:s9] =	stream.indirect.scatter [tilespmem:s23], [sflag:$0x1], $0x1, s22, s12, $0xb8;
	[tilespmem:$0x19780] =	vst v63  }
0x21e: {  	s24 =	simm.s32 $0x1A00  }
0x21f: {  	[spmem:s7] =	stream.indirect.scatter [tilespmem:s24], [sflag:$0x1], $0x1, s22, s12, $0xb8;
	[tilespmem:$0x19780] =	vst v63  }
0x220: {  	s25 =	simm.s32 $0x11500;
	s26 =	simm.s32 $0x180  }
0x221: {  	[spmem:s9] =	stream.indirect.scatter [tilespmem:s26], [sflag:$0x1], $0x1, s25, s12, $0xb8;
	[tilespmem:$0x19780] =	vst v63  }
0x222: {  	s28 =	simm.s32 $0x1A80  }
0x223: {  	[spmem:s7] =	stream.indirect.scatter [tilespmem:s28], [sflag:$0x1], $0x1, s25, s12, $0xb8;
	[tilespmem:$0x19780] =	vst v63  }
0x224: {  	s29 =	simm.s32 $0x200;
	s30 =	simm.s32 $0x11580  }
0x225: {  	[spmem:s9] =	stream.indirect.scatter [tilespmem:s29], [sflag:$0x1], $0x1, s30, s12, $0xb8;
	[tilespmem:$0x19780] =	vst v63  }
0x226: {  	s31 =	simm.s32 $0x1B00;
	s13 =	simm.s32 $0x1  }
0x227: {  	[spmem:s7] =	stream.indirect.scatter [tilespmem:s31], [sflag:$0x1], $0x1, s30, s12, $0xb8;
	[tilespmem:$0x19780] =	vst v63  }
0x228: {  	_ =	swait.ge [sflag:s13], $0x80  }
0x229: {  	[sflag:s13] =	ssyncset.done $0x0  }
0x22a: {  	[sflag:s13] =	ssyncadd.s32 $0xFFFFFF80  }
0x22b: {  	_ =	swait.ge [sflag:s13], $0x80  }
0x22c: {  	s14 =	simm.s32 $0x280;
	s15 =	simm.s32 $0xC00;
	[sflag:s13] =	ssyncset.done $0x0  }
.LBB2_21:
0x22d: {  	s16 =	sadd.s32 $0x11380, s14  }
0x22e: {  	[sflag:s13] =	ssyncadd.s32 $0xFFFFFF80;
	s17 =	smov.u32 s15;
	s18 =	sadd.s32 $0x200, s15  }
0x22f: {  	[spmem:s9] =	stream.indirect.scatter [tilespmem:s14], [sflag:$0x1], $0x1, s16, s12, $0xb8;
	[tilespmem:$0x19780] =	vst v63  }
0x230: {  	p1 =	sne.s32 s15, $0x6200;
	s14 =	sadd.s32 $0x1900, s14  }
0x231: {  	[spmem:s7] =	stream.indirect.scatter [tilespmem:s14], [sflag:$0x1], $0x1, s16, s12, $0xb8;
	[tilespmem:$0x19780] =	vst v63  }
.Ltmp10:
0x232: {  	_ =	swait.ge [sflag:s13], $0x80;
	(pc) =	sbr.rel @p1 .LBB2_21-.Ltmp10, $4  }
0x233: {  	[sflag:s13] =	ssyncset.done $0x0  }
0x234: {  	[sflag:s13] =	ssyncadd.s32 $0xFFFFFF80  }
0x235: {  	_ =	swait.ge [sflag:s13], $0x80  }
0x236: {  	s15 =	smov.u32 s18;
	s14 =	sshra.s32 s17, $0x2;
	[sflag:s13] =	ssyncset.done $0x0  }
0x237: {  	s15 =	sadd.s32 $0x11380, s14;
	[sflag:s13] =	ssyncadd.s32 $0xFFFFFF80  }
0x238: {  	[spmem:s9] =	stream.indirect.scatter [tilespmem:s14], [sflag:$0x1], $0x1, s15, s12, $0xb8;
	[tilespmem:$0x19780] =	vst v63  }
0x239: {  	s24 =	sadd.s32 $0x1900, s14  }
0x23a: {  	[spmem:s7] =	stream.indirect.scatter [tilespmem:s24], [sflag:$0x1], $0x1, s15, s12, $0xb8;
	[tilespmem:$0x19780] =	vst v63  }
0x23b: {  	_ =	swait.ge [sflag:s13], $0x80  }
0x23c: {  	[sflag:s13] =	ssyncset.done $0x0  }
0x23d: {  	[sflag:s13] =	ssyncadd.s32 $0xFFFFFF80  }
0x23e: {  	_ =	swait.ge [sflag:s13], $0x80  }
0x23f: {  	[sflag:s13] =	ssyncset.done $0x0  }
0x240: {  	s25 =	simm.s32 $0x1;
	[sflag:s13] =	ssyncadd.s32 $0xFFFFFF80  }
0x241: {  	_ =	swait.ge [sflag:s25], $0x80  }
0x242: {  	[sflag:s25] =	ssyncset.done $0x0  }
0x243: {  	[sflag:s25] =	ssyncadd.s32 $0xFFFFFF80  }
0x244: {  	_ =	swait.ge [sflag:s25], $0x80  }
0x245: {  	[sflag:s25] =	ssyncset.done $0x0  }
0x246: {  	[sflag:s25] =	ssyncadd.s32 $0xFFFFFF80  }
0x247: {  	_ =	swait.ge [sflag:s25], $0x80  }
0x248: {  	[sflag:s25] =	ssyncset.done $0x0  }
0x249: {  	[sflag:s25] =	ssyncadd.s32 $0xFFFFFF80  }
0x24a: {  	_ =	swait.ge [sflag:s25], $0x80  }
0x24b: {  	[sflag:s25] =	ssyncset.done $0x0  }
0x24c: {  	[sflag:s25] =	ssyncadd.s32 $0xFFFFFF80  }
0x24d: {  	_ =	swait.ge [sflag:s25], $0x80  }
0x24e: {  	[sflag:s25] =	ssyncset.done $0x0  }
0x24f: {  	[sflag:s25] =	ssyncadd.s32 $0xFFFFFF80  }
0x250: {  	_ =	swait.ge [sflag:s25], $0x80  }
0x251: {  	[sflag:s25] =	ssyncset.done $0x0  }
0x252: {  	[sflag:s25] =	ssyncadd.s32 $0xFFFFFF80  }
0x253: {  	_ =	swait.ge [sflag:s25], $0x80  }
0x254: {  	[sflag:s25] =	ssyncset.done $0x0  }
0x255: {  	[sflag:s25] =	ssyncadd.s32 $0xFFFFFF80  }
0x256: {  	_ =	swait.ge [sflag:s25], $0x80  }
0x257: {  	[sflag:s25] =	ssyncset.done $0x0  }
0x258: {  	s26 =	sadd.s32 s8, s9;
	[sflag:s25] =	ssyncadd.s32 $0xFFFFFF80  }
0x259: {  	s28 =	simm.s32 $0x2;
	s9 =	simm.s32 $0x0;
	[bflag:$0x0] =	sbarrier.arrive $0xFFFF  }
0x25a: {  	[tilespmem:s9], [sflag:$0x2] =	stream.linear.gather [spmem:s26], $0x1900, $0x38;
	[tilespmem:$0x19780] =	vst v63  }
0x25b: {  	_ =	swait.ge [sflag:s28], $0x1900  }
0x25c: {  	[sflag:s28] =	ssyncset.done $0x0  }
0x25d: {  	s29 =	sadd.s32 s8, s7;
	s30 =	simm.s32 $0x1900;
	[sflag:s28] =	ssyncadd.s32 $0xFFFFE700  }
0x25e: {  	[tilespmem:s30], [sflag:$0x2] =	stream.linear.gather [spmem:s29], $0x1900, $0x38;
	[tilespmem:$0x19780] =	vst v63  }
0x25f: {  	_ =	swait.ge [sflag:s28], $0x1900  }
0x260: {  	s31 =	sld [smem:$0x7F0];
	_ =	sdelay $0x1  }
0x261: {  	[sflag:s28] =	ssyncset.done $0x0  }
0x262: {  	v0 =	vimm.s32 $0x0;
	[sflag:s28] =	ssyncadd.s32 $0xFFFFE700;
	p4 =	seq.s32 s31, $0x1  }
.LBB2_23:
0x263: {  	p1 =	sne.s32 s9, $0xFC0  }
.Ltmp11:
0x264: {  	_ = 	snop;
	(pc) =	sbr.rel @p1 .LBB2_23-.Ltmp11, $3  }
0x265: {  	_ =	sdelay $0x1  }
0x266: {  	s7 =	sshra.s32 s9, $0x2  }
0x267: {  	s9 =	sadd.s32 $0x40, s9;
	[tilespmem:s7+$0xCB80] =	vst v0  }
0x268: {  	s7 =	simm.s32 $0xCB80;
	s9 =	simm.s32 $0x0;
	s8 =	simm.s32 $0x40  }
.LBB2_25:
0x269: {  	p1 =	sne.s32 s8, $0x63C0;
	v0 =	vld [tilespmem:s9+$0x0];
	_ =	sdelay $0x4  }
0x26a: {  	v0 =	vshrl.u32 v0, $0x14  }
0x26b: {  	v0 =	vand.u32 $0x3FF, v0  }
0x26c: {  	(xrf1) =	vunique.msk.u32 $0xffff, v0;
	_ =	sdelay $0xc  }
0x26d: {  	v1 =	vld.idx.msk [tilespmem:v0+s7+$0x0], $0xffff  }
0x26e: {  	_, v2, vm0 =	vpop (xrf1);
	_ =	sdelay $0x1  }
.Ltmp12:
0x26f: {  	(pc) =	sbr.rel @p1 .LBB2_25-.Ltmp12, $3  }
0x270: {  	_ =	sdelay $0x1  }
0x271: {  	v1 =	vadd.s32 v1, v2  }
0x272: {  	s9 =	sshra.s32 s8, $0x2;
	s8 =	sadd.s32 $0x40, s8;
	[tilespmem:v0+s7+$0x0] =	vst.idx.msk vm0, v1  }
0x273: {  	v0 =	vld [tilespmem:s9+$0x0];
	_ =	sdelay $0x4  }
0x274: {  	v0 =	vshrl.u32 v0, $0x14  }
0x275: {  	v0 =	vand.u32 $0x3FF, v0  }
0x276: {  	(xrf1) =	vunique.msk.u32 $0xffff, v0;
	_ =	sdelay $0xd  }
0x277: {  	v1 =	vld.idx.msk [tilespmem:v0+s7+$0x0], $0xffff;
	_, v2, vm0 =	vpop (xrf1);
	_ =	sdelay $0x4  }
0x278: {  	v1 =	vadd.s32 v1, v2  }
0x279: {  	s9 =	simm.s32 $0xCB80;
	s12 =	simm.s32 $0x2;
	[tilespmem:v0+s7+$0x0] =	vst.idx.msk vm0, v1  }
0x27a: {  	[spmem:s10] =	stream.linear.scatter [tilespmem:s9], [sflag:$0x2], $0x400, $0x38;
	[tilespmem:$0x19780] =	vst v63  }
0x27b: {  	_ =	swait.ge [sflag:s12], $0x400  }
0x27c: {  	[sflag:s12] =	ssyncset.done $0x0  }
0x27d: {  	[sflag:s12] =	ssyncadd.s32 $0xFFFFFC00  }
0x27e: {  	s8 =	simm.s32 $0xD380;
	[bflag:$0x0] =	sbarrier.arrive $0xFFFF  }
0x27f: {  	[tilespmem:s8], [sflag:$0x2] =	stream.linear.gather [spmem:s6], $0x4000, $0x38;
	[tilespmem:$0x19780] =	vst v63  }
0x280: {  	_ =	swait.ge [sflag:s12], $0x4000  }
0x281: {  	s6 =	simm.s32 $0x0;
	[sflag:s12] =	ssyncset.done $0x0  }
0x282: {  	s13 =	sand.u32 $0x3F0, s6;
	[sflag:s12] =	ssyncadd.s32 $0xFFFFC000  }
0x283: {  	v0 =	vld [tilespmem:s13+$0xD380]  }
0x284: {  	v1 =	vld [tilespmem:s13+$0xD780]  }
0x285: {  	v2 =	vld [tilespmem:s13+$0xDB80]  }
0x286: {  	v3 =	vld [tilespmem:s13+$0xDF80]  }
0x287: {  	v4 =	vld [tilespmem:s13+$0xE380]  }
0x288: {  	v5 =	vld [tilespmem:s13+$0xE780]  }
0x289: {  	v7 =	vld [tilespmem:s13+$0xEB80];
	v6 =	vadd.s32 v0, v1  }
0x28a: {  	s15 =	sld [smem:$0x7F1];
	v8 =	vld [tilespmem:s13+$0xEF80];
	v6 =	vadd.s32 v6, v2  }
0x28b: {  	s16 =	sld [smem:$0x7EF];
	v9 =	vld [tilespmem:s13+$0xF380];
	v6 =	vadd.s32 v6, v3  }
0x28c: {  	s17 =	sld [smem:$0x7FC];
	v10 =	vld [tilespmem:s13+$0xF780];
	v6 =	vadd.s32 v6, v4  }
0x28d: {  	p2 =	por p4, p4;
	s18 =	sld [smem:$0x7FD];
	v11 =	vld [tilespmem:s13+$0xFB80];
	v0 =	vpsel p4, $0x0, v0;
	p4 =	seq.s32 s15, $0x1;
	v6 =	vadd.s32 v6, v5  }
0x28e: {  	s14 =	sadd.s32 $0xD380, s13;
	s19 =	sld [smem:$0x7F2];
	v12 =	vld [tilespmem:s13+$0xFF80];
	p6 =	seq.s32 s16, $0x1;
	v1 =	vpsel !p4, $0x0, v1;
	v6 =	vadd.s32 v6, v7  }
0x28f: {  	s20 =	sld [smem:$0x7F3];
	v13 =	vld [tilespmem:s14+$0x3000];
	p5 =	seq.s32 s17, $0x1;
	v0 =	vadd.s32 v0, v1;
	v1 =	vpsel !p6, $0x0, v2;
	v6 =	vadd.s32 v6, v8  }
0x290: {  	s21 =	sld [smem:$0x7F4];
	p0 =	seq.s32 s18, $0x1;
	v0 =	vadd.s32 v0, v1;
	v1 =	vpsel !p5, $0x0, v3;
	v2 =	vadd.s32 v6, v9;
	v6 =	vld [tilespmem:s14+$0x3400]  }
0x291: {  	s22 =	sld [smem:$0x7F5];
	p3 =	seq.s32 s19, $0x1;
	v3 =	vld [tilespmem:s14+$0x3800];
	v0 =	vadd.s32 v0, v1;
	v1 =	vpsel !p0, $0x0, v4;
	v2 =	vadd.s32 v2, v10  }
0x292: {  	s23 =	sld [smem:$0x7F6];
	p1 =	seq.s32 s20, $0x1;
	v4 =	vld [tilespmem:s14+$0x3C00];
	v0 =	vadd.s32 v0, v1;
	v1 =	vpsel !p3, $0x0, v5;
	v2 =	vadd.s32 v2, v11  }
0x293: {  	s24 =	sld [smem:$0x7F7];
	p3 =	seq.s32 s21, $0x1;
	v0 =	vadd.s32 v0, v1;
	v1 =	vpsel !p1, $0x0, v7;
	v2 =	vadd.s32 v2, v12  }
0x294: {  	s25 =	sld [smem:$0x7F8];
	p1 =	seq.s32 s22, $0x1;
	v0 =	vadd.s32 v0, v1;
	v1 =	vpsel !p3, $0x0, v8;
	v2 =	vadd.s32 v2, v13  }
0x295: {  	s26 =	sld [smem:$0x7F9];
	p3 =	seq.s32 s23, $0x1;
	v0 =	vadd.s32 v0, v1;
	v1 =	vpsel !p1, $0x0, v9;
	v2 =	vadd.s32 v2, v6  }
0x296: {  	s28 =	sld [smem:$0x7FA];
	p1 =	seq.s32 s24, $0x1;
	v0 =	vadd.s32 v0, v1;
	v1 =	vpsel !p3, $0x0, v10;
	v2 =	vadd.s32 v2, v3  }
0x297: {  	p3 =	seq.s32 s25, $0x1;
	v0 =	vadd.s32 v0, v1;
	v1 =	vpsel !p1, $0x0, v11;
	v2 =	vadd.s32 v2, v4  }
0x298: {  	s29 =	sld [smem:$0x7FB];
	p1 =	seq.s32 s26, $0x1;
	v0 =	vadd.s32 v0, v1;
	v1 =	vpsel !p3, $0x0, v12;
	(xrf0) =	vadd.scan.msk.s32 $0xffff, v2  }
0x299: {  	p3 =	seq.s32 s28, $0x1;
	v0 =	vadd.s32 v0, v1;
	v1 =	vpsel !p1, $0x0, v13  }
0x29a: {  	v0 =	vadd.s32 v0, v1;
	v1 =	vpsel !p3, $0x0, v6  }
0x29b: {  	p1 =	seq.s32 s29, $0x1;
	v0 =	vadd.s32 v0, v1;
	v1 =	vsub.s32 s6, v2  }
0x29c: {  	v3 =	vpsel !p1, $0x0, v3  }
0x29d: {  	v0 =	vadd.s32 v0, v3  }
0x29e: {  	v0 =	vadd.s32 v0, v1;
	v1, _, _ =	vpop (xrf0)  }
0x29f: {  	s7 =	simm.s32 $0x10;
	s10 =	simm.s32 $0xCF80;
	v0 =	vadd.s32 v1, v0  }
0x2a0: {  	s30 =	sand.u32 $0x3F0, s7;
	(v2sf) =	vpush v1, $0xF;
	[tilespmem:s10+$0x0] =	vst v0  }
0x2a1: {  	v3 =	vld [tilespmem:s30+$0xD380]  }
0x2a2: {  	v6 =	vld [tilespmem:s30+$0xD780]  }
0x2a3: {  	v9 =	vld [tilespmem:s30+$0xDB80]  }
0x2a4: {  	v10 =	vld [tilespmem:s30+$0xDF80]  }
0x2a5: {  	v12 =	vld [tilespmem:s30+$0xE380]  }
0x2a6: {  	v8 =	vld [tilespmem:s30+$0xE780]  }
0x2a7: {  	v7 =	vld [tilespmem:s30+$0xEB80];
	v0 =	vadd.s32 v3, v6  }
0x2a8: {  	v5 =	vld [tilespmem:s30+$0xEF80];
	v0 =	vadd.s32 v0, v9  }
0x2a9: {  	v4 =	vld [tilespmem:s30+$0xF380];
	v0 =	vadd.s32 v0, v10  }
0x2aa: {  	v2 =	vld [tilespmem:s30+$0xF780];
	v0 =	vadd.s32 v0, v12  }
0x2ab: {  	s12 =	sadd.s32 $0xD380, s30;
	s14 =	sld [smem:$0x7FD];
	v1 =	vld [tilespmem:s30+$0xFB80];
	v0 =	vadd.s32 v0, v8  }
0x2ac: {  	v13 =	vpsel p2, $0x0, v3;
	v6 =	vpsel !p4, $0x0, v6;
	v3 =	vld [tilespmem:s12+$0x3000];
	v11 =	vadd.s32 v0, v7  }
0x2ad: {  	s8 =	simm.s32 $0x20;
	s13 =	simm.s32 $0x30;
	v13 =	vadd.s32 v13, v6;
	v9 =	vpsel !p6, $0x0, v9;
	v6 =	vld [tilespmem:s12+$0x3400];
	v11 =	vadd.s32 v11, v5  }
0x2ae: {  	p3 =	por p2, p2;
	p1 =	seq.s32 s14, $0x1;
	p2 =	por p4, p4;
	v13 =	vadd.s32 v13, v9;
	v9 =	vld [tilespmem:s12+$0x3800];
	v11 =	vadd.s32 v11, v4  }
0x2af: {  	p4 =	por p6, p6;
	p6 =	por p5, p5;
	v10 =	vpsel !p5, $0x0, v10;
	v0 =	vld [tilespmem:s30+$0xFF80];
	s31 =	spop (v2sf);
	v14 =	vadd.s32 v11, v2  }
0x2b0: {  	p5 =	por p1, p1;
	v11 =	vadd.s32 v13, v10;
	v13 =	vpsel !p1, $0x0, v12;
	v10 =	vld [tilespmem:s12+$0x3C00];
	s12 =	simm.s32 $0x20;
	s9 =	sadd.s32 $0x0, s31;
	v12 =	vadd.s32 v14, v1  }
.LBB2_27:
0x2b1: {  	s14 =	sld [smem:$0x7F2]  }
0x2b2: {  	s20 =	sld [smem:$0x7F3]  }
0x2b3: {  	s21 =	sld [smem:$0x7F4]  }
0x2b4: {  	s22 =	sld [smem:$0x7F5];
	p0 =	seq.s32 s14, $0x1  }
0x2b5: {  	s23 =	sld [smem:$0x7F6];
	v8 =	vpsel !p0, $0x0, v8;
	p0 =	seq.s32 s20, $0x1  }
0x2b6: {  	v11 =	vadd.s32 v11, v13;
	s24 =	sld [smem:$0x7F7];
	v12 =	vadd.s32 v12, v0;
	v7 =	vpsel !p0, $0x0, v7;
	p0 =	seq.s32 s21, $0x1  }
0x2b7: {  	s25 =	sld [smem:$0x7FB];
	v8 =	vadd.s32 v11, v8;
	v11 =	vadd.s32 v12, v3;
	v5 =	vpsel !p0, $0x0, v5;
	p0 =	seq.s32 s22, $0x1  }
0x2b8: {  	s26 =	sld [smem:$0x7F8];
	v7 =	vadd.s32 v8, v7;
	v8 =	vadd.s32 v11, v6;
	v4 =	vpsel !p0, $0x0, v4;
	p0 =	seq.s32 s23, $0x1  }
0x2b9: {  	s28 =	sld [smem:$0x7F9];
	v5 =	vadd.s32 v7, v5;
	v7 =	vadd.s32 v8, v9;
	v2 =	vpsel !p0, $0x0, v2;
	p0 =	seq.s32 s24, $0x1  }
0x2ba: {  	s29 =	sld [smem:$0x7FA];
	v4 =	vadd.s32 v5, v4;
	v5 =	vadd.s32 v7, v10;
	v1 =	vpsel !p0, $0x0, v1;
	p0 =	seq.s32 s25, $0x1  }
0x2bb: {  	v2 =	vadd.s32 v4, v2;
	(xrf0) =	vadd.scan.msk.s32 $0xffff, v5;
	v4 =	vpsel !p0, $0x0, v9;
	p0 =	seq.s32 s26, $0x1  }
0x2bc: {  	v1 =	vadd.s32 v2, v1;
	v0 =	vpsel !p0, $0x0, v0;
	p0 =	seq.s32 s28, $0x1  }
0x2bd: {  	v0 =	vadd.s32 v1, v0;
	v1 =	vpsel !p0, $0x0, v3;
	p0 =	seq.s32 s29, $0x1  }
0x2be: {  	v0 =	vadd.s32 v0, v1;
	v1 =	vpsel !p0, $0x0, v6  }
0x2bf: {  	v0 =	vadd.s32 v0, v1  }
0x2c0: {  	v2 =	vsub.s32 s9, v5;
	v0 =	vadd.s32 v0, v4  }
0x2c1: {  	v0 =	vadd.s32 v0, v2;
	v1, _, _ =	vpop (xrf0)  }
0x2c2: {  	s10 =	sadd.s32 $0x10, s10;
	v0 =	vadd.s32 v1, v0  }
0x2c3: {  	s30 =	sand.u32 $0x3F0, s12;
	(v2sf) =	vpush v1, $0xF;
	[tilespmem:s10+$0x0] =	vst v0  }
0x2c4: {  	v3 =	vld [tilespmem:s30+$0xD380]  }
0x2c5: {  	v6 =	vld [tilespmem:s30+$0xD780]  }
0x2c6: {  	v9 =	vld [tilespmem:s30+$0xDB80]  }
0x2c7: {  	v10 =	vld [tilespmem:s30+$0xDF80]  }
0x2c8: {  	v12 =	vld [tilespmem:s30+$0xE380]  }
0x2c9: {  	v8 =	vld [tilespmem:s30+$0xE780]  }
0x2ca: {  	v7 =	vld [tilespmem:s30+$0xEB80];
	v0 =	vadd.s32 v3, v6  }
0x2cb: {  	v5 =	vld [tilespmem:s30+$0xEF80];
	v0 =	vadd.s32 v0, v9  }
0x2cc: {  	v4 =	vld [tilespmem:s30+$0xF380];
	v0 =	vadd.s32 v0, v10  }
0x2cd: {  	v2 =	vld [tilespmem:s30+$0xF780];
	v0 =	vadd.s32 v0, v12  }
0x2ce: {  	p1 =	sne.s32 s13, $0x3F0;
	s15 =	sadd.s32 $0xD380, s30;
	v1 =	vld [tilespmem:s30+$0xFB80];
	v0 =	vadd.s32 v0, v8  }
.Ltmp13:
0x2cf: {  	v13 =	vpsel p3, $0x0, v3;
	v6 =	vpsel !p2, $0x0, v6;
	v3 =	vld [tilespmem:s15+$0x3000];
	v11 =	vadd.s32 v0, v7;
	(pc) =	sbr.rel @p1 .LBB2_27-.Ltmp13, $4  }
0x2d0: {  	v13 =	vadd.s32 v13, v6;
	v9 =	vpsel !p4, $0x0, v9;
	v6 =	vld [tilespmem:s15+$0x3400];
	v11 =	vadd.s32 v11, v5  }
0x2d1: {  	v13 =	vadd.s32 v13, v9;
	v9 =	vld [tilespmem:s15+$0x3800];
	v11 =	vadd.s32 v11, v4  }
0x2d2: {  	v10 =	vpsel !p6, $0x0, v10;
	v0 =	vld [tilespmem:s30+$0xFF80];
	s31 =	spop (v2sf);
	v14 =	vadd.s32 v11, v2  }
0x2d3: {  	s12 =	smov.u32 s13;
	s13 =	sadd.s32 $0x10, s13;
	v11 =	vadd.s32 v13, v10;
	v13 =	vpsel !p5, $0x0, v12;
	v10 =	vld [tilespmem:s15+$0x3C00];
	s9 =	sadd.s32 s9, s31;
	v12 =	vadd.s32 v14, v1  }
0x2d4: {  	s13 =	sld [smem:$0x7F2]  }
0x2d5: {  	s23 =	sld [smem:$0x7F3]  }
0x2d6: {  	s24 =	sld [smem:$0x7F4]  }
0x2d7: {  	s25 =	sld [smem:$0x7F5];
	p1 =	seq.s32 s13, $0x1  }
0x2d8: {  	v11 =	vadd.s32 v11, v13;
	s26 =	sld [smem:$0x7F6];
	p0 =	seq.s32 s23, $0x1;
	v8 =	vpsel !p1, $0x0, v8  }
0x2d9: {  	s28 =	sld [smem:$0x7F7];
	v12 =	vadd.s32 v12, v0;
	v7 =	vpsel !p0, $0x0, v7;
	p0 =	seq.s32 s24, $0x1;
	v8 =	vadd.s32 v11, v8  }
0x2da: {  	s29 =	sld [smem:$0x7F8];
	v41 =	vadd.s32 v12, v3;
	v5 =	vpsel !p0, $0x0, v5;
	p0 =	seq.s32 s25, $0x1;
	v7 =	vadd.s32 v8, v7  }
0x2db: {  	s30 =	sld [smem:$0x7F9];
	v42 =	vadd.s32 v41, v6;
	v4 =	vpsel !p0, $0x0, v4;
	p0 =	seq.s32 s26, $0x1;
	v5 =	vadd.s32 v7, v5  }
0x2dc: {  	s31 =	sld [smem:$0x7FA];
	v43 =	vadd.s32 v42, v9;
	v2 =	vpsel !p0, $0x0, v2;
	p0 =	seq.s32 s28, $0x1;
	v4 =	vadd.s32 v5, v4  }
0x2dd: {  	v44 =	vadd.s32 v43, v10;
	v1 =	vpsel !p0, $0x0, v1;
	p0 =	seq.s32 s29, $0x1;
	v2 =	vadd.s32 v4, v2  }
0x2de: {  	s14 =	sld [smem:$0x7FB];
	(xrf0) =	vadd.scan.msk.s32 $0xffff, v44;
	v0 =	vpsel !p0, $0x0, v0;
	p0 =	seq.s32 s30, $0x1;
	v1 =	vadd.s32 v2, v1  }
0x2df: {  	v0 =	vadd.s32 v1, v0;
	v1 =	vpsel !p0, $0x0, v3;
	p0 =	seq.s32 s31, $0x1  }
0x2e0: {  	v0 =	vadd.s32 v0, v1;
	v1 =	vpsel !p0, $0x0, v6  }
0x2e1: {  	p0 =	seq.s32 s14, $0x1;
	v0 =	vadd.s32 v0, v1;
	v1 =	vsub.s32 s9, v44  }
0x2e2: {  	v2 =	vpsel !p0, $0x0, v9  }
0x2e3: {  	v0 =	vadd.s32 v0, v2  }
0x2e4: {  	v0 =	vadd.s32 v0, v1;
	v1, _, _ =	vpop (xrf0)  }
0x2e5: {  	s10 =	sadd.s32 $0x10, s10;
	v0 =	vadd.s32 v1, v0  }
0x2e6: {  	s12 =	sand.u32 $0x3F0, s12;
	[tilespmem:s10+$0x0] =	vst v0  }
0x2e7: {  	v0 =	vld [tilespmem:s12+$0xD380]  }
0x2e8: {  	v2 =	vld [tilespmem:s12+$0xD780]  }
0x2e9: {  	v3 =	vld [tilespmem:s12+$0xDB80]  }
0x2ea: {  	v45 =	vld [tilespmem:s12+$0xDF80]  }
0x2eb: {  	v46 =	vld [tilespmem:s12+$0xE380]  }
0x2ec: {  	v47 =	vld [tilespmem:s12+$0xE780]  }
0x2ed: {  	v49 =	vld [tilespmem:s12+$0xEB80];
	v48 =	vadd.s32 v0, v2  }
0x2ee: {  	(v2sf) =	vpush v1, $0xF;
	v50 =	vld [tilespmem:s12+$0xEF80];
	v7 =	vadd.s32 v48, v3  }
0x2ef: {  	v51 =	vld [tilespmem:s12+$0xF380];
	v7 =	vadd.s32 v7, v45  }
0x2f0: {  	v52 =	vld [tilespmem:s12+$0xF780];
	v1 =	vadd.s32 v7, v46  }
0x2f1: {  	v53 =	vld [tilespmem:s12+$0xFB80];
	v1 =	vadd.s32 v1, v47  }
0x2f2: {  	s15 =	sadd.s32 $0xD380, s12;
	v54 =	vld [tilespmem:s12+$0xFF80];
	v1 =	vadd.s32 v1, v49  }
0x2f3: {  	v55 =	vld [tilespmem:s15+$0x3000];
	v0 =	vpsel p3, $0x0, v0;
	v2 =	vpsel !p2, $0x0, v2;
	v1 =	vadd.s32 v1, v50  }
0x2f4: {  	s16 =	sld [smem:$0x7F3];
	v3 =	vpsel !p4, $0x0, v3;
	v0 =	vadd.s32 v0, v2;
	v2 =	vld [tilespmem:s15+$0x3400];
	v1 =	vadd.s32 v1, v51  }
0x2f5: {  	s17 =	sld [smem:$0x7F4];
	v4 =	vpsel !p6, $0x0, v45;
	v0 =	vadd.s32 v0, v3;
	v3 =	vld [tilespmem:s15+$0x3800];
	v1 =	vadd.s32 v1, v52  }
0x2f6: {  	s18 =	sld [smem:$0x7F5];
	v56 =	vld [tilespmem:s15+$0x3C00];
	v5 =	vpsel !p5, $0x0, v46;
	v0 =	vadd.s32 v0, v4;
	v1 =	vadd.s32 v1, v53  }
0x2f7: {  	s19 =	sld [smem:$0x7F6];
	v6 =	vpsel !p1, $0x0, v47;
	p4 =	seq.s32 s16, $0x1;
	v0 =	vadd.s32 v0, v5;
	v1 =	vadd.s32 v1, v54  }
0x2f8: {  	s20 =	sld [smem:$0x7F7];
	p5 =	seq.s32 s17, $0x1;
	v57 =	vpsel !p4, $0x0, v49;
	v0 =	vadd.s32 v0, v6;
	v1 =	vadd.s32 v1, v55  }
0x2f9: {  	s21 =	sld [smem:$0x7F8];
	p6 =	seq.s32 s18, $0x1;
	v58 =	vpsel !p5, $0x0, v50;
	v0 =	vadd.s32 v0, v57;
	v1 =	vadd.s32 v1, v2  }
0x2fa: {  	s22 =	sld [smem:$0x7F9];
	p2 =	seq.s32 s19, $0x1;
	v59 =	vpsel !p6, $0x0, v51;
	v0 =	vadd.s32 v0, v58;
	v1 =	vadd.s32 v1, v3  }
0x2fb: {  	s23 =	sld [smem:$0x7FA];
	p3 =	seq.s32 s20, $0x1;
	v60 =	vpsel !p2, $0x0, v52;
	v0 =	vadd.s32 v0, v59;
	v1 =	vadd.s32 v1, v56  }
0x2fc: {  	v61 =	vpsel !p3, $0x0, v53;
	p4 =	seq.s32 s21, $0x1;
	v0 =	vadd.s32 v0, v60;
	(xrf0) =	vadd.scan.msk.s32 $0xffff, v1  }
0x2fd: {  	p5 =	seq.s32 s22, $0x1;
	v62 =	vpsel !p4, $0x0, v54;
	s24 =	spop (v2sf);
	v0 =	vadd.s32 v0, v61  }
0x2fe: {  	p6 =	seq.s32 s23, $0x1;
	v63 =	vpsel !p5, $0x0, v55;
	s25 =	sadd.s32 s9, s24;
	v0 =	vadd.s32 v0, v62  }
0x2ff: {  	v2 =	vpsel !p6, $0x0, v2;
	v0 =	vadd.s32 v0, v63;
	v1 =	vsub.s32 s25, v1  }
0x300: {  	v3 =	vpsel !p0, $0x0, v3;
	v0 =	vadd.s32 v0, v2  }
0x301: {  	v0 =	vadd.s32 v0, v3  }
0x302: {  	v0 =	vadd.s32 v0, v1;
	v1, _, _ =	vpop (xrf0)  }
0x303: {  	s26 =	sadd.s32 $0x10, s10;
	v0 =	vadd.s32 v1, v0  }
0x304: {  	s28 =	simm.s32 $0x0;
	[tilespmem:s26+$0x0] =	vst v0  }
0x305: {  	v0 =	vld [tilespmem:s28+$0x0];
	_ =	sdelay $0x4  }
0x306: {  	v0 =	vshrl.u32 v0, $0x14  }
0x307: {  	v0 =	vand.u32 $0x3FF, v0  }
0x308: {  	(xrf1) =	vunique.msk.u32 $0xffff, v0;
	_ =	sdelay $0x4  }
0x309: {  	(v2sf) =	vpush v1, $0xF;
	_ =	sdelay $0x7  }
0x30a: {  	s9 =	simm.s32 $0xCF80  }
0x30b: {  	v1 =	vld.idx.msk [tilespmem:v0+s9+$0x0], $0xffff;
	_, v2, vm0 =	vpop (xrf1);
	_ =	sdelay $0x3  }
0x30c: {  	s29 =	sand.u32 $0x7E00, s6  }
0x30d: {  	s30 =	sand.u32 $0x70, s6;
	s10 =	sshrl.u32 s29, $0x2;
	v1 =	vadd.s32 v1, v2  }
0x30e: {  	s6 =	simm.s32 $0x40;
	s10 =	sor.u32 s30, s10;
	s31 =	spop (v2sf);
	[tilespmem:v0+s9+$0x0] =	vst.idx.msk vm0, v1;
	v0 =	vadd.s32 $0xFFFFFFFF, v1  }
.LBB2_29:
0x30f: {  	p0 =	sne.s32 s8, $0x18F0  }
0x310: {  	s12 =	sshra.s32 s6, $0x2;
	[tilespmem:s10+$0x11380] =	vst v0;
	s10 =	smov.u32 s8;
	s8 =	sadd.s32 $0x10, s8  }
0x311: {  	v0 =	vld [tilespmem:s12+$0x0];
	_ =	sdelay $0x4  }
0x312: {  	v0 =	vshrl.u32 v0, $0x14  }
0x313: {  	v0 =	vand.u32 $0x3FF, v0  }
0x314: {  	(xrf1) =	vunique.msk.u32 $0xffff, v0;
	_ =	sdelay $0xc  }
0x315: {  	v1 =	vld.idx.msk [tilespmem:v0+s9+$0x0], $0xffff  }
0x316: {  	_, v2, vm0 =	vpop (xrf1);
	_ =	sdelay $0x1  }
.Ltmp14:
0x317: {  	(pc) =	sbr.rel @p0 .LBB2_29-.Ltmp14, $4  }
0x318: {  	_ = 	snop  }
0x319: {  	s12 =	sand.u32 $0x7E00, s6  }
0x31a: {  	s13 =	sand.u32 $0x70, s7;
	s7 =	smov.u32 s10;
	s12 =	sshrl.u32 s12, $0x2;
	v1 =	vadd.s32 v1, v2  }
0x31b: {  	s6 =	sadd.s32 $0x40, s6;
	s10 =	sor.u32 s13, s12;
	[tilespmem:v0+s9+$0x0] =	vst.idx.msk vm0, v1;
	v0 =	vadd.s32 $0xFFFFFFFF, v1  }
0x31c: {  	s8 =	sshra.s32 s6, $0x2;
	[tilespmem:s10+$0x11380] =	vst v0  }
0x31d: {  	v0 =	vld [tilespmem:s8+$0x0];
	_ =	sdelay $0x4  }
0x31e: {  	v0 =	vshrl.u32 v0, $0x14  }
0x31f: {  	v0 =	vand.u32 $0x3FF, v0  }
0x320: {  	(xrf1) =	vunique.msk.u32 $0xffff, v0;
	_ =	sdelay $0xd  }
0x321: {  	v1 =	vld.idx.msk [tilespmem:v0+s9+$0x0], $0xffff;
	_, v2, vm0 =	vpop (xrf1);
	_ =	sdelay $0x3  }
0x322: {  	s16 =	sand.u32 $0x7E00, s6  }
0x323: {  	s7 =	sand.u32 $0x70, s7;
	s6 =	sshrl.u32 s16, $0x2;
	v1 =	vadd.s32 v1, v2  }
0x324: {  	s6 =	sor.u32 s7, s6;
	v63 =	vadd.s32 $0xFFFFFFFF, v1;
	[tilespmem:v0+s9+$0x0] =	vst.idx.msk vm0, v1  }
0x325: {  	s17 =	simm.s32 $0x11380;
	s18 =	simm.s32 $0x0;
	[tilespmem:s6+$0x11380] =	vst v63;
	s6 =	simm.s32 $0x80  }
0x326: {  	[spmem:s5] =	stream.indirect.scatter [tilespmem:s18], [sflag:$0x1], $0x1, s17, s6, $0xb8;
	[tilespmem:$0x19780] =	vst v63  }
0x327: {  	s19 =	simm.s32 $0x1900  }
0x328: {  	[spmem:s4] =	stream.indirect.scatter [tilespmem:s19], [sflag:$0x1], $0x1, s17, s6, $0xb8;
	[tilespmem:$0x19780] =	vst v63  }
0x329: {  	s20 =	simm.s32 $0x11400  }
0x32a: {  	[spmem:s5] =	stream.indirect.scatter [tilespmem:s6], [sflag:$0x1], $0x1, s20, s6, $0xb8;
	[tilespmem:$0x19780] =	vst v63  }
0x32b: {  	s21 =	simm.s32 $0x1980  }
0x32c: {  	[spmem:s4] =	stream.indirect.scatter [tilespmem:s21], [sflag:$0x1], $0x1, s20, s6, $0xb8;
	[tilespmem:$0x19780] =	vst v63  }
0x32d: {  	s22 =	simm.s32 $0x11480;
	s23 =	simm.s32 $0x100  }
0x32e: {  	[spmem:s5] =	stream.indirect.scatter [tilespmem:s23], [sflag:$0x1], $0x1, s22, s6, $0xb8;
	[tilespmem:$0x19780] =	vst v63  }
0x32f: {  	s24 =	simm.s32 $0x1A00  }
0x330: {  	[spmem:s4] =	stream.indirect.scatter [tilespmem:s24], [sflag:$0x1], $0x1, s22, s6, $0xb8;
	[tilespmem:$0x19780] =	vst v63  }
0x331: {  	s25 =	simm.s32 $0x11500;
	s26 =	simm.s32 $0x180  }
0x332: {  	[spmem:s5] =	stream.indirect.scatter [tilespmem:s26], [sflag:$0x1], $0x1, s25, s6, $0xb8;
	[tilespmem:$0x19780] =	vst v63  }
0x333: {  	s28 =	simm.s32 $0x1A80  }
0x334: {  	[spmem:s4] =	stream.indirect.scatter [tilespmem:s28], [sflag:$0x1], $0x1, s25, s6, $0xb8;
	[tilespmem:$0x19780] =	vst v63  }
0x335: {  	s29 =	simm.s32 $0x200;
	s30 =	simm.s32 $0x11580  }
0x336: {  	[spmem:s5] =	stream.indirect.scatter [tilespmem:s29], [sflag:$0x1], $0x1, s30, s6, $0xb8;
	[tilespmem:$0x19780] =	vst v63  }
0x337: {  	s31 =	simm.s32 $0x1B00;
	s7 =	simm.s32 $0x1  }
0x338: {  	[spmem:s4] =	stream.indirect.scatter [tilespmem:s31], [sflag:$0x1], $0x1, s30, s6, $0xb8;
	[tilespmem:$0x19780] =	vst v63  }
0x339: {  	_ =	swait.ge [sflag:s7], $0x80  }
0x33a: {  	[sflag:s7] =	ssyncset.done $0x0  }
0x33b: {  	[sflag:s7] =	ssyncadd.s32 $0xFFFFFF80  }
0x33c: {  	_ =	swait.ge [sflag:s7], $0x80  }
0x33d: {  	s8 =	simm.s32 $0x280;
	s9 =	simm.s32 $0xC00;
	[sflag:s7] =	ssyncset.done $0x0  }
.LBB2_31:
0x33e: {  	s10 =	sadd.s32 $0x11380, s8  }
0x33f: {  	[sflag:s7] =	ssyncadd.s32 $0xFFFFFF80;
	s12 =	smov.u32 s9;
	s13 =	sadd.s32 $0x200, s9  }
0x340: {  	[spmem:s5] =	stream.indirect.scatter [tilespmem:s8], [sflag:$0x1], $0x1, s10, s6, $0xb8;
	[tilespmem:$0x19780] =	vst v63  }
0x341: {  	p0 =	sne.s32 s9, $0x6200;
	s8 =	sadd.s32 $0x1900, s8  }
0x342: {  	[spmem:s4] =	stream.indirect.scatter [tilespmem:s8], [sflag:$0x1], $0x1, s10, s6, $0xb8;
	[tilespmem:$0x19780] =	vst v63  }
.Ltmp15:
0x343: {  	_ =	swait.ge [sflag:s7], $0x80;
	(pc) =	sbr.rel @p0 .LBB2_31-.Ltmp15, $4  }
0x344: {  	[sflag:s7] =	ssyncset.done $0x0  }
0x345: {  	[sflag:s7] =	ssyncadd.s32 $0xFFFFFF80  }
0x346: {  	_ =	swait.ge [sflag:s7], $0x80  }
0x347: {  	s9 =	smov.u32 s13;
	s8 =	sshra.s32 s12, $0x2;
	[sflag:s7] =	ssyncset.done $0x0  }
0x348: {  	s9 =	sadd.s32 $0x11380, s8;
	[sflag:s7] =	ssyncadd.s32 $0xFFFFFF80  }
0x349: {  	[spmem:s5] =	stream.indirect.scatter [tilespmem:s8], [sflag:$0x1], $0x1, s9, s6, $0xb8;
	[tilespmem:$0x19780] =	vst v63  }
0x34a: {  	s26 =	sadd.s32 $0x1900, s8  }
0x34b: {  	[spmem:s4] =	stream.indirect.scatter [tilespmem:s26], [sflag:$0x1], $0x1, s9, s6, $0xb8;
	[tilespmem:$0x19780] =	vst v63  }
0x34c: {  	_ =	swait.ge [sflag:s7], $0x80  }
0x34d: {  	[sflag:s7] =	ssyncset.done $0x0  }
0x34e: {  	[sflag:s7] =	ssyncadd.s32 $0xFFFFFF80  }
0x34f: {  	_ =	swait.ge [sflag:s7], $0x80  }
0x350: {  	[sflag:s7] =	ssyncset.done $0x0  }
0x351: {  	s28 =	simm.s32 $0x1;
	[sflag:s7] =	ssyncadd.s32 $0xFFFFFF80  }
0x352: {  	_ =	swait.ge [sflag:s28], $0x80  }
0x353: {  	[sflag:s28] =	ssyncset.done $0x0  }
0x354: {  	[sflag:s28] =	ssyncadd.s32 $0xFFFFFF80  }
0x355: {  	_ =	swait.ge [sflag:s28], $0x80  }
0x356: {  	[sflag:s28] =	ssyncset.done $0x0  }
0x357: {  	[sflag:s28] =	ssyncadd.s32 $0xFFFFFF80  }
0x358: {  	_ =	swait.ge [sflag:s28], $0x80  }
0x359: {  	[sflag:s28] =	ssyncset.done $0x0  }
0x35a: {  	[sflag:s28] =	ssyncadd.s32 $0xFFFFFF80  }
0x35b: {  	_ =	swait.ge [sflag:s28], $0x80  }
0x35c: {  	[sflag:s28] =	ssyncset.done $0x0  }
0x35d: {  	[sflag:s28] =	ssyncadd.s32 $0xFFFFFF80  }
0x35e: {  	_ =	swait.ge [sflag:s28], $0x80  }
0x35f: {  	[sflag:s28] =	ssyncset.done $0x0  }
0x360: {  	[sflag:s28] =	ssyncadd.s32 $0xFFFFFF80  }
0x361: {  	_ =	swait.ge [sflag:s28], $0x80  }
0x362: {  	[sflag:s28] =	ssyncset.done $0x0  }
0x363: {  	[sflag:s28] =	ssyncadd.s32 $0xFFFFFF80  }
0x364: {  	_ =	swait.ge [sflag:s28], $0x80  }
0x365: {  	[sflag:s28] =	ssyncset.done $0x0  }
0x366: {  	[sflag:s28] =	ssyncadd.s32 $0xFFFFFF80  }
0x367: {  	_ =	swait.ge [sflag:s28], $0x80  }
0x368: {  	s2 =	sadd.s32 s2, s3;
	[sflag:s28] =	ssyncset.done $0x0  }
0x369: {  	s29 =	sshll.u32 s1, $0x6;
	s30 =	sshrl.u32 s11, $0x3;
	[sflag:s28] =	ssyncadd.s32 $0xFFFFFF80  }
0x36a: {  	s31 =	simm.s32 $0x2;
	s3 =	sor.u32 $0x1C02, s29;
	[bflag:$0x0] =	sbarrier.arrive $0xFFFF  }
0x36b: {  	[hbm:s2], [sflag:s3] =	dma.local [spmem:s30], $0x320  }
0x36c: {  	_ =	swait.ge [sflag:s31], $0x320  }
0x36d: {  	[sflag:s31] =	ssyncset.done $0x0  }
0x36e: {  	[sflag:s31] =	ssyncadd.s32 $0xFFFFFCE0  }
0x36f: {  	_ =	sfence.sel $0x180000  }
0x370: {  	[bflag:$0x0] =	sbarrier.arrive $0xFFFF  }
0x371: {  	p0 =	sne.s32 s1, $0x0;
	_ =	strace $0x90000047  }
0x372: {  	s0 =	sadd.s32 @!p0 $0x100000, s0;
	[bflag:$0x2] =	sbarrier.arrive $0xFFFF  }
0x373: {  	[sflag:s0] =	ssyncadd.tile.s32 @!p0 $0x1;
	_ =	shalt  }
.Lfunc_end2:
_tile_overlayer_lowered:
.L_overlay_start_2:
0x374: {  	(tag) =	ssettag $0x2  }
0x375: {  	s0 =	rddreg [dreg:$0x0];
	s2 =	stileid.u32  }
0x376: {  	s1 =	rddreg [dreg:$0x1];
	p0 =	sne.s32 s2, $0x0  }
0x377: {  	s3 =	rddreg [dreg:$0x2];
	[bflag:$0x3] =	sbarrier.arrive $0xFFFF;
	s2 =	simm.s32 @!p0 $0x1C02  }
0x378: {  	[timem:s3], [sflag:s2] =	dma.local @!p0 [hbm:s0], s1  }
0x379: {  	s0 =	simm.s32 @!p0 $0x2  }
0x37a: {  	_ =	swait.ge @!p0 [sflag:s0], s1  }
0x37b: {  	s1 =	ssub.s32 @!p0 $0x0, s1;
	[sflag:s0] =	ssyncset.done @!p0 $0x0  }
0x37c: {  	[sflag:s0] =	ssyncadd.s32 @!p0 s1  }
0x37d: {  	[bflag:$0x3] =	sbarrier.arrive $0xFFFF  }
0x37e: {  	_ =	shalt  }

// kernel: kernel.9.cloned.1.call-start
scs
__scs_entry_jumppad:
0x0: {  	(pc) =	sbr.rel $0x88, $3  }
0x1: {  	(tag) =	ssettag $0x0;
	lr =	simm.s32 $0x1  }
0x2: {  	[smem:$0x3F9D] =	sst lr;
	_ =	strace $0xD0000000  }
0x3: {  	_ = 	snop  }
0x4: {  	_ = 	snop  }
0x5: {  	_ = 	snop  }
0x6: {  	_ = 	snop  }
0x7: {  	_ = 	snop  }
__scs_overlays_trampoline_lowered:
0x8: {  	[smem:$0x3FAC] =	sst s0  }
0x9: {  	[smem:$0x3FAD] =	sst s1  }
0xa: {  	[smem:$0x3FAE] =	sst s2  }
0xb: {  	[smem:$0x3FAF] =	sst s3  }
0xc: {  	[smem:$0x3FB0] =	sst s4  }
0xd: {  	[smem:$0x3FB1] =	sst s5  }
0xe: {  	[smem:$0x3FB2] =	sst s6  }
0xf: {  	[smem:$0x3FB3] =	sst s7  }
0x10: {  	[smem:$0x3FB4] =	sst s8  }
0x11: {  	[smem:$0x3FB5] =	sst s9;
	s0 =	simm.s32 @!p0 $0x0  }
0x12: {  	s1 =	sld [smem:$0x3F9B];
	s0 =	simm.s32 @p0 $0x1  }
0x13: {  	[smem:$0x3FB6] =	sst s0;
	s0 =	simm.s32 @!p1 $0x0  }
0x14: {  	s2 =	sld [smem:$0x3F9A];
	s0 =	simm.s32 @p1 $0x1  }
0x15: {  	[smem:$0x3FB7] =	sst s0;
	s0 =	simm.s32 @!p2 $0x0  }
0x16: {  	s3 =	sld [smem:$0x3FDB];
	s0 =	simm.s32 @p2 $0x1  }
0x17: {  	s4 =	simm.s32 $0x1BF5;
	[smem:$0x3FB9] =	sst s0  }
0x18: {  	s0 =	sld [smem:$0x3F9C];
	_ =	swait.ge [sflag:s4], $0x0  }
0x19: {  	s7 =	sld [smem:$0x3F9D]  }
0x1a: {  	s8 =	sadd.s32 $0xFFFFE003, lr  }
0x1b: {  	s9 =	sadd.s32 $0xFFFFFEF7, lr;
	s5 =	simm.s32 $0xFFFFFFFF;
	p2 =	slt.u32 s8, $0xFFFFF086  }
0x1c: {  	p1 =	slt.u32 s9, $0xF7A;
	s5 =	simm.s32 @!p2 $0x0  }
0x1d: {  	s5 =	simm.s32 @p1 $0x1;
	p0 =	seq.s32 s7, s2  }
0x1e: {  	s7 =	smul.u32 @!p0 $0xF7A, s2;
	p2 =	seq.s32 @!p0 s5, $0x0  }
0x1f: {  	s9 =	smul.u32 $0xF7A, s1;
	s8 =	simm.s32 @!p0 $0x1BF5;
	p2 =	por !p2, p0  }
0x20: {  	[sflag:s8] =	ssyncset.s32 @!p0 $0xFFFFF086;
	s6 =	sadd.s32 @!p0 s3, s7;
	s7 =	simm.s32 @!p0 $0x108  }
0x21: {  	s3 =	sadd.s32 s3, s9;
	s6 =	sadd.s32 @!p0 $0x88, s6;
	s7 =	simm.s32 @p2 $0x1082  }
0x22: {  	[simem:s7], [sflag:s8] =	dma.local @!p0 [hbm:s6], $0xF7A  }
0x23: {  	s9 =	sor.u32 $0xD0000000, s2;
	s6 =	simm.s32 $0x108;
	_ =	swait.ge @!p0 [sflag:s8], $0x0  }
0x24: {  	s3 =	sadd.s32 $0x88, s3;
	s6 =	simm.s32 @!p1 $0x1082;
	[sflag:s4] =	ssyncset.s32 $0xFFFFF086  }
0x25: {  	[simem:s6], [sflag:s4] =	dma.local [hbm:s3], $0xF7A  }
0x26: {  	[smem:$0x3F9D] =	sst s1;
	(tag) =	ssettag s2;
	_ =	strace s9  }
0x27: {  	s1 =	sld [smem:$0x3FAD]  }
0x28: {  	s2 =	sld [smem:$0x3FAE]  }
0x29: {  	s4 =	sld [smem:$0x3FB0]  }
0x2a: {  	p0 =	seq.s32 s5, $0x0;
	s5 =	sld [smem:$0x3FB1]  }
0x2b: {  	s6 =	sld [smem:$0x3FB2]  }
0x2c: {  	s7 =	sld [smem:$0x3FB3]  }
0x2d: {  	s3 =	simm.s32 $0x108;
	s8 =	sld [smem:$0x3FB4]  }
0x2e: {  	s3 =	simm.s32 @!p0 $0x1082;
	s9 =	sld [smem:$0x3FB5]  }
0x2f: {  	lr =	sadd.s32 s0, s3;
	s0 =	sld [smem:$0x3FAC]  }
0x30: {  	s3 =	sld [smem:$0x3FAF]  }
0x31: {  	[smem:$0x3FB8] =	sst s10  }
0x32: {  	s10 =	sld [smem:$0x3FB6];
	_ =	sdelay $0x3  }
0x33: {  	p0 =	seq.s32 s10, $0x1;
	s10 =	sld [smem:$0x3FB8];
	_ =	sdelay $0x3  }
0x34: {  	[smem:$0x3FB8] =	sst s10  }
0x35: {  	s10 =	sld [smem:$0x3FB7];
	_ =	sdelay $0x3  }
0x36: {  	p1 =	seq.s32 s10, $0x1;
	s10 =	sld [smem:$0x3FB8];
	_ =	sdelay $0x3  }
0x37: {  	[smem:$0x3FB8] =	sst s10  }
0x38: {  	s10 =	sld [smem:$0x3FB9]  }
0x39: {  	_ = 	snop;
	(pc) =	sbr.ind lr, $3  }
0x3a: {  	_ = 	snop  }
0x3b: {  	_ = 	snop  }
0x3c: {  	p2 =	seq.s32 s10, $0x1;
	s10 =	sld [smem:$0x3FB8]  }
0x3d: {  	_ =	shalt  }
0x3e: {  	_ =	shalt  }
0x3f: {  	_ =	shalt  }
0x40: {  	_ =	shalt  }
0x41: {  	_ =	shalt  }
0x42: {  	_ =	shalt  }
0x43: {  	_ =	shalt  }
0x44: {  	_ =	shalt  }
0x45: {  	_ =	shalt  }
0x46: {  	_ =	shalt  }
0x47: {  	_ =	shalt  }
0x48: {  	_ =	shalt  }
0x49: {  	_ =	shalt  }
0x4a: {  	_ =	shalt  }
0x4b: {  	_ =	shalt  }
0x4c: {  	_ =	shalt  }
0x4d: {  	_ =	shalt  }
0x4e: {  	_ =	shalt  }
0x4f: {  	_ =	shalt  }
0x50: {  	_ =	shalt  }
0x51: {  	_ =	shalt  }
0x52: {  	_ =	shalt  }
0x53: {  	_ =	shalt  }
0x54: {  	_ =	shalt  }
0x55: {  	_ =	shalt  }
0x56: {  	_ =	shalt  }
0x57: {  	_ =	shalt  }
0x58: {  	_ =	shalt  }
0x59: {  	_ =	shalt  }
0x5a: {  	_ =	shalt  }
0x5b: {  	_ =	shalt  }
0x5c: {  	_ =	shalt  }
0x5d: {  	_ =	shalt  }
0x5e: {  	_ =	shalt  }
0x5f: {  	_ =	shalt  }
0x60: {  	_ =	shalt  }
0x61: {  	_ =	shalt  }
0x62: {  	_ =	shalt  }
0x63: {  	_ =	shalt  }
0x64: {  	_ =	shalt  }
0x65: {  	_ =	shalt  }
0x66: {  	_ =	shalt  }
0x67: {  	_ =	shalt  }
0x68: {  	_ =	shalt  }
0x69: {  	_ =	shalt  }
0x6a: {  	_ =	shalt  }
0x6b: {  	_ =	shalt  }
0x6c: {  	_ =	shalt  }
0x6d: {  	_ =	shalt  }
0x6e: {  	_ =	shalt  }
0x6f: {  	_ =	shalt  }
0x70: {  	_ =	shalt  }
0x71: {  	_ =	shalt  }
0x72: {  	_ =	shalt  }
0x73: {  	_ =	shalt  }
0x74: {  	_ =	shalt  }
0x75: {  	_ =	shalt  }
0x76: {  	_ =	shalt  }
0x77: {  	_ =	shalt  }
0x78: {  	_ =	shalt  }
0x79: {  	_ =	shalt  }
0x7a: {  	_ =	shalt  }
0x7b: {  	_ =	shalt  }
0x7c: {  	_ =	shalt  }
0x7d: {  	_ =	shalt  }
0x7e: {  	_ =	shalt  }
0x7f: {  	_ =	shalt  }
0x80: {  	_ =	shalt  }
0x81: {  	_ =	shalt  }
0x82: {  	_ =	shalt  }
0x83: {  	_ =	shalt  }
0x84: {  	_ =	shalt  }
0x85: {  	_ =	shalt  }
0x86: {  	_ =	shalt  }
0x87: {  	_ =	shalt  }
.Lfunc_end0:
.L_simem_size_0:
called_computation.1_lowered:
.L_overlay_start_0:
0x88: {  	s2 =	sld [smem:$0x3FD9]  }
0x89: {  	s3 =	sld [smem:$0x3FFE];
	_ =	sdelay $0x1  }
0x8a: {  	s1 =	srdreg.scid  }
0x8b: {  	s0 =	sand.u32 $0x1, s1  }
0x8c: {  	s14 =	sshll.u32 s0, $0xA;
	s2 =	sadd.s32 s3, s2  }
0x8d: {  	s2 =	sadd.s32 s2, s14  }
0x8e: {  	[smem:$0x3FC4] =	sst s2  }
0x8f: {  	_ = 	snop  }
0x90: {  	s2 =	sld [smem:$0x3FD0];
	_ =	sdelay $0x2  }
0x91: {  	s15 =	simm.s32 $0xA;
	s4 =	simm.s32 $0x10  }
0x92: {  	[smem:s4], [sflag:s15] =	dma.local [hbm:s2], $0x1  }
0x93: {  	_ =	swait.eq [sflag:s15], $0x1  }
0x94: {  	[sflag:s15] =	ssyncset.done $0x0  }
0x95: {  	[sflag:s15] =	ssyncadd.s32 $0xFFFFFFFF  }
0x96: {  	s16 =	sld [smem:$0x13];
	(tm) =	ssettm $0x1  }
0x97: {  	s17 =	sld [smem:$0x3FFB];
	_ =	sdelay $0x3  }
0x98: {  	_ =	strace s17  }
0x99: {  	s3 =	sld [smem:$0x3FFC];
	_ =	sdelay $0x3  }
0x9a: {  	_ =	strace s3  }
0x9b: {  	s3 =	sld [smem:$0x3FFD];
	_ =	sdelay $0x3  }
0x9c: {  	_ =	strace s3  }
0x9d: {  	_ =	strace $0x8FFFFFFF  }
0x9e: {  	s18 =	sld [smem:$0x3FDB];
	_ =	sdelay $0x1  }
0x9f: {  	s19 =	simm.s32 $_scs_section_size  }
0xa0: {  	s5 =	simm.s32 $_size__tile_overlayer_lowered;
	s6 =	simm.s32 $_tile_overlayer_lowered  }
0xa1: {  	s22 =	simm.s32 $0x1BFF;
	s21 =	sshll.u32 s6, $0x1;
	s3 =	sadd.s32 s19, s18  }
0xa2: {  	s7 =	simm.s32 $0x0;
	s20 =	sshll.u32 s5, $0x1;
	s5 =	sadd.s32 s21, s3  }
0xa3: {  	[timem:s7], [sflag:s22] =	dma.local [hbm:s5], s20  }
0xa4: {  	_ =	swait.ge [sflag:s22], s20  }
0xa5: {  	s4 =	ssub.s32 $0x0, s20;
	[sflag:s22] =	ssyncset.done $0x0  }
0xa6: {  	[sflag:s22] =	ssyncadd.s32 s4;
	_ =	sdelay $0x1  }
0xa7: {  	s23 =	simm.s32 $0x1B8B  }
0xa8: {  	_ =	swait.ge [sflag:s23], $0x1  }
0xa9: {  	[sflag:s23] =	ssyncset.done $0x0  }
0xaa: {  	s25 =	simm.s32 $0x1B8E;
	s24 =	sld [smem:$0x3FFE];
	[sflag:s23] =	ssyncadd.s32 $0xFFFFFFFF  }
0xab: {  	s26 =	simm.s32 $execute0_lowered;
	[smem:$0x3FD2] =	sst s25  }
0xac: {  	s5 =	sshll.u32 s26, $0x1;
	_ =	strace $0x80000049;
	[dreg:$0x1] =	wrdreg $0xFFFFFFFF  }
0xad: {  	s28 =	simm.s32 $_size_execute0_lowered;
	s3 =	sadd.s32 s3, s5;
	[dreg:$0x0] =	wrdreg $0x0  }
0xae: {  	s5 =	sshll.u32 s28, $0x1;
	[dreg:$0x2] =	wrdreg s3  }
0xaf: {  	[dreg:$0x3] =	wrdreg s5  }
0xb0: {  	[dreg:$0x4] =	wrdreg $0xC0  }
0xb1: {  	_ =	task [dreg:s7], $0x5FFFF  }
0xb2: {  	[dreg:$0x1] =	wrdreg $0xFFFFFFFF  }
0xb3: {  	[dreg:$0x0] =	wrdreg $0x60  }
0xb4: {  	[dreg:$0x2] =	wrdreg s24  }
0xb5: {  	[dreg:$0x3] =	wrdreg s16  }
0xb6: {  	[dreg:$0x4] =	wrdreg $0x72000  }
0xb7: {  	[dreg:$0x5] =	wrdreg $0x8B000  }
0xb8: {  	[dreg:$0x6] =	wrdreg $0xA4000  }
0xb9: {  	[dreg:$0x7] =	wrdreg $0x9  }
0xba: {  	_ =	task.clear_ibuf [dreg:s7], $0x8FFFF;
	_ =	strace $0x90000049  }
0xbb: {  	s29 =	simm.s32 $0x9;
	_ =	strace $0x8000004B  }
0xbc: {  	_ =	swait.ge [sflag:s29], $0x1  }
0xbd: {  	[sflag:s29] =	ssyncadd.s32 $0xFFFFFFFF  }
0xbe: {  	_ =	strace $0x9000004B  }
0xbf: {  	_ =	sfence  }
0xc0: {  	s30 =	sld [smem:$0x0];
	_ =	sdelay $0x2  }
0xc1: {  	s31 =	sshll.u32 s1, $0xD;
	s1 =	sshrl.u32 s1, $0x2  }
0xc2: {  	s3 =	sand.u32 $0x4000, s31;
	s1 =	sadd.s32 s1, s30  }
0xc3: {  	s0 =	sor.u32 s3, s0;
	s1 =	sshll.u32 s1, $0x11  }
0xc4: {  	s0 =	sor.u32 s1, s0  }
0xc5: {  	s0 =	sadd.s32 $0x8F2B, s0  }
0xc6: {  	[sflag:s0] =	ssyncadd.remote.s32 $0x1  }
0xc7: {  	_ =	sfence.sel $0xFFFF  }
0xc8: {  	[dreg:$0x0] =	wrdreg $0xFFFFFFFF;
	(pc) =	sbr.abs _section_cstart, $3  }
0xc9: {  	[dreg:$0x1] =	wrdreg $0xFFFFFFFF  }
0xca: {  	_ =	task.clear_ibuf [dreg:s7], $0x2FFFF;
	_ =	strace $0x9FFFFFFF  }
0xcb: {  	(tm) =	ssettm $0x7FFFFFFF  }
tec
execute0_lowered:
.L_overlay_start_1:
0x0: {  	(tag) =	ssettag $0x1  }
0x1: {  	s0 =	rddreg [dreg:$0x0]  }
0x2: {  	s1 =	rddreg [dreg:$0x1]  }
0x3: {  	s2 =	rddreg [dreg:$0x2]  }
0x4: {  	s3 =	rddreg [dreg:$0x3]  }
0x5: {  	s4 =	rddreg [dreg:$0x4]  }
0x6: {  	s18 =	stileid.u32;
	s5 =	simm.s32 $0x0;
	s6 =	srdreg.scid  }
0x7: {  	s28 =	simm.s32 $0x5900;
	s29 =	simm.s32 $0x6580;
	s30 =	simm.s32 $0xC80  }
0x8: {  	s31 =	simm.s32 $0x3;
	s8 =	smul.u32 $0x1900, s18;
	[smem:$0x7FF] =	sst s5  }
0x9: {  	s10 =	sand.u32 $0x1, s6;
	s6 =	sadd.s32 $0x63800, s0;
	s13 =	sshll.u32 s18, $0x1  }
0xa: {  	s15 =	sor.u32 s10, s13;
	s13 =	sshll.u32 s18, $0x6;
	s18 =	smul.u32 $0x64000, s18  }
0xb: {  	_ =	strace $0x8000004A;
	s9 =	ssub.s32 $0x2, s10;
	s10 =	smul.u32 $0x32000, s10  }
0xc: {  	s7 =	sshrl.u32 s8, $0x3;
	s12 =	sshrl.u32 s9, $0x1;
	s16 =	sadd.s32 s8, s2  }
0xd: {  	s23 =	sadd.s32 s8, s3;
	s8 =	sadd.s32 s8, s4;
	s20 =	smul.u32 $0x32000, s15  }
0xe: {  	p0 =	seq.s32 s15, $0x1F;
	s11 =	sadd.s32 s7, s0;
	s7 =	sadd.s32 $0x126E00, s0  }
0xf: {  	s14 =	ssub.s32 s9, s12;
	s9 =	sor.u32 $0x1C04, s13;
	s12 =	simm.s32 $0x6  }
0x10: {  	s25 =	sadd.s32 s10, s18;
	s23 =	sshrl.u32 s23, $0x3;
	s17 =	sadd.s32 $0x5D400, s11  }
0x11: {  	s19 =	sadd.s32 $0x60600, s11;
	s11 =	sadd.s32 $0x3200, s11;
	s12 =	simm.s32 @!p0 $0x19  }
0x12: {  	s24 =	sshrl.u32 s20, $0x3;
	s26 =	smax.u32 s14, $0x1;
	[dreg:$0x6] =	wrdreg s17  }
0x13: {  	s20 =	sadd.s32 $0x2000, s25;
	p0 =	sne.s32 s15, $0x1F;
	[dreg:$0x7] =	wrdreg s19  }
0x14: {  	s25 =	simm.s32 $0x80;
	s17 =	smul.u32 $0x190, s15;
	[dreg:$0x8] =	wrdreg s11  }
0x15: {  	[dreg:$0xd] =	wrdreg s26;
	s19 =	sadd.s32 s7, s24;
	s24 =	sshrl.u32 s8, $0x3  }
0x16: {  	s26 =	simm.s32 $0x4C80;
	s8 =	simm.s32 $0x0;
	s1 =	sadd.s32 s1, s17  }
0x17: {  	s13 =	sadd.s32 s0, s17;
	s0 =	sadd.s32 $0x1EA200, s0;
	[dreg:$0x9] =	wrdreg s1  }
0x18: {  	s21 =	sadd.s32 $0x6400, s13;
	s22 =	sadd.s32 $0x9600, s13;
	[dreg:$0xc] =	wrdreg s0  }
0x19: {  	s1 =	simm.s32 $0x1;
	s0 =	simm.s32 $0x2;
	[dreg:$0xa] =	wrdreg s21  }
0x1a: {  	[dreg:$0xb] =	wrdreg s22;
	s21 =	sshrl.u32 s16, $0x3;
	s22 =	simm.s32 $0x4  }
.LBB2_1:
0x1b: {  	s10 =	rddreg [dreg:$0x6]  }
0x1c: {  	[spmem:s21], [sflag:s9] =	dma.local [hbm:s10], $0x320  }
0x1d: {  	_ =	swait.ge [sflag:s22], $0x320  }
0x1e: {  	[sflag:s22] =	ssyncset.done $0x0  }
0x1f: {  	s17 =	rddreg [dreg:$0x7];
	[sflag:s22] =	ssyncadd.s32 $0xFFFFFCE0  }
0x20: {  	[spmem:s23], [sflag:s9] =	dma.local [hbm:s17], $0x320  }
0x21: {  	_ =	swait.ge [sflag:s22], $0x320  }
0x22: {  	[sflag:s22] =	ssyncset.done $0x0  }
0x23: {  	s18 =	rddreg [dreg:$0x8];
	[sflag:s22] =	ssyncadd.s32 $0xFFFFFCE0  }
0x24: {  	[spmem:s24], [sflag:s9] =	dma.local [hbm:s18], $0x320  }
0x25: {  	_ =	swait.ge [sflag:s22], $0x320  }
0x26: {  	[sflag:s22] =	ssyncset.done $0x0  }
0x27: {  	[sflag:s22] =	ssyncadd.s32 $0xFFFFFCE0  }
0x28: {  	[tilespmem:s5], [sflag:$0x4] =	stream.linear.gather [hbm4b:s13+s5], $0xC80, $0x38;
	[tilespmem:$0xBD00] =	vst v63  }
0x29: {  	_ =	swait.ge [sflag:s22], $0xC80  }
0x2a: {  	[sflag:s22] =	ssyncset.done $0x0  }
0x2b: {  	[sflag:s22] =	ssyncadd.s32 $0xFFFFF380  }
0x2c: {  	[bflag:$0x0] =	sbarrier.arrive $0xFFFF  }
0x2d: {  	[tilespmem:s26], [sflag:$0x1] =	stream.indirect.gather [spmem:s2], $0x1, s5, s25, $0xb8;
	[tilespmem:$0xBD00] =	vst v63  }
0x2e: {  	_ = 	snop  }
0x2f: {  	[tilespmem:s28], [sflag:$0x1] =	stream.indirect.gather [spmem:s3], $0x1, s5, s25, $0xb8;
	[tilespmem:$0xBD00] =	vst v63  }
0x30: {  	_ = 	snop  }
0x31: {  	[tilespmem:s29], [sflag:$0x1] =	stream.indirect.gather [spmem:s4], $0x1, s5, s25, $0xb8;
	[tilespmem:$0xBD00] =	vst v63  }
0x32: {  	s11 =	simm.s32 $0x4D00  }
0x33: {  	[tilespmem:s11], [sflag:$0x1] =	stream.indirect.gather [spmem:s2], $0x1, s25, s25, $0xb8;
	[tilespmem:$0xBD00] =	vst v63  }
0x34: {  	s14 =	simm.s32 $0x5980  }
0x35: {  	[tilespmem:s14], [sflag:$0x1] =	stream.indirect.gather [spmem:s3], $0x1, s25, s25, $0xb8;
	[tilespmem:$0xBD00] =	vst v63  }
0x36: {  	s15 =	simm.s32 $0x6600  }
0x37: {  	[tilespmem:s15], [sflag:$0x1] =	stream.indirect.gather [spmem:s4], $0x1, s25, s25, $0xb8;
	[tilespmem:$0xBD00] =	vst v63  }
0x38: {  	s16 =	simm.s32 $0x100;
	s11 =	simm.s32 $0x4D80  }
0x39: {  	[tilespmem:s11], [sflag:$0x1] =	stream.indirect.gather [spmem:s2], $0x1, s16, s25, $0xb8;
	[tilespmem:$0xBD00] =	vst v63  }
0x3a: {  	s17 =	simm.s32 $0x5A00  }
0x3b: {  	[tilespmem:s17], [sflag:$0x1] =	stream.indirect.gather [spmem:s3], $0x1, s16, s25, $0xb8;
	[tilespmem:$0xBD00] =	vst v63  }
0x3c: {  	s18 =	simm.s32 $0x6680  }
0x3d: {  	[tilespmem:s18], [sflag:$0x1] =	stream.indirect.gather [spmem:s4], $0x1, s16, s25, $0xb8;
	[tilespmem:$0xBD00] =	vst v63  }
0x3e: {  	_ =	swait.ge [sflag:s1], $0x80  }
0x3f: {  	[sflag:s1] =	ssyncset.done $0x0  }
0x40: {  	[sflag:s1] =	ssyncadd.s32 $0xFFFFFF80  }
0x41: {  	_ =	swait.ge [sflag:s1], $0x80  }
0x42: {  	[sflag:s1] =	ssyncset.done $0x0  }
0x43: {  	[sflag:s1] =	ssyncadd.s32 $0xFFFFFF80  }
0x44: {  	_ =	swait.ge [sflag:s1], $0x80  }
0x45: {  	s10 =	simm.s32 $0x180;
	s11 =	simm.s32 $0x800;
	[sflag:s1] =	ssyncset.done $0x0  }
.LBB2_2:
0x46: {  	s14 =	sadd.s32 $0x4C80, s10  }
0x47: {  	[sflag:s1] =	ssyncadd.s32 $0xFFFFFF80;
	s15 =	smov.u32 s11;
	s16 =	sadd.s32 $0x200, s11  }
0x48: {  	[tilespmem:s14], [sflag:$0x1] =	stream.indirect.gather [spmem:s2], $0x1, s10, s25, $0xb8;
	[tilespmem:$0xBD00] =	vst v63  }
0x49: {  	p1 =	sne.s32 s11, $0x3000;
	s11 =	sadd.s32 $0x5900, s10  }
0x4a: {  	[tilespmem:s11], [sflag:$0x1] =	stream.indirect.gather [spmem:s3], $0x1, s10, s25, $0xb8;
	[tilespmem:$0xBD00] =	vst v63  }
0x4b: {  	s11 =	sadd.s32 $0x6580, s10  }
0x4c: {  	[tilespmem:s11], [sflag:$0x1] =	stream.indirect.gather [spmem:s4], $0x1, s10, s25, $0xb8;
	[tilespmem:$0xBD00] =	vst v63  }
0x4d: {  	_ =	swait.ge [sflag:s1], $0x80  }
0x4e: {  	[sflag:s1] =	ssyncset.done $0x0  }
0x4f: {  	[sflag:s1] =	ssyncadd.s32 $0xFFFFFF80  }
.Ltmp0:
0x50: {  	_ =	swait.ge [sflag:s1], $0x80;
	(pc) =	sbr.rel @p1 .LBB2_2-.Ltmp0, $4  }
0x51: {  	[sflag:s1] =	ssyncset.done $0x0  }
0x52: {  	[sflag:s1] =	ssyncadd.s32 $0xFFFFFF80  }
0x53: {  	_ =	swait.ge [sflag:s1], $0x80  }
0x54: {  	s10 =	sshra.s32 s15, $0x2;
	s11 =	smov.u32 s16;
	[sflag:s1] =	ssyncset.done $0x0  }
0x55: {  	s11 =	sadd.s32 $0x4C80, s10;
	[sflag:s1] =	ssyncadd.s32 $0xFFFFFF80  }
0x56: {  	[tilespmem:s11], [sflag:$0x1] =	stream.indirect.gather [spmem:s2], $0x1, s10, s25, $0xb8;
	[tilespmem:$0xBD00] =	vst v63  }
0x57: {  	s15 =	sadd.s32 $0x5900, s10  }
0x58: {  	[tilespmem:s15], [sflag:$0x1] =	stream.indirect.gather [spmem:s3], $0x1, s10, s25, $0xb8;
	[tilespmem:$0xBD00] =	vst v63  }
0x59: {  	s16 =	sadd.s32 $0x6580, s10  }
0x5a: {  	[tilespmem:s16], [sflag:$0x1] =	stream.indirect.gather [spmem:s4], $0x1, s10, s25, $0xb8;
	[tilespmem:$0xBD00] =	vst v63  }
0x5b: {  	_ =	swait.ge [sflag:s1], $0x80  }
0x5c: {  	[sflag:s1] =	ssyncset.done $0x0  }
0x5d: {  	[sflag:s1] =	ssyncadd.s32 $0xFFFFFF80  }
0x5e: {  	_ =	swait.ge [sflag:s1], $0x80  }
0x5f: {  	[sflag:s1] =	ssyncset.done $0x0  }
0x60: {  	[sflag:s1] =	ssyncadd.s32 $0xFFFFFF80  }
0x61: {  	_ =	swait.ge [sflag:s1], $0x80  }
0x62: {  	[sflag:s1] =	ssyncset.done $0x0  }
0x63: {  	[sflag:s1] =	ssyncadd.s32 $0xFFFFFF80  }
0x64: {  	[tilespmem:s30], [sflag:$0x2] =	stream.indirect.gather [hbm4b:s6+s25], $0x40, s5, s25, $0xb8;
	[tilespmem:$0xBD00] =	vst v63  }
0x65: {  	s17 =	simm.s32 $0x2C80  }
0x66: {  	[tilespmem:s17], [sflag:$0x2] =	stream.indirect.gather [hbm4b:s6+s25], $0x40, s25, s25, $0xb8;
	[tilespmem:$0xBD00] =	vst v63  }
0x67: {  	_ =	swait.ge [sflag:s0], $0x2000  }
0x68: {  	s18 =	simm.s32 $0x1;
	[sflag:s0] =	ssyncset.done $0x0  }
0x69: {  	p1 =	sle.u32 s12, $0x2;
	s14 =	sand.u32 $0x1, s18;
	[sflag:s0] =	ssyncadd.s32 $0xFFFFE000  }
0x6a: {  	[hbm4b:s19+s5] =	stream.linear.scatter [tilespmem:s30], [sflag:$0x3], $0x2000, $0x38;
	[tilespmem:$0xBD00] =	vst v63  }
0x6b: {  	s15 =	sshll.u32 @!p1 s14, $0xD;
	_ =	swait.ge [sflag:s31], $0x2000  }
0x6c: {  	s11 =	simm.s32 $0x100;
	s15 =	sxor.u32 @!p1 $0x2000, s15;
	[sflag:s31] =	ssyncset.done $0x0  }
0x6d: {  	s16 =	sor.u32 @!p1 $0xC80, s15;
	s17 =	simm.s32 @!p1 $0x80;
	[sflag:s31] =	ssyncadd.s32 $0xFFFFE000  }
0x6e: {  	[tilespmem:s16], [sflag:$0x2] =	stream.indirect.gather @!p1 [hbm4b:s6+s17], $0x40, s11, s17, $0xb8;
	[tilespmem:$0xBD00] =	vst v63  }
0x6f: {  	p1 =	sne.s32 s12, $0x2  }
.Ltmp1:
0x70: {  	_ = 	snop;
	(pc) =	sbr.rel @!p1 .LBB2_5-.Ltmp1, $4  }
0x71: {  	_ = 	snop  }
0x72: {  	s14 =	sshll.u32 s14, $0xD;
	s10 =	simm.s32 $0x2  }
0x73: {  	s15 =	sor.u32 $0xC80, s14;
	s14 =	simm.s32 $0x180;
	_ =	swait.ge [sflag:s0], $0x2000  }
0x74: {  	s11 =	sadd.s32 $0x2000, s20;
	s16 =	sshrl.u32 s20, $0x3;
	[sflag:s0] =	ssyncset.done $0x0  }
.LBB2_4:
0x75: {  	[sflag:s0] =	ssyncadd.s32 $0xFFFFE000;
	s16 =	sadd.s32 s7, s16  }
0x76: {  	s17 =	smov.u32 s10;
	s10 =	sadd.s32 $0x1, s10;
	s18 =	smov.u32 s11  }
0x77: {  	[hbm4b:s16+s5] =	stream.linear.scatter [tilespmem:s15], [sflag:$0x3], $0x2000, $0x38;
	[tilespmem:$0xBD00] =	vst v63  }
0x78: {  	s15 =	sand.u32 $0x1, s17;
	p1 =	sge.u32 s10, s12;
	_ =	swait.ge [sflag:s31], $0x2000  }
0x79: {  	s16 =	sshll.u32 @!p1 s15, $0xD;
	s15 =	sshll.u32 s15, $0xD;
	[sflag:s31] =	ssyncset.done $0x0  }
0x7a: {  	s16 =	sxor.u32 @!p1 $0x2000, s16;
	[sflag:s31] =	ssyncadd.s32 $0xFFFFE000  }
0x7b: {  	s17 =	simm.s32 @!p1 $0x80;
	s15 =	sor.u32 $0xC80, s15;
	s16 =	sor.u32 @!p1 $0xC80, s16  }
0x7c: {  	[tilespmem:s16], [sflag:$0x2] =	stream.indirect.gather @!p1 [hbm4b:s6+s17], $0x40, s14, s17, $0xb8;
	[tilespmem:$0xBD00] =	vst v63  }
0x7d: {  	p1 =	sne.s32 s12, s10  }
.Ltmp2:
0x7e: {  	_ = 	snop;
	(pc) =	sbr.rel @p1 .LBB2_4-.Ltmp2, $3  }
0x7f: {  	_ =	sdelay $0x1  }
0x80: {  	s11 =	sadd.s32 $0x2000, s11;
	_ =	swait.ge [sflag:s0], $0x2000  }
0x81: {  	s16 =	sshrl.u32 s18, $0x3;
	s14 =	sadd.s32 $0x80, s14;
	[sflag:s0] =	ssyncset.done $0x0  }
.LBB2_5:
0x82: {  	[sflag:s0] =	ssyncadd.s32 $0xFFFFE000;
	s10 =	sadd.s32 s7, s16  }
0x83: {  	[hbm4b:s10+s5] =	stream.linear.scatter [tilespmem:s15], [sflag:$0x3], $0x2000, $0x38;
	[tilespmem:$0xBD00] =	vst v63  }
0x84: {  	_ =	swait.ge [sflag:s31], $0x2000  }
0x85: {  	[sflag:s31] =	ssyncset.done $0x0  }
0x86: {  	[sflag:s31] =	ssyncadd.s32 $0xFFFFE000  }
0x87: {  	_ =	swait.ge [sflag:s1], $0x80  }
0x88: {  	[sflag:s1] =	ssyncset.done $0x0  }
0x89: {  	[sflag:s1] =	ssyncadd.s32 $0xFFFFFF80  }
0x8a: {  	_ =	swait.ge [sflag:s1], $0x80  }
0x8b: {  	[sflag:s1] =	ssyncset.done $0x0  }
0x8c: {  	[sflag:s1] =	ssyncadd.s32 $0xFFFFFF80  }
0x8d: {  	_ =	swait.ge [sflag:s1], $0x80  }
0x8e: {  	[sflag:s1] =	ssyncset.done $0x0  }
0x8f: {  	[sflag:s1] =	ssyncadd.s32 $0xFFFFFF80  }
0x90: {  	_ =	swait.ge [sflag:s1], $0x80  }
0x91: {  	[sflag:s1] =	ssyncset.done $0x0  }
0x92: {  	[sflag:s1] =	ssyncadd.s32 $0xFFFFFF80  }
0x93: {  	_ =	swait.ge [sflag:s1], $0x80  }
0x94: {  	[sflag:s1] =	ssyncset.done $0x0  }
0x95: {  	[sflag:s1] =	ssyncadd.s32 $0xFFFFFF80  }
0x96: {  	_ =	swait.ge [sflag:s1], $0x80  }
0x97: {  	[sflag:s1] =	ssyncset.done $0x0  }
0x98: {  	s15 =	rddreg [dreg:$0x9];
	[sflag:s1] =	ssyncadd.s32 $0xFFFFFF80  }
0x99: {  	[hbm4b:s15+s5] =	stream.linear.scatter [tilespmem:s26], [sflag:$0x4], $0xC80, $0x38;
	[tilespmem:$0xBD00] =	vst v63  }
0x9a: {  	_ =	swait.ge [sflag:s22], $0xC80  }
0x9b: {  	[sflag:s22] =	ssyncset.done $0x0  }
0x9c: {  	s16 =	rddreg [dreg:$0xa];
	[sflag:s22] =	ssyncadd.s32 $0xFFFFF380  }
0x9d: {  	[hbm4b:s16+s5] =	stream.linear.scatter [tilespmem:s28], [sflag:$0x4], $0xC80, $0x38;
	[tilespmem:$0xBD00] =	vst v63  }
0x9e: {  	_ =	swait.ge [sflag:s22], $0xC80  }
0x9f: {  	[sflag:s22] =	ssyncset.done $0x0  }
0xa0: {  	s17 =	rddreg [dreg:$0xb];
	[sflag:s22] =	ssyncadd.s32 $0xFFFFF380  }
0xa1: {  	[hbm4b:s17+s5] =	stream.linear.scatter [tilespmem:s29], [sflag:$0x4], $0xC80, $0x38;
	[tilespmem:$0xBD00] =	vst v63  }
0xa2: {  	_ =	swait.ge [sflag:s22], $0xC80  }
0xa3: {  	s11 =	simm.s32 @!p0 $0x300;
	[sflag:s22] =	ssyncset.done $0x0  }
0xa4: {  	s14 =	simm.s32 @!p0 $0xC80;
	s10 =	simm.s32 @!p0 $0x20;
	[sflag:s22] =	ssyncadd.s32 $0xFFFFF380  }
0xa5: {  	[tilespmem:s14], [sflag:$0x4] =	stream.indirect.gather @!p0 [hbm4b:s6+s10], $0x40, s11, s10, $0xb8;
	[tilespmem:$0xBD00] =	vst v63  }
0xa6: {  	s10 =	simm.s32 @!p0 $0x4  }
0xa7: {  	_ =	swait.ge @!p0 [sflag:s10], $0x800  }
0xa8: {  	[sflag:s10] =	ssyncset.done @!p0 $0x0  }
0xa9: {  	s11 =	simm.s32 @!p0 $0x0;
	s15 =	rddreg [dreg:$0xc];
	[sflag:s10] =	ssyncadd.s32 @!p0 $0xFFFFF800  }
0xaa: {  	[hbm4b:s15+s11] =	stream.linear.scatter @!p0 [tilespmem:s14], [sflag:$0x4], $0x800, $0x38;
	[tilespmem:$0xBD00] =	vst v63  }
0xab: {  	_ =	swait.ge @!p0 [sflag:s10], $0x800  }
0xac: {  	s8 =	sadd.s32 $0x1, s8;
	s18 =	rddreg [dreg:$0xd]  }
0xad: {  	p1 =	sne.s32 s8, s18  }
.Ltmp3:
0xae: {  	_ = 	snop;
	(pc) =	sbr.rel @p1 .LBB2_1-.Ltmp3, $3  }
0xaf: {  	_ =	sdelay $0x1  }
0xb0: {  	[sflag:s10] =	ssyncset.done @!p0 $0x0  }
0xb1: {  	[sflag:s10] =	ssyncadd.s32 @!p0 $0xFFFFF800  }
0xb2: {  	_ =	sfence.sel $0x180000  }
0xb3: {  	[bflag:$0x0] =	sbarrier.arrive $0xFFFF  }
0xb4: {  	_ =	strace $0x9000004A  }
0xb5: {  	s0 =	stileid.u32;
	[bflag:$0x2] =	sbarrier.arrive $0xFFFF  }
0xb6: {  	p0 =	sne.s32 s0, $0x0;
	s0 =	rddreg [dreg:$0x5]  }
0xb7: {  	s0 =	sadd.s32 @!p0 $0x100000, s0  }
0xb8: {  	[sflag:s0] =	ssyncadd.tile.s32 @!p0 $0x1;
	_ =	shalt  }
.Lfunc_end2:
_tile_overlayer_lowered:
.L_overlay_start_2:
0xb9: {  	(tag) =	ssettag $0x2  }
0xba: {  	s0 =	rddreg [dreg:$0x0];
	s2 =	stileid.u32  }
0xbb: {  	s1 =	rddreg [dreg:$0x1];
	p0 =	sne.s32 s2, $0x0  }
0xbc: {  	s3 =	rddreg [dreg:$0x2];
	[bflag:$0x3] =	sbarrier.arrive $0xFFFF;
	s2 =	simm.s32 @!p0 $0x1C04  }
0xbd: {  	[timem:s3], [sflag:s2] =	dma.local @!p0 [hbm:s0], s1  }
0xbe: {  	s0 =	simm.s32 @!p0 $0x4  }
0xbf: {  	_ =	swait.ge @!p0 [sflag:s0], s1  }
0xc0: {  	s1 =	ssub.s32 @!p0 $0x0, s1;
	[sflag:s0] =	ssyncset.done @!p0 $0x0  }
0xc1: {  	[sflag:s0] =	ssyncadd.s32 @!p0 s1  }
0xc2: {  	[bflag:$0x3] =	sbarrier.arrive $0xFFFF  }
0xc3: {  	_ =	shalt  }

</sc_bundles>
